<compile_context>
chip_gen: v7x
topology: tpu7x:2x2x1
jax: 0.10.2.dev20260603
libtpu: 0.0.44.dev20260713+nightly
codegen_flags: <defaults>
</compile_context>

<pallas_src>
import functools

import jax
import jax.numpy as jnp
from jax import lax
from jax.experimental import pallas as pl
from jax.experimental.pallas import tpu as pltpu
from jax.experimental.pallas import tpu_sc as plsc

B, P, L = 1024, 16, 3
E, H = 64, 64
NPATH = B * P
NCHUNK = 2
CPATH = NPATH // NCHUNK
CIDX = CPATH * L
CPAIR = CIDX // 2


_NC, _NS = 2, 16
NW = 24
PER_W = CIDX // NW
HALF_W = PER_W // 2
CH = 128
NCH = PER_W // CH
LANES = 16


def _sc_gather(table, idx1d):
    mesh = plsc.VectorSubcoreMesh(core_axis_name="c", subcore_axis_name="s")

    @functools.partial(
        pl.kernel,
        mesh=mesh,
        out_type=jax.ShapeDtypeStruct((CIDX, E), jnp.float32),
        scratch_types=[
            pltpu.VMEM((PER_W,), jnp.int32),
            pltpu.VMEM((PER_W,), jnp.int32),
            pltpu.VMEM((PER_W, E), jnp.float32),
            pltpu.SemaphoreType.DMA,
        ],
        compiler_params=pltpu.CompilerParams(use_tc_tiling_on_sc=False,
                                             needs_layout_passes=False),
    )
    def gather_k(table_hbm, idx_hbm, out_hbm, idx_v, idx2_v, rows_v, sem):
        wid = lax.axis_index("s") * _NC + lax.axis_index("c")

        @pl.when(wid < NW)
        def _():
            pltpu.sync_copy(idx_hbm.at[pl.ds(wid * PER_W, PER_W)], idx_v)
            lane = lax.iota(jnp.int32, LANES)
            for h in range(2):
                for k in range(HALF_W // LANES):
                    vals = idx_v[pl.ds(h * HALF_W + k * LANES, LANES)]
                    plsc.store_scatter(idx2_v, [2 * lane + 2 * k * LANES + h],
                                       vals)
            copies = []
            for j in range(NCH):
                copies.append(
                    pltpu.async_copy(
                        table_hbm.at[idx2_v.at[pl.ds(j * CH, CH)]],
                        rows_v.at[pl.ds(j * CH, CH)],
                        sem,
                    )
                )
            for c in copies:
                c.wait()
            pltpu.sync_copy(rows_v, out_hbm.at[pl.ds(wid * PER_W, PER_W)])

    return gather_k(table, idx1d)



BLKH = 1024
CPAIR_T = CPAIR // L
NPAIR_OUT = NPATH // 2


def _gru_body_first(x1_ref, x2_ref, x3_ref, wih_ref, whh_ref, bih_ref, bhh_ref,
                    out_ref):
    _gru_body(x1_ref, x2_ref, x3_ref, wih_ref, whh_ref, bih_ref, bhh_ref,
              None, out_ref)


def _gru_body(x1_ref, x2_ref, x3_ref, wih_ref, whh_ref, bih_ref, bhh_ref,
              prev_ref, out_ref):
    del prev_ref
    wih = wih_ref[...]
    whh = whh_ref[...]
    bih = bih_ref[...]
    bhh = bhh_ref[...]
    G = 2 * H

    def step(x, h):
        gi = jnp.dot(x, wih, preferred_element_type=jnp.float32) + bih
        gh = jnp.dot(h, whh, preferred_element_type=jnp.float32) + bhh
        r = jax.nn.sigmoid(gi[:, 0:G] + gh[:, 0:G])
        z = jax.nn.sigmoid(gi[:, G:2 * G] + gh[:, G:2 * G])
        n = jnp.tanh(gi[:, 2 * G:] + r * gh[:, 2 * G:])
        return (1.0 - z) * n + z * h

    h = jnp.zeros((BLKH, G), dtype=jnp.float32)
    h = step(x1_ref[...], h)
    h = step(x2_ref[...], h)
    h = step(x3_ref[...], h)
    S = HALF_W
    out_ref[...] = jnp.concatenate(
        [h[0:S, 0:H].T, h[0:S, H:2 * H].T,
         h[S:2 * S, 0:H].T, h[S:2 * S, H:2 * H].T], axis=1)


def _tc_gru_chunk(x_c, wih2, whh2, bih2, bhh2, prev, chunk):
    nblk = CPAIR_T // BLKH
    base = chunk * nblk
    in_specs = [
        pl.BlockSpec((BLKH, 2 * E), lambda i: (i, 0)),
        pl.BlockSpec((BLKH, 2 * E), lambda i: (i + CPAIR_T // BLKH, 0)),
        pl.BlockSpec((BLKH, 2 * E), lambda i: (i + 2 * (CPAIR_T // BLKH), 0)),
        pl.BlockSpec((2 * H, 6 * H), lambda i: (0, 0)),
        pl.BlockSpec((2 * H, 6 * H), lambda i: (0, 0)),
        pl.BlockSpec((1, 6 * H), lambda i: (0, 0)),
        pl.BlockSpec((1, 6 * H), lambda i: (0, 0)),
    ]
    args = [x_c, x_c, x_c, wih2, whh2, bih2, bhh2]
    aliases = {}
    body = _gru_body_first
    if prev is not None:
        in_specs.append(pl.BlockSpec(memory_space=pl.ANY))
        args.append(prev)
        aliases = {7: 0}
        body = _gru_body
    return pl.pallas_call(
        body,
        grid=(nblk,),
        in_specs=in_specs,
        out_specs=pl.BlockSpec((H, 2 * BLKH), lambda i, b=base: (0, i + b)),
        out_shape=jax.ShapeDtypeStruct((H, NPATH), jnp.float32),
        input_output_aliases=aliases,
        compiler_params=pltpu.CompilerParams(
            dimension_semantics=("arbitrary",),
        ),
    )(*args)


def _pair_weights(Wt):
    z = jnp.zeros((Wt.shape[0], H), dtype=Wt.dtype)
    cols = []
    for g in range(3):
        Wg = Wt[:, g * H:(g + 1) * H]
        cols.append(jnp.concatenate([jnp.concatenate([Wg, z], axis=1),
                                     jnp.concatenate([z, Wg], axis=1)], axis=0))
    return jnp.concatenate(cols, axis=1)


def _pair_bias(b):
    parts = []
    for g in range(3):
        bg = b[g * H:(g + 1) * H]
        parts.append(jnp.concatenate([bg, bg]))
    return jnp.concatenate(parts).reshape(1, 6 * H)


def kernel(support_path, support_pair, support_path_entity, support_relation_set,
           ent_emb_weight, rel_emb_weight, W_ih, W_hh, b_ih, b_hh):
    flat = support_path.reshape(NPATH, L).astype(jnp.int32)
    wih2 = _pair_weights(W_ih.T)
    whh2 = _pair_weights(W_hh.T)
    bih2 = _pair_bias(b_ih)
    bhh2 = _pair_bias(b_hh)

    idx_all = (flat.reshape(NCHUNK, CPATH, L).transpose(0, 2, 1)
               .reshape(NCHUNK, CIDX))
    out = None
    for c in range(NCHUNK):
        x_c = _sc_gather(rel_emb_weight, idx_all[c]).reshape(CPAIR, 2 * E)
        out = _tc_gru_chunk(x_c, wih2, whh2, bih2, bhh2, out, c)
    return out.T

# --- scband reference (transcript-rebuilt; emitter-appended) ---
"""Pipeline reference for scband-grus-1-26843545600090 (READ-ONLY COPY).

The authoritative reference and input builder live on the scoring server;
editing this copy changes nothing except your own understanding.
"""

import jax, jax.numpy as jnp
import numpy as np

B, P, L = 1024, 16, 3
NUM_ENT, NUM_REL = 100000, 1000
E, H = 64, 64


def setup_inputs(seed: int = 0) -> dict:
    key = jax.random.key(seed)
    ks = jax.random.split(key, 10)
    support_path = jax.random.randint(ks[0], (B, P, L), 0, NUM_REL - 1, dtype=jnp.int32).astype(jnp.int64)
    support_pair = jax.random.randint(ks[1], (B, 2), 0, NUM_ENT, dtype=jnp.int32).astype(jnp.int64)
    support_path_entity = jax.random.randint(ks[2], (B, P, L + 1), 0, NUM_ENT, dtype=jnp.int32).astype(jnp.int64)
    support_relation_set = jax.random.randint(ks[3], (B, 8), 0, NUM_REL - 1, dtype=jnp.int32).astype(jnp.int64)
    ent_emb_weight = jax.random.normal(ks[4], (NUM_ENT, E), dtype=jnp.float32) * 0.02
    rel_emb_weight = jax.random.normal(ks[5], (NUM_REL, E), dtype=jnp.float32) * 0.02
    W_ih = jax.random.normal(ks[6], (3 * H, E), dtype=jnp.float32) * 0.1
    W_hh = jax.random.normal(ks[7], (3 * H, H), dtype=jnp.float32) * 0.1
    b_ih = jnp.zeros((3 * H,), dtype=jnp.float32)
    b_hh = jnp.zeros((3 * H,), dtype=jnp.float32)
    return {
        'support_path': support_path,
        'support_pair': support_pair,
        'support_path_entity': support_path_entity,
        'support_relation_set': support_relation_set,
        'ent_emb_weight': ent_emb_weight,
        'rel_emb_weight': rel_emb_weight,
        'W_ih': W_ih,
        'W_hh': W_hh,
        'b_ih': b_ih,
        'b_hh': b_hh,
    }


def gru_cell(x, h, W_ih, W_hh, b_ih, b_hh):
    # PyTorch nn.GRUCell semantics; gate order r, z, n
    gi = x @ W_ih.T + b_ih
    gh = h @ W_hh.T + b_hh
    i_r, i_z, i_n = jnp.split(gi, 3, axis=-1)
    h_r, h_z, h_n = jnp.split(gh, 3, axis=-1)
    r = jax.nn.sigmoid(i_r + h_r)
    z = jax.nn.sigmoid(i_z + h_z)
    n = jnp.tanh(i_n + r * h_n)
    return (1.0 - z) * n + z * h


def reference(support_path, support_pair, support_path_entity, support_relation_set,
              ent_emb_weight, rel_emb_weight, W_ih, W_hh, b_ih, b_hh):
    # t_h = ent_emb(tail) - ent_emb(head); in the original module t_h_new is
    # overwritten with None before return, so this is dead code kept for fidelity
    head = support_pair[:, 0]
    tail = support_pair[:, 1]
    t_h = jnp.take(ent_emb_weight, tail, axis=0) - jnp.take(ent_emb_weight, head, axis=0)
    _ = t_h
    # All groups non-empty, every path has length L=3 -> lay == 3 branch for all,
    # tail_loc - 1 == 2 for every path. Padding with rel_pad never occurs since
    # all paths share the max length. Flatten the per-group python loop.
    flat = support_path.reshape(B * P, L)
    h0 = jnp.zeros((B * P, H), dtype=jnp.float32)
    x1 = jnp.take(rel_emb_weight, flat[:, 0], axis=0)
    update_emb1 = gru_cell(x1, h0, W_ih, W_hh, b_ih, b_hh)
    x2 = jnp.take(rel_emb_weight, flat[:, 1], axis=0)
    update_emb2 = gru_cell(x2, update_emb1, W_ih, W_hh, b_ih, b_hh)
    x3 = jnp.take(rel_emb_weight, flat[:, 2], axis=0)
    update_emb3 = gru_cell(x3, update_emb2, W_ih, W_hh, b_ih, b_hh)
    cat_emb = jnp.stack([update_emb1, update_emb2, update_emb3], axis=1)
    batch_idx = jnp.arange(B * P)
    tail_loc = jnp.full((B * P,), L - 1, dtype=jnp.int32)
    tail_emb_all = cat_emb[batch_idx, tail_loc]
    return tail_emb_all

if __name__ == "__main__":
    import jax
    _d = setup_inputs()
    print(jax.jit(kernel)(*tuple(_d.values())))

</pallas_src>

<mosaic_0001>
#map = affine_map<(d0, d1) -> (0, 0)>
#map1 = affine_map<(d0, d1) -> (0)>
module attributes {stable_mosaic.version = 14 : i64} {
  func.func @gather_k(%arg0: i32, %arg1: i32, %arg2: memref<1000x64xf32, #tpu.memory_space<hbm>>, %arg3: memref<24576xi32, #tpu.memory_space<hbm>>, %arg4: memref<24576x64xf32, #tpu.memory_space<hbm>>, %arg5: memref<1024xi32, #tpu.memory_space<vmem>>, %arg6: memref<1024xi32, #tpu.memory_space<vmem>>, %arg7: memref<1024x64xf32, #tpu.memory_space<vmem>>, %arg8: memref<!tpu.dma_semaphore, #tpu.memory_space<semaphore_mem>>) attributes {dimension_semantics = [#tpu.dimension_semantics<core_parallel>, #tpu.dimension_semantics<subcore_parallel>], iteration_bounds = array<i64: 2, 16>, scalar_prefetch = 0 : i64, scratch_operands = 4 : i64, tpu.core_type = #tpu.core_type<sc_vector_subcore>, window_params = [{transform_indices = #map}, {transform_indices = #map1}, {transform_indices = #map}]} {
    %mul3A = arith.constant 2 : i32
    %mul3A_0 = arith.muli %arg1, %mul3A : i32
    %add3A = arith.addi %mul3A_0, %arg0 : i32
    %lt3A = arith.constant 24 : i32
    %lt3A_1 = arith.cmpi slt, %add3A, %lt3A : i32
    %convert_element_type3A = arith.extui %lt3A_1 : i1 to i32
    %cond3A = arith.constant 0 : i32
    %cond3A_2 = arith.cmpi ne, %convert_element_type3A, %cond3A : i32
    scf.if %cond3A_2 {
      %mul3A_3 = arith.constant 1024 : i32
      %mul3A_4 = arith.muli %add3A, %mul3A_3 : i32
      "tpu.region"() ({
        %run_scoped3A = tpu.sem_alloc : memref<!tpu.dma_semaphore, #tpu.memory_space<semaphore_mem>>
        %dma_start3A_836 = tpu.memref_slice %arg3[%mul3A_4] : memref<24576xi32, #tpu.memory_space<hbm>> -> memref<1024xi32, #tpu.memory_space<hbm>>
        %dma_start3A_837 = tpu.memref_slice %arg3[%mul3A_4] : memref<24576xi32, #tpu.memory_space<hbm>> -> memref<1024xi32, #tpu.memory_space<hbm>>
        tpu.enqueue_dma source(%dma_start3A_837 : memref<1024xi32, #tpu.memory_space<hbm>>) target(%arg5 : memref<1024xi32, #tpu.memory_space<vmem>>) target_semaphore(%run_scoped3A : memref<!tpu.dma_semaphore, #tpu.memory_space<semaphore_mem>>)
        %dma_wait3A_838 = tpu.memref_slice %arg3[%mul3A_4] : memref<24576xi32, #tpu.memory_space<hbm>> -> memref<1024xi32, #tpu.memory_space<hbm>>
        %dma_wait3A_839 = tpu.memref_slice %arg3[%mul3A_4] : memref<24576xi32, #tpu.memory_space<hbm>> -> memref<1024xi32, #tpu.memory_space<hbm>>
        tpu.wait_dma2 semaphore(%run_scoped3A : memref<!tpu.dma_semaphore, #tpu.memory_space<semaphore_mem>>) src(%dma_wait3A_839 : memref<1024xi32, #tpu.memory_space<hbm>>) dst(%arg5 : memref<1024xi32, #tpu.memory_space<vmem>>)
        tpu.yield
      }) : () -> ()
      %iota3A = tpu.iota {dimensions = array<i32: 0>} : vector<16xi32>
      %get3A = arith.constant 0 : index
      %get3A_5 = tpu.vector_load %arg5[%get3A] {strides = array<i32>} : memref<1024xi32, #tpu.memory_space<vmem>>, vector<16xi32>,
      %mul3A_6 = arith.constant 2 : i32
      %mul3A_7 = vector.broadcast %mul3A_6 : i32 to vector<16xi32>
      %mul3A_8 = arith.muli %mul3A_7, %iota3A : vector<16xi32>
      %add3A_9 = arith.constant 0 : i32
      %add3A_10 = vector.broadcast %add3A_9 : i32 to vector<16xi32>
      %add3A_11 = arith.addi %mul3A_8, %add3A_10 : vector<16xi32>
      %add3A_12 = arith.constant 0 : i32
      %add3A_13 = vector.broadcast %add3A_12 : i32 to vector<16xi32>
      %add3A_14 = arith.addi %add3A_11, %add3A_13 : vector<16xi32>
      tpu.vector_store_idx %arg6[%add3A_14], %get3A_5 : memref<1024xi32, #tpu.memory_space<vmem>>[vector<16xi32>], vector<16xi32>,
      %get3A_15 = arith.constant 16 : index
      %get3A_16 = tpu.vector_load %arg5[%get3A_15] {strides = array<i32>} : memref<1024xi32, #tpu.memory_space<vmem>>, vector<16xi32>,
      %mul3A_17 = arith.constant 2 : i32
      %mul3A_18 = vector.broadcast %mul3A_17 : i32 to vector<16xi32>
      %mul3A_19 = arith.muli %mul3A_18, %iota3A : vector<16xi32>
      %add3A_20 = arith.constant 32 : i32
      %add3A_21 = vector.broadcast %add3A_20 : i32 to vector<16xi32>
      %add3A_22 = arith.addi %mul3A_19, %add3A_21 : vector<16xi32>
      %add3A_23 = arith.constant 0 : i32
      %add3A_24 = vector.broadcast %add3A_23 : i32 to vector<16xi32>
      %add3A_25 = arith.addi %add3A_22, %add3A_24 : vector<16xi32>
      tpu.vector_store_idx %arg6[%add3A_25], %get3A_16 : memref<1024xi32, #tpu.memory_space<vmem>>[vector<16xi32>], vector<16xi32>,
      %get3A_26 = arith.constant 32 : index
      %get3A_27 = tpu.vector_load %arg5[%get3A_26] {strides = array<i32>} : memref<1024xi32, #tpu.memory_space<vmem>>, vector<16xi32>,
      %mul3A_28 = arith.constant 2 : i32
      %mul3A_29 = vector.broadcast %mul3A_28 : i32 to vector<16xi32>
      %mul3A_30 = arith.muli %mul3A_29, %iota3A : vector<16xi32>
      %add3A_31 = arith.constant 64 : i32
      %add3A_32 = vector.broadcast %add3A_31 : i32 to vector<16xi32>
      %add3A_33 = arith.addi %mul3A_30, %add3A_32 : vector<16xi32>
      %add3A_34 = arith.constant 0 : i32
      %add3A_35 = vector.broadcast %add3A_34 : i32 to vector<16xi32>
      %add3A_36 = arith.addi %add3A_33, %add3A_35 : vector<16xi32>
      tpu.vector_store_idx %arg6[%add3A_36], %get3A_27 : memref<1024xi32, #tpu.memory_space<vmem>>[vector<16xi32>], vector<16xi32>,
      %get3A_37 = arith.constant 48 : index
      %get3A_38 = tpu.vector_load %arg5[%get3A_37] {strides = array<i32>} : memref<1024xi32, #tpu.memory_space<vmem>>, vector<16xi32>,
      %mul3A_39 = arith.constant 2 : i32
      %mul3A_40 = vector.broadcast %mul3A_39 : i32 to vector<16xi32>
      %mul3A_41 = arith.muli %mul3A_40, %iota3A : vector<16xi32>
      %add3A_42 = arith.constant 96 : i32
      %add3A_43 = vector.broadcast %add3A_42 : i32 to vector<16xi32>
      %add3A_44 = arith.addi %mul3A_41, %add3A_43 : vector<16xi32>
      %add3A_45 = arith.constant 0 : i32
      %add3A_46 = vector.broadcast %add3A_45 : i32 to vector<16xi32>
      %add3A_47 = arith.addi %add3A_44, %add3A_46 : vector<16xi32>
      tpu.vector_store_idx %arg6[%add3A_47], %get3A_38 : memref<1024xi32, #tpu.memory_space<vmem>>[vector<16xi32>], vector<16xi32>,
      %get3A_48 = arith.constant 64 : index
      %get3A_49 = tpu.vector_load %arg5[%get3A_48] {strides = array<i32>} : memref<1024xi32, #tpu.memory_space<vmem>>, vector<16xi32>,
      %mul3A_50 = arith.constant 2 : i32
      %mul3A_51 = vector.broadcast %mul3A_50 : i32 to vector<16xi32>
      %mul3A_52 = arith.muli %mul3A_51, %iota3A : vector<16xi32>
      %add3A_53 = arith.constant 128 : i32
      %add3A_54 = vector.broadcast %add3A_53 : i32 to vector<16xi32>
      %add3A_55 = arith.addi %mul3A_52, %add3A_54 : vector<16xi32>
      %add3A_56 = arith.constant 0 : i32
      %add3A_57 = vector.broadcast %add3A_56 : i32 to vector<16xi32>
      %add3A_58 = arith.addi %add3A_55, %add3A_57 : vector<16xi32>
      tpu.vector_store_idx %arg6[%add3A_58], %get3A_49 : memref<1024xi32, #tpu.memory_space<vmem>>[vector<16xi32>], vector<16xi32>,
      %get3A_59 = arith.constant 80 : index
      %get3A_60 = tpu.vector_load %arg5[%get3A_59] {strides = array<i32>} : memref<1024xi32, #tpu.memory_space<vmem>>, vector<16xi32>,
      %mul3A_61 = arith.constant 2 : i32
      %mul3A_62 = vector.broadcast %mul3A_61 : i32 to vector<16xi32>
      %mul3A_63 = arith.muli %mul3A_62, %iota3A : vector<16xi32>
      %add3A_64 = arith.constant 160 : i32
      %add3A_65 = vector.broadcast %add3A_64 : i32 to vector<16xi32>
      %add3A_66 = arith.addi %mul3A_63, %add3A_65 : vector<16xi32>
      %add3A_67 = arith.constant 0 : i32
      %add3A_68 = vector.broadcast %add3A_67 : i32 to vector<16xi32>
      %add3A_69 = arith.addi %add3A_66, %add3A_68 : vector<16xi32>
      tpu.vector_store_idx %arg6[%add3A_69], %get3A_60 : memref<1024xi32, #tpu.memory_space<vmem>>[vector<16xi32>], vector<16xi32>,
      %get3A_70 = arith.constant 96 : index
      %get3A_71 = tpu.vector_load %arg5[%get3A_70] {strides = array<i32>} : memref<1024xi32, #tpu.memory_space<vmem>>, vector<16xi32>,
      %mul3A_72 = arith.constant 2 : i32
      %mul3A_73 = vector.broadcast %mul3A_72 : i32 to vector<16xi32>
      %mul3A_74 = arith.muli %mul3A_73, %iota3A : vector<16xi32>
      %add3A_75 = arith.constant 192 : i32
      %add3A_76 = vector.broadcast %add3A_75 : i32 to vector<16xi32>
      %add3A_77 = arith.addi %mul3A_74, %add3A_76 : vector<16xi32>
      %add3A_78 = arith.constant 0 : i32
      %add3A_79 = vector.broadcast %add3A_78 : i32 to vector<16xi32>
      %add3A_80 = arith.addi %add3A_77, %add3A_79 : vector<16xi32>
      tpu.vector_store_idx %arg6[%add3A_80], %get3A_71 : memref<1024xi32, #tpu.memory_space<vmem>>[vector<16xi32>], vector<16xi32>,
      %get3A_81 = arith.constant 112 : index
      %get3A_82 = tpu.vector_load %arg5[%get3A_81] {strides = array<i32>} : memref<1024xi32, #tpu.memory_space<vmem>>, vector<16xi32>,
      %mul3A_83 = arith.constant 2 : i32
      %mul3A_84 = vector.broadcast %mul3A_83 : i32 to vector<16xi32>
      %mul3A_85 = arith.muli %mul3A_84, %iota3A : vector<16xi32>
      %add3A_86 = arith.constant 224 : i32
      %add3A_87 = vector.broadcast %add3A_86 : i32 to vector<16xi32>
      %add3A_88 = arith.addi %mul3A_85, %add3A_87 : vector<16xi32>
      %add3A_89 = arith.constant 0 : i32
      %add3A_90 = vector.broadcast %add3A_89 : i32 to vector<16xi32>
      %add3A_91 = arith.addi %add3A_88, %add3A_90 : vector<16xi32>
      tpu.vector_store_idx %arg6[%add3A_91], %get3A_82 : memref<1024xi32, #tpu.memory_space<vmem>>[vector<16xi32>], vector<16xi32>,
      %get3A_92 = arith.constant 128 : index
      %get3A_93 = tpu.vector_load %arg5[%get3A_92] {strides = array<i32>} : memref<1024xi32, #tpu.memory_space<vmem>>, vector<16xi32>,
      %mul3A_94 = arith.constant 2 : i32
      %mul3A_95 = vector.broadcast %mul3A_94 : i32 to vector<16xi32>
      %mul3A_96 = arith.muli %mul3A_95, %iota3A : vector<16xi32>
      %add3A_97 = arith.constant 256 : i32
      %add3A_98 = vector.broadcast %add3A_97 : i32 to vector<16xi32>
      %add3A_99 = arith.addi %mul3A_96, %add3A_98 : vector<16xi32>
      %add3A_100 = arith.constant 0 : i32
      %add3A_101 = vector.broadcast %add3A_100 : i32 to vector<16xi32>
      %add3A_102 = arith.addi %add3A_99, %add3A_101 : vector<16xi32>
      tpu.vector_store_idx %arg6[%add3A_102], %get3A_93 : memref<1024xi32, #tpu.memory_space<vmem>>[vector<16xi32>], vector<16xi32>,
      %get3A_103 = arith.constant 144 : index
      %get3A_104 = tpu.vector_load %arg5[%get3A_103] {strides = array<i32>} : memref<1024xi32, #tpu.memory_space<vmem>>, vector<16xi32>,
      %mul3A_105 = arith.constant 2 : i32
      %mul3A_106 = vector.broadcast %mul3A_105 : i32 to vector<16xi32>
      %mul3A_107 = arith.muli %mul3A_106, %iota3A : vector<16xi32>
      %add3A_108 = arith.constant 288 : i32
      %add3A_109 = vector.broadcast %add3A_108 : i32 to vector<16xi32>
      %add3A_110 = arith.addi %mul3A_107, %add3A_109 : vector<16xi32>
      %add3A_111 = arith.constant 0 : i32
      %add3A_112 = vector.broadcast %add3A_111 : i32 to vector<16xi32>
      %add3A_113 = arith.addi %add3A_110, %add3A_112 : vector<16xi32>
      tpu.vector_store_idx %arg6[%add3A_113], %get3A_104 : memref<1024xi32, #tpu.memory_space<vmem>>[vector<16xi32>], vector<16xi32>,
      %get3A_114 = arith.constant 160 : index
      %get3A_115 = tpu.vector_load %arg5[%get3A_114] {strides = array<i32>} : memref<1024xi32, #tpu.memory_space<vmem>>, vector<16xi32>,
      %mul3A_116 = arith.constant 2 : i32
      %mul3A_117 = vector.broadcast %mul3A_116 : i32 to vector<16xi32>
      %mul3A_118 = arith.muli %mul3A_117, %iota3A : vector<16xi32>
      %add3A_119 = arith.constant 320 : i32
      %add3A_120 = vector.broadcast %add3A_119 : i32 to vector<16xi32>
      %add3A_121 = arith.addi %mul3A_118, %add3A_120 : vector<16xi32>
      %add3A_122 = arith.constant 0 : i32
      %add3A_123 = vector.broadcast %add3A_122 : i32 to vector<16xi32>
      %add3A_124 = arith.addi %add3A_121, %add3A_123 : vector<16xi32>
      tpu.vector_store_idx %arg6[%add3A_124], %get3A_115 : memref<1024xi32, #tpu.memory_space<vmem>>[vector<16xi32>], vector<16xi32>,
      %get3A_125 = arith.constant 176 : index
      %get3A_126 = tpu.vector_load %arg5[%get3A_125] {strides = array<i32>} : memref<1024xi32, #tpu.memory_space<vmem>>, vector<16xi32>,
      %mul3A_127 = arith.constant 2 : i32
      %mul3A_128 = vector.broadcast %mul3A_127 : i32 to vector<16xi32>
      %mul3A_129 = arith.muli %mul3A_128, %iota3A : vector<16xi32>
      %add3A_130 = arith.constant 352 : i32
      %add3A_131 = vector.broadcast %add3A_130 : i32 to vector<16xi32>
      %add3A_132 = arith.addi %mul3A_129, %add3A_131 : vector<16xi32>
      %add3A_133 = arith.constant 0 : i32
      %add3A_134 = vector.broadcast %add3A_133 : i32 to vector<16xi32>
      %add3A_135 = arith.addi %add3A_132, %add3A_134 : vector<16xi32>
      tpu.vector_store_idx %arg6[%add3A_135], %get3A_126 : memref<1024xi32, #tpu.memory_space<vmem>>[vector<16xi32>], vector<16xi32>,
      %get3A_136 = arith.constant 192 : index
      %get3A_137 = tpu.vector_load %arg5[%get3A_136] {strides = array<i32>} : memref<1024xi32, #tpu.memory_space<vmem>>, vector<16xi32>,
      %mul3A_138 = arith.constant 2 : i32
      %mul3A_139 = vector.broadcast %mul3A_138 : i32 to vector<16xi32>
      %mul3A_140 = arith.muli %mul3A_139, %iota3A : vector<16xi32>
      %add3A_141 = arith.constant 384 : i32
      %add3A_142 = vector.broadcast %add3A_141 : i32 to vector<16xi32>
      %add3A_143 = arith.addi %mul3A_140, %add3A_142 : vector<16xi32>
      %add3A_144 = arith.constant 0 : i32
      %add3A_145 = vector.broadcast %add3A_144 : i32 to vector<16xi32>
      %add3A_146 = arith.addi %add3A_143, %add3A_145 : vector<16xi32>
      tpu.vector_store_idx %arg6[%add3A_146], %get3A_137 : memref<1024xi32, #tpu.memory_space<vmem>>[vector<16xi32>], vector<16xi32>,
      %get3A_147 = arith.constant 208 : index
      %get3A_148 = tpu.vector_load %arg5[%get3A_147] {strides = array<i32>} : memref<1024xi32, #tpu.memory_space<vmem>>, vector<16xi32>,
      %mul3A_149 = arith.constant 2 : i32
      %mul3A_150 = vector.broadcast %mul3A_149 : i32 to vector<16xi32>
      %mul3A_151 = arith.muli %mul3A_150, %iota3A : vector<16xi32>
      %add3A_152 = arith.constant 416 : i32
      %add3A_153 = vector.broadcast %add3A_152 : i32 to vector<16xi32>
      %add3A_154 = arith.addi %mul3A_151, %add3A_153 : vector<16xi32>
      %add3A_155 = arith.constant 0 : i32
      %add3A_156 = vector.broadcast %add3A_155 : i32 to vector<16xi32>
      %add3A_157 = arith.addi %add3A_154, %add3A_156 : vector<16xi32>
      tpu.vector_store_idx %arg6[%add3A_157], %get3A_148 : memref<1024xi32, #tpu.memory_space<vmem>>[vector<16xi32>], vector<16xi32>,
      %get3A_158 = arith.constant 224 : index
      %get3A_159 = tpu.vector_load %arg5[%get3A_158] {strides = array<i32>} : memref<1024xi32, #tpu.memory_space<vmem>>, vector<16xi32>,
      %mul3A_160 = arith.constant 2 : i32
      %mul3A_161 = vector.broadcast %mul3A_160 : i32 to vector<16xi32>
      %mul3A_162 = arith.muli %mul3A_161, %iota3A : vector<16xi32>
      %add3A_163 = arith.constant 448 : i32
      %add3A_164 = vector.broadcast %add3A_163 : i32 to vector<16xi32>
      %add3A_165 = arith.addi %mul3A_162, %add3A_164 : vector<16xi32>
      %add3A_166 = arith.constant 0 : i32
      %add3A_167 = vector.broadcast %add3A_166 : i32 to vector<16xi32>
      %add3A_168 = arith.addi %add3A_165, %add3A_167 : vector<16xi32>
      tpu.vector_store_idx %arg6[%add3A_168], %get3A_159 : memref<1024xi32, #tpu.memory_space<vmem>>[vector<16xi32>], vector<16xi32>,
      %get3A_169 = arith.constant 240 : index
      %get3A_170 = tpu.vector_load %arg5[%get3A_169] {strides = array<i32>} : memref<1024xi32, #tpu.memory_space<vmem>>, vector<16xi32>,
      %mul3A_171 = arith.constant 2 : i32
      %mul3A_172 = vector.broadcast %mul3A_171 : i32 to vector<16xi32>
      %mul3A_173 = arith.muli %mul3A_172, %iota3A : vector<16xi32>
      %add3A_174 = arith.constant 480 : i32
      %add3A_175 = vector.broadcast %add3A_174 : i32 to vector<16xi32>
      %add3A_176 = arith.addi %mul3A_173, %add3A_175 : vector<16xi32>
      %add3A_177 = arith.constant 0 : i32
      %add3A_178 = vector.broadcast %add3A_177 : i32 to vector<16xi32>
      %add3A_179 = arith.addi %add3A_176, %add3A_178 : vector<16xi32>
      tpu.vector_store_idx %arg6[%add3A_179], %get3A_170 : memref<1024xi32, #tpu.memory_space<vmem>>[vector<16xi32>], vector<16xi32>,
      %get3A_180 = arith.constant 256 : index
      %get3A_181 = tpu.vector_load %arg5[%get3A_180] {strides = array<i32>} : memref<1024xi32, #tpu.memory_space<vmem>>, vector<16xi32>,
      %mul3A_182 = arith.constant 2 : i32
      %mul3A_183 = vector.broadcast %mul3A_182 : i32 to vector<16xi32>
      %mul3A_184 = arith.muli %mul3A_183, %iota3A : vector<16xi32>
      %add3A_185 = arith.constant 512 : i32
      %add3A_186 = vector.broadcast %add3A_185 : i32 to vector<16xi32>
      %add3A_187 = arith.addi %mul3A_184, %add3A_186 : vector<16xi32>
      %add3A_188 = arith.constant 0 : i32
      %add3A_189 = vector.broadcast %add3A_188 : i32 to vector<16xi32>
      %add3A_190 = arith.addi %add3A_187, %add3A_189 : vector<16xi32>
      tpu.vector_store_idx %arg6[%add3A_190], %get3A_181 : memref<1024xi32, #tpu.memory_space<vmem>>[vector<16xi32>], vector<16xi32>,
      %get3A_191 = arith.constant 272 : index
      %get3A_192 = tpu.vector_load %arg5[%get3A_191] {strides = array<i32>} : memref<1024xi32, #tpu.memory_space<vmem>>, vector<16xi32>,
      %mul3A_193 = arith.constant 2 : i32
      %mul3A_194 = vector.broadcast %mul3A_193 : i32 to vector<16xi32>
      %mul3A_195 = arith.muli %mul3A_194, %iota3A : vector<16xi32>
      %add3A_196 = arith.constant 544 : i32
      %add3A_197 = vector.broadcast %add3A_196 : i32 to vector<16xi32>
      %add3A_198 = arith.addi %mul3A_195, %add3A_197 : vector<16xi32>
      %add3A_199 = arith.constant 0 : i32
      %add3A_200 = vector.broadcast %add3A_199 : i32 to vector<16xi32>
      %add3A_201 = arith.addi %add3A_198, %add3A_200 : vector<16xi32>
      tpu.vector_store_idx %arg6[%add3A_201], %get3A_192 : memref<1024xi32, #tpu.memory_space<vmem>>[vector<16xi32>], vector<16xi32>,
      %get3A_202 = arith.constant 288 : index
      %get3A_203 = tpu.vector_load %arg5[%get3A_202] {strides = array<i32>} : memref<1024xi32, #tpu.memory_space<vmem>>, vector<16xi32>,
      %mul3A_204 = arith.constant 2 : i32
      %mul3A_205 = vector.broadcast %mul3A_204 : i32 to vector<16xi32>
      %mul3A_206 = arith.muli %mul3A_205, %iota3A : vector<16xi32>
      %add3A_207 = arith.constant 576 : i32
      %add3A_208 = vector.broadcast %add3A_207 : i32 to vector<16xi32>
      %add3A_209 = arith.addi %mul3A_206, %add3A_208 : vector<16xi32>
      %add3A_210 = arith.constant 0 : i32
      %add3A_211 = vector.broadcast %add3A_210 : i32 to vector<16xi32>
      %add3A_212 = arith.addi %add3A_209, %add3A_211 : vector<16xi32>
      tpu.vector_store_idx %arg6[%add3A_212], %get3A_203 : memref<1024xi32, #tpu.memory_space<vmem>>[vector<16xi32>], vector<16xi32>,
      %get3A_213 = arith.constant 304 : index
      %get3A_214 = tpu.vector_load %arg5[%get3A_213] {strides = array<i32>} : memref<1024xi32, #tpu.memory_space<vmem>>, vector<16xi32>,
      %mul3A_215 = arith.constant 2 : i32
      %mul3A_216 = vector.broadcast %mul3A_215 : i32 to vector<16xi32>
      %mul3A_217 = arith.muli %mul3A_216, %iota3A : vector<16xi32>
      %add3A_218 = arith.constant 608 : i32
      %add3A_219 = vector.broadcast %add3A_218 : i32 to vector<16xi32>
      %add3A_220 = arith.addi %mul3A_217, %add3A_219 : vector<16xi32>
      %add3A_221 = arith.constant 0 : i32
      %add3A_222 = vector.broadcast %add3A_221 : i32 to vector<16xi32>
      %add3A_223 = arith.addi %add3A_220, %add3A_222 : vector<16xi32>
      tpu.vector_store_idx %arg6[%add3A_223], %get3A_214 : memref<1024xi32, #tpu.memory_space<vmem>>[vector<16xi32>], vector<16xi32>,
      %get3A_224 = arith.constant 320 : index
      %get3A_225 = tpu.vector_load %arg5[%get3A_224] {strides = array<i32>} : memref<1024xi32, #tpu.memory_space<vmem>>, vector<16xi32>,
      %mul3A_226 = arith.constant 2 : i32
      %mul3A_227 = vector.broadcast %mul3A_226 : i32 to vector<16xi32>
      %mul3A_228 = arith.muli %mul3A_227, %iota3A : vector<16xi32>
      %add3A_229 = arith.constant 640 : i32
      %add3A_230 = vector.broadcast %add3A_229 : i32 to vector<16xi32>
      %add3A_231 = arith.addi %mul3A_228, %add3A_230 : vector<16xi32>
      %add3A_232 = arith.constant 0 : i32
      %add3A_233 = vector.broadcast %add3A_232 : i32 to vector<16xi32>
      %add3A_234 = arith.addi %add3A_231, %add3A_233 : vector<16xi32>
      tpu.vector_store_idx %arg6[%add3A_234], %get3A_225 : memref<1024xi32, #tpu.memory_space<vmem>>[vector<16xi32>], vector<16xi32>,
      %get3A_235 = arith.constant 336 : index
      %get3A_236 = tpu.vector_load %arg5[%get3A_235] {strides = array<i32>} : memref<1024xi32, #tpu.memory_space<vmem>>, vector<16xi32>,
      %mul3A_237 = arith.constant 2 : i32
      %mul3A_238 = vector.broadcast %mul3A_237 : i32 to vector<16xi32>
      %mul3A_239 = arith.muli %mul3A_238, %iota3A : vector<16xi32>
      %add3A_240 = arith.constant 672 : i32
      %add3A_241 = vector.broadcast %add3A_240 : i32 to vector<16xi32>
      %add3A_242 = arith.addi %mul3A_239, %add3A_241 : vector<16xi32>
      %add3A_243 = arith.constant 0 : i32
      %add3A_244 = vector.broadcast %add3A_243 : i32 to vector<16xi32>
      %add3A_245 = arith.addi %add3A_242, %add3A_244 : vector<16xi32>
      tpu.vector_store_idx %arg6[%add3A_245], %get3A_236 : memref<1024xi32, #tpu.memory_space<vmem>>[vector<16xi32>], vector<16xi32>,
      %get3A_246 = arith.constant 352 : index
      %get3A_247 = tpu.vector_load %arg5[%get3A_246] {strides = array<i32>} : memref<1024xi32, #tpu.memory_space<vmem>>, vector<16xi32>,
      %mul3A_248 = arith.constant 2 : i32
      %mul3A_249 = vector.broadcast %mul3A_248 : i32 to vector<16xi32>
      %mul3A_250 = arith.muli %mul3A_249, %iota3A : vector<16xi32>
      %add3A_251 = arith.constant 704 : i32
      %add3A_252 = vector.broadcast %add3A_251 : i32 to vector<16xi32>
      %add3A_253 = arith.addi %mul3A_250, %add3A_252 : vector<16xi32>
      %add3A_254 = arith.constant 0 : i32
      %add3A_255 = vector.broadcast %add3A_254 : i32 to vector<16xi32>
      %add3A_256 = arith.addi %add3A_253, %add3A_255 : vector<16xi32>
      tpu.vector_store_idx %arg6[%add3A_256], %get3A_247 : memref<1024xi32, #tpu.memory_space<vmem>>[vector<16xi32>], vector<16xi32>,
      %get3A_257 = arith.constant 368 : index
      %get3A_258 = tpu.vector_load %arg5[%get3A_257] {strides = array<i32>} : memref<1024xi32, #tpu.memory_space<vmem>>, vector<16xi32>,
      %mul3A_259 = arith.constant 2 : i32
      %mul3A_260 = vector.broadcast %mul3A_259 : i32 to vector<16xi32>
      %mul3A_261 = arith.muli %mul3A_260, %iota3A : vector<16xi32>
      %add3A_262 = arith.constant 736 : i32
      %add3A_263 = vector.broadcast %add3A_262 : i32 to vector<16xi32>
      %add3A_264 = arith.addi %mul3A_261, %add3A_263 : vector<16xi32>
      %add3A_265 = arith.constant 0 : i32
      %add3A_266 = vector.broadcast %add3A_265 : i32 to vector<16xi32>
      %add3A_267 = arith.addi %add3A_264, %add3A_266 : vector<16xi32>
      tpu.vector_store_idx %arg6[%add3A_267], %get3A_258 : memref<1024xi32, #tpu.memory_space<vmem>>[vector<16xi32>], vector<16xi32>,
      %get3A_268 = arith.constant 384 : index
      %get3A_269 = tpu.vector_load %arg5[%get3A_268] {strides = array<i32>} : memref<1024xi32, #tpu.memory_space<vmem>>, vector<16xi32>,
      %mul3A_270 = arith.constant 2 : i32
      %mul3A_271 = vector.broadcast %mul3A_270 : i32 to vector<16xi32>
      %mul3A_272 = arith.muli %mul3A_271, %iota3A : vector<16xi32>
      %add3A_273 = arith.constant 768 : i32
      %add3A_274 = vector.broadcast %add3A_273 : i32 to vector<16xi32>
      %add3A_275 = arith.addi %mul3A_272, %add3A_274 : vector<16xi32>
      %add3A_276 = arith.constant 0 : i32
      %add3A_277 = vector.broadcast %add3A_276 : i32 to vector<16xi32>
      %add3A_278 = arith.addi %add3A_275, %add3A_277 : vector<16xi32>
      tpu.vector_store_idx %arg6[%add3A_278], %get3A_269 : memref<1024xi32, #tpu.memory_space<vmem>>[vector<16xi32>], vector<16xi32>,
      %get3A_279 = arith.constant 400 : index
      %get3A_280 = tpu.vector_load %arg5[%get3A_279] {strides = array<i32>} : memref<1024xi32, #tpu.memory_space<vmem>>, vector<16xi32>,
      %mul3A_281 = arith.constant 2 : i32
      %mul3A_282 = vector.broadcast %mul3A_281 : i32 to vector<16xi32>
      %mul3A_283 = arith.muli %mul3A_282, %iota3A : vector<16xi32>
      %add3A_284 = arith.constant 800 : i32
      %add3A_285 = vector.broadcast %add3A_284 : i32 to vector<16xi32>
      %add3A_286 = arith.addi %mul3A_283, %add3A_285 : vector<16xi32>
      %add3A_287 = arith.constant 0 : i32
      %add3A_288 = vector.broadcast %add3A_287 : i32 to vector<16xi32>
      %add3A_289 = arith.addi %add3A_286, %add3A_288 : vector<16xi32>
      tpu.vector_store_idx %arg6[%add3A_289], %get3A_280 : memref<1024xi32, #tpu.memory_space<vmem>>[vector<16xi32>], vector<16xi32>,
      %get3A_290 = arith.constant 416 : index
      %get3A_291 = tpu.vector_load %arg5[%get3A_290] {strides = array<i32>} : memref<1024xi32, #tpu.memory_space<vmem>>, vector<16xi32>,
      %mul3A_292 = arith.constant 2 : i32
      %mul3A_293 = vector.broadcast %mul3A_292 : i32 to vector<16xi32>
      %mul3A_294 = arith.muli %mul3A_293, %iota3A : vector<16xi32>
      %add3A_295 = arith.constant 832 : i32
      %add3A_296 = vector.broadcast %add3A_295 : i32 to vector<16xi32>
      %add3A_297 = arith.addi %mul3A_294, %add3A_296 : vector<16xi32>
      %add3A_298 = arith.constant 0 : i32
      %add3A_299 = vector.broadcast %add3A_298 : i32 to vector<16xi32>
      %add3A_300 = arith.addi %add3A_297, %add3A_299 : vector<16xi32>
      tpu.vector_store_idx %arg6[%add3A_300], %get3A_291 : memref<1024xi32, #tpu.memory_space<vmem>>[vector<16xi32>], vector<16xi32>,
      %get3A_301 = arith.constant 432 : index
      %get3A_302 = tpu.vector_load %arg5[%get3A_301] {strides = array<i32>} : memref<1024xi32, #tpu.memory_space<vmem>>, vector<16xi32>,
      %mul3A_303 = arith.constant 2 : i32
      %mul3A_304 = vector.broadcast %mul3A_303 : i32 to vector<16xi32>
      %mul3A_305 = arith.muli %mul3A_304, %iota3A : vector<16xi32>
      %add3A_306 = arith.constant 864 : i32
      %add3A_307 = vector.broadcast %add3A_306 : i32 to vector<16xi32>
      %add3A_308 = arith.addi %mul3A_305, %add3A_307 : vector<16xi32>
      %add3A_309 = arith.constant 0 : i32
      %add3A_310 = vector.broadcast %add3A_309 : i32 to vector<16xi32>
      %add3A_311 = arith.addi %add3A_308, %add3A_310 : vector<16xi32>
      tpu.vector_store_idx %arg6[%add3A_311], %get3A_302 : memref<1024xi32, #tpu.memory_space<vmem>>[vector<16xi32>], vector<16xi32>,
      %get3A_312 = arith.constant 448 : index
      %get3A_313 = tpu.vector_load %arg5[%get3A_312] {strides = array<i32>} : memref<1024xi32, #tpu.memory_space<vmem>>, vector<16xi32>,
      %mul3A_314 = arith.constant 2 : i32
      %mul3A_315 = vector.broadcast %mul3A_314 : i32 to vector<16xi32>
      %mul3A_316 = arith.muli %mul3A_315, %iota3A : vector<16xi32>
      %add3A_317 = arith.constant 896 : i32
      %add3A_318 = vector.broadcast %add3A_317 : i32 to vector<16xi32>
      %add3A_319 = arith.addi %mul3A_316, %add3A_318 : vector<16xi32>
      %add3A_320 = arith.constant 0 : i32
      %add3A_321 = vector.broadcast %add3A_320 : i32 to vector<16xi32>
      %add3A_322 = arith.addi %add3A_319, %add3A_321 : vector<16xi32>
      tpu.vector_store_idx %arg6[%add3A_322], %get3A_313 : memref<1024xi32, #tpu.memory_space<vmem>>[vector<16xi32>], vector<16xi32>,
      %get3A_323 = arith.constant 464 : index
      %get3A_324 = tpu.vector_load %arg5[%get3A_323] {strides = array<i32>} : memref<1024xi32, #tpu.memory_space<vmem>>, vector<16xi32>,
      %mul3A_325 = arith.constant 2 : i32
      %mul3A_326 = vector.broadcast %mul3A_325 : i32 to vector<16xi32>
      %mul3A_327 = arith.muli %mul3A_326, %iota3A : vector<16xi32>
      %add3A_328 = arith.constant 928 : i32
      %add3A_329 = vector.broadcast %add3A_328 : i32 to vector<16xi32>
      %add3A_330 = arith.addi %mul3A_327, %add3A_329 : vector<16xi32>
      %add3A_331 = arith.constant 0 : i32
      %add3A_332 = vector.broadcast %add3A_331 : i32 to vector<16xi32>
      %add3A_333 = arith.addi %add3A_330, %add3A_332 : vector<16xi32>
      tpu.vector_store_idx %arg6[%add3A_333], %get3A_324 : memref<1024xi32, #tpu.memory_space<vmem>>[vector<16xi32>], vector<16xi32>,
      %get3A_334 = arith.constant 480 : index
      %get3A_335 = tpu.vector_load %arg5[%get3A_334] {strides = array<i32>} : memref<1024xi32, #tpu.memory_space<vmem>>, vector<16xi32>,
      %mul3A_336 = arith.constant 2 : i32
      %mul3A_337 = vector.broadcast %mul3A_336 : i32 to vector<16xi32>
      %mul3A_338 = arith.muli %mul3A_337, %iota3A : vector<16xi32>
      %add3A_339 = arith.constant 960 : i32
      %add3A_340 = vector.broadcast %add3A_339 : i32 to vector<16xi32>
      %add3A_341 = arith.addi %mul3A_338, %add3A_340 : vector<16xi32>
      %add3A_342 = arith.constant 0 : i32
      %add3A_343 = vector.broadcast %add3A_342 : i32 to vector<16xi32>
      %add3A_344 = arith.addi %add3A_341, %add3A_343 : vector<16xi32>
      tpu.vector_store_idx %arg6[%add3A_344], %get3A_335 : memref<1024xi32, #tpu.memory_space<vmem>>[vector<16xi32>], vector<16xi32>,
      %get3A_345 = arith.constant 496 : index
      %get3A_346 = tpu.vector_load %arg5[%get3A_345] {strides = array<i32>} : memref<1024xi32, #tpu.memory_space<vmem>>, vector<16xi32>,
      %mul3A_347 = arith.constant 2 : i32
      %mul3A_348 = vector.broadcast %mul3A_347 : i32 to vector<16xi32>
      %mul3A_349 = arith.muli %mul3A_348, %iota3A : vector<16xi32>
      %add3A_350 = arith.constant 992 : i32
      %add3A_351 = vector.broadcast %add3A_350 : i32 to vector<16xi32>
      %add3A_352 = arith.addi %mul3A_349, %add3A_351 : vector<16xi32>
      %add3A_353 = arith.constant 0 : i32
      %add3A_354 = vector.broadcast %add3A_353 : i32 to vector<16xi32>
      %add3A_355 = arith.addi %add3A_352, %add3A_354 : vector<16xi32>
      tpu.vector_store_idx %arg6[%add3A_355], %get3A_346 : memref<1024xi32, #tpu.memory_space<vmem>>[vector<16xi32>], vector<16xi32>,
      %get3A_356 = arith.constant 512 : index
      %get3A_357 = tpu.vector_load %arg5[%get3A_356] {strides = array<i32>} : memref<1024xi32, #tpu.memory_space<vmem>>, vector<16xi32>,
      %mul3A_358 = arith.constant 2 : i32
      %mul3A_359 = vector.broadcast %mul3A_358 : i32 to vector<16xi32>
      %mul3A_360 = arith.muli %mul3A_359, %iota3A : vector<16xi32>
      %add3A_361 = arith.constant 0 : i32
      %add3A_362 = vector.broadcast %add3A_361 : i32 to vector<16xi32>
      %add3A_363 = arith.addi %mul3A_360, %add3A_362 : vector<16xi32>
      %add3A_364 = arith.constant 1 : i32
      %add3A_365 = vector.broadcast %add3A_364 : i32 to vector<16xi32>
      %add3A_366 = arith.addi %add3A_363, %add3A_365 : vector<16xi32>
      tpu.vector_store_idx %arg6[%add3A_366], %get3A_357 : memref<1024xi32, #tpu.memory_space<vmem>>[vector<16xi32>], vector<16xi32>,
      %get3A_367 = arith.constant 528 : index
      %get3A_368 = tpu.vector_load %arg5[%get3A_367] {strides = array<i32>} : memref<1024xi32, #tpu.memory_space<vmem>>, vector<16xi32>,
      %mul3A_369 = arith.constant 2 : i32
      %mul3A_370 = vector.broadcast %mul3A_369 : i32 to vector<16xi32>
      %mul3A_371 = arith.muli %mul3A_370, %iota3A : vector<16xi32>
      %add3A_372 = arith.constant 32 : i32
      %add3A_373 = vector.broadcast %add3A_372 : i32 to vector<16xi32>
      %add3A_374 = arith.addi %mul3A_371, %add3A_373 : vector<16xi32>
      %add3A_375 = arith.constant 1 : i32
      %add3A_376 = vector.broadcast %add3A_375 : i32 to vector<16xi32>
      %add3A_377 = arith.addi %add3A_374, %add3A_376 : vector<16xi32>
      tpu.vector_store_idx %arg6[%add3A_377], %get3A_368 : memref<1024xi32, #tpu.memory_space<vmem>>[vector<16xi32>], vector<16xi32>,
      %get3A_378 = arith.constant 544 : index
      %get3A_379 = tpu.vector_load %arg5[%get3A_378] {strides = array<i32>} : memref<1024xi32, #tpu.memory_space<vmem>>, vector<16xi32>,
      %mul3A_380 = arith.constant 2 : i32
      %mul3A_381 = vector.broadcast %mul3A_380 : i32 to vector<16xi32>
      %mul3A_382 = arith.muli %mul3A_381, %iota3A : vector<16xi32>
      %add3A_383 = arith.constant 64 : i32
      %add3A_384 = vector.broadcast %add3A_383 : i32 to vector<16xi32>
      %add3A_385 = arith.addi %mul3A_382, %add3A_384 : vector<16xi32>
      %add3A_386 = arith.constant 1 : i32
      %add3A_387 = vector.broadcast %add3A_386 : i32 to vector<16xi32>
      %add3A_388 = arith.addi %add3A_385, %add3A_387 : vector<16xi32>
      tpu.vector_store_idx %arg6[%add3A_388], %get3A_379 : memref<1024xi32, #tpu.memory_space<vmem>>[vector<16xi32>], vector<16xi32>,
      %get3A_389 = arith.constant 560 : index
      %get3A_390 = tpu.vector_load %arg5[%get3A_389] {strides = array<i32>} : memref<1024xi32, #tpu.memory_space<vmem>>, vector<16xi32>,
      %mul3A_391 = arith.constant 2 : i32
      %mul3A_392 = vector.broadcast %mul3A_391 : i32 to vector<16xi32>
      %mul3A_393 = arith.muli %mul3A_392, %iota3A : vector<16xi32>
      %add3A_394 = arith.constant 96 : i32
      %add3A_395 = vector.broadcast %add3A_394 : i32 to vector<16xi32>
      %add3A_396 = arith.addi %mul3A_393, %add3A_395 : vector<16xi32>
      %add3A_397 = arith.constant 1 : i32
      %add3A_398 = vector.broadcast %add3A_397 : i32 to vector<16xi32>
      %add3A_399 = arith.addi %add3A_396, %add3A_398 : vector<16xi32>
      tpu.vector_store_idx %arg6[%add3A_399], %get3A_390 : memref<1024xi32, #tpu.memory_space<vmem>>[vector<16xi32>], vector<16xi32>,
      %get3A_400 = arith.constant 576 : index
      %get3A_401 = tpu.vector_load %arg5[%get3A_400] {strides = array<i32>} : memref<1024xi32, #tpu.memory_space<vmem>>, vector<16xi32>,
      %mul3A_402 = arith.constant 2 : i32
      %mul3A_403 = vector.broadcast %mul3A_402 : i32 to vector<16xi32>
      %mul3A_404 = arith.muli %mul3A_403, %iota3A : vector<16xi32>
      %add3A_405 = arith.constant 128 : i32
      %add3A_406 = vector.broadcast %add3A_405 : i32 to vector<16xi32>
      %add3A_407 = arith.addi %mul3A_404, %add3A_406 : vector<16xi32>
      %add3A_408 = arith.constant 1 : i32
      %add3A_409 = vector.broadcast %add3A_408 : i32 to vector<16xi32>
      %add3A_410 = arith.addi %add3A_407, %add3A_409 : vector<16xi32>
      tpu.vector_store_idx %arg6[%add3A_410], %get3A_401 : memref<1024xi32, #tpu.memory_space<vmem>>[vector<16xi32>], vector<16xi32>,
      %get3A_411 = arith.constant 592 : index
      %get3A_412 = tpu.vector_load %arg5[%get3A_411] {strides = array<i32>} : memref<1024xi32, #tpu.memory_space<vmem>>, vector<16xi32>,
      %mul3A_413 = arith.constant 2 : i32
      %mul3A_414 = vector.broadcast %mul3A_413 : i32 to vector<16xi32>
      %mul3A_415 = arith.muli %mul3A_414, %iota3A : vector<16xi32>
      %add3A_416 = arith.constant 160 : i32
      %add3A_417 = vector.broadcast %add3A_416 : i32 to vector<16xi32>
      %add3A_418 = arith.addi %mul3A_415, %add3A_417 : vector<16xi32>
      %add3A_419 = arith.constant 1 : i32
      %add3A_420 = vector.broadcast %add3A_419 : i32 to vector<16xi32>
      %add3A_421 = arith.addi %add3A_418, %add3A_420 : vector<16xi32>
      tpu.vector_store_idx %arg6[%add3A_421], %get3A_412 : memref<1024xi32, #tpu.memory_space<vmem>>[vector<16xi32>], vector<16xi32>,
      %get3A_422 = arith.constant 608 : index
      %get3A_423 = tpu.vector_load %arg5[%get3A_422] {strides = array<i32>} : memref<1024xi32, #tpu.memory_space<vmem>>, vector<16xi32>,
      %mul3A_424 = arith.constant 2 : i32
      %mul3A_425 = vector.broadcast %mul3A_424 : i32 to vector<16xi32>
      %mul3A_426 = arith.muli %mul3A_425, %iota3A : vector<16xi32>
      %add3A_427 = arith.constant 192 : i32
      %add3A_428 = vector.broadcast %add3A_427 : i32 to vector<16xi32>
      %add3A_429 = arith.addi %mul3A_426, %add3A_428 : vector<16xi32>
      %add3A_430 = arith.constant 1 : i32
      %add3A_431 = vector.broadcast %add3A_430 : i32 to vector<16xi32>
      %add3A_432 = arith.addi %add3A_429, %add3A_431 : vector<16xi32>
      tpu.vector_store_idx %arg6[%add3A_432], %get3A_423 : memref<1024xi32, #tpu.memory_space<vmem>>[vector<16xi32>], vector<16xi32>,
      %get3A_433 = arith.constant 624 : index
      %get3A_434 = tpu.vector_load %arg5[%get3A_433] {strides = array<i32>} : memref<1024xi32, #tpu.memory_space<vmem>>, vector<16xi32>,
      %mul3A_435 = arith.constant 2 : i32
      %mul3A_436 = vector.broadcast %mul3A_435 : i32 to vector<16xi32>
      %mul3A_437 = arith.muli %mul3A_436, %iota3A : vector<16xi32>
      %add3A_438 = arith.constant 224 : i32
      %add3A_439 = vector.broadcast %add3A_438 : i32 to vector<16xi32>
      %add3A_440 = arith.addi %mul3A_437, %add3A_439 : vector<16xi32>
      %add3A_441 = arith.constant 1 : i32
      %add3A_442 = vector.broadcast %add3A_441 : i32 to vector<16xi32>
      %add3A_443 = arith.addi %add3A_440, %add3A_442 : vector<16xi32>
      tpu.vector_store_idx %arg6[%add3A_443], %get3A_434 : memref<1024xi32, #tpu.memory_space<vmem>>[vector<16xi32>], vector<16xi32>,
      %get3A_444 = arith.constant 640 : index
      %get3A_445 = tpu.vector_load %arg5[%get3A_444] {strides = array<i32>} : memref<1024xi32, #tpu.memory_space<vmem>>, vector<16xi32>,
      %mul3A_446 = arith.constant 2 : i32
      %mul3A_447 = vector.broadcast %mul3A_446 : i32 to vector<16xi32>
      %mul3A_448 = arith.muli %mul3A_447, %iota3A : vector<16xi32>
      %add3A_449 = arith.constant 256 : i32
      %add3A_450 = vector.broadcast %add3A_449 : i32 to vector<16xi32>
      %add3A_451 = arith.addi %mul3A_448, %add3A_450 : vector<16xi32>
      %add3A_452 = arith.constant 1 : i32
      %add3A_453 = vector.broadcast %add3A_452 : i32 to vector<16xi32>
      %add3A_454 = arith.addi %add3A_451, %add3A_453 : vector<16xi32>
      tpu.vector_store_idx %arg6[%add3A_454], %get3A_445 : memref<1024xi32, #tpu.memory_space<vmem>>[vector<16xi32>], vector<16xi32>,
      %get3A_455 = arith.constant 656 : index
      %get3A_456 = tpu.vector_load %arg5[%get3A_455] {strides = array<i32>} : memref<1024xi32, #tpu.memory_space<vmem>>, vector<16xi32>,
      %mul3A_457 = arith.constant 2 : i32
      %mul3A_458 = vector.broadcast %mul3A_457 : i32 to vector<16xi32>
      %mul3A_459 = arith.muli %mul3A_458, %iota3A : vector<16xi32>
      %add3A_460 = arith.constant 288 : i32
      %add3A_461 = vector.broadcast %add3A_460 : i32 to vector<16xi32>
      %add3A_462 = arith.addi %mul3A_459, %add3A_461 : vector<16xi32>
      %add3A_463 = arith.constant 1 : i32
      %add3A_464 = vector.broadcast %add3A_463 : i32 to vector<16xi32>
      %add3A_465 = arith.addi %add3A_462, %add3A_464 : vector<16xi32>
      tpu.vector_store_idx %arg6[%add3A_465], %get3A_456 : memref<1024xi32, #tpu.memory_space<vmem>>[vector<16xi32>], vector<16xi32>,
      %get3A_466 = arith.constant 672 : index
      %get3A_467 = tpu.vector_load %arg5[%get3A_466] {strides = array<i32>} : memref<1024xi32, #tpu.memory_space<vmem>>, vector<16xi32>,
      %mul3A_468 = arith.constant 2 : i32
      %mul3A_469 = vector.broadcast %mul3A_468 : i32 to vector<16xi32>
      %mul3A_470 = arith.muli %mul3A_469, %iota3A : vector<16xi32>
      %add3A_471 = arith.constant 320 : i32
      %add3A_472 = vector.broadcast %add3A_471 : i32 to vector<16xi32>
      %add3A_473 = arith.addi %mul3A_470, %add3A_472 : vector<16xi32>
      %add3A_474 = arith.constant 1 : i32
      %add3A_475 = vector.broadcast %add3A_474 : i32 to vector<16xi32>
      %add3A_476 = arith.addi %add3A_473, %add3A_475 : vector<16xi32>
      tpu.vector_store_idx %arg6[%add3A_476], %get3A_467 : memref<1024xi32, #tpu.memory_space<vmem>>[vector<16xi32>], vector<16xi32>,
      %get3A_477 = arith.constant 688 : index
      %get3A_478 = tpu.vector_load %arg5[%get3A_477] {strides = array<i32>} : memref<1024xi32, #tpu.memory_space<vmem>>, vector<16xi32>,
      %mul3A_479 = arith.constant 2 : i32
      %mul3A_480 = vector.broadcast %mul3A_479 : i32 to vector<16xi32>
      %mul3A_481 = arith.muli %mul3A_480, %iota3A : vector<16xi32>
      %add3A_482 = arith.constant 352 : i32
      %add3A_483 = vector.broadcast %add3A_482 : i32 to vector<16xi32>
      %add3A_484 = arith.addi %mul3A_481, %add3A_483 : vector<16xi32>
      %add3A_485 = arith.constant 1 : i32
      %add3A_486 = vector.broadcast %add3A_485 : i32 to vector<16xi32>
      %add3A_487 = arith.addi %add3A_484, %add3A_486 : vector<16xi32>
      tpu.vector_store_idx %arg6[%add3A_487], %get3A_478 : memref<1024xi32, #tpu.memory_space<vmem>>[vector<16xi32>], vector<16xi32>,
      %get3A_488 = arith.constant 704 : index
      %get3A_489 = tpu.vector_load %arg5[%get3A_488] {strides = array<i32>} : memref<1024xi32, #tpu.memory_space<vmem>>, vector<16xi32>,
      %mul3A_490 = arith.constant 2 : i32
      %mul3A_491 = vector.broadcast %mul3A_490 : i32 to vector<16xi32>
      %mul3A_492 = arith.muli %mul3A_491, %iota3A : vector<16xi32>
      %add3A_493 = arith.constant 384 : i32
      %add3A_494 = vector.broadcast %add3A_493 : i32 to vector<16xi32>
      %add3A_495 = arith.addi %mul3A_492, %add3A_494 : vector<16xi32>
      %add3A_496 = arith.constant 1 : i32
      %add3A_497 = vector.broadcast %add3A_496 : i32 to vector<16xi32>
      %add3A_498 = arith.addi %add3A_495, %add3A_497 : vector<16xi32>
      tpu.vector_store_idx %arg6[%add3A_498], %get3A_489 : memref<1024xi32, #tpu.memory_space<vmem>>[vector<16xi32>], vector<16xi32>,
      %get3A_499 = arith.constant 720 : index
      %get3A_500 = tpu.vector_load %arg5[%get3A_499] {strides = array<i32>} : memref<1024xi32, #tpu.memory_space<vmem>>, vector<16xi32>,
      %mul3A_501 = arith.constant 2 : i32
      %mul3A_502 = vector.broadcast %mul3A_501 : i32 to vector<16xi32>
      %mul3A_503 = arith.muli %mul3A_502, %iota3A : vector<16xi32>
      %add3A_504 = arith.constant 416 : i32
      %add3A_505 = vector.broadcast %add3A_504 : i32 to vector<16xi32>
      %add3A_506 = arith.addi %mul3A_503, %add3A_505 : vector<16xi32>
      %add3A_507 = arith.constant 1 : i32
      %add3A_508 = vector.broadcast %add3A_507 : i32 to vector<16xi32>
      %add3A_509 = arith.addi %add3A_506, %add3A_508 : vector<16xi32>
      tpu.vector_store_idx %arg6[%add3A_509], %get3A_500 : memref<1024xi32, #tpu.memory_space<vmem>>[vector<16xi32>], vector<16xi32>,
      %get3A_510 = arith.constant 736 : index
      %get3A_511 = tpu.vector_load %arg5[%get3A_510] {strides = array<i32>} : memref<1024xi32, #tpu.memory_space<vmem>>, vector<16xi32>,
      %mul3A_512 = arith.constant 2 : i32
      %mul3A_513 = vector.broadcast %mul3A_512 : i32 to vector<16xi32>
      %mul3A_514 = arith.muli %mul3A_513, %iota3A : vector<16xi32>
      %add3A_515 = arith.constant 448 : i32
      %add3A_516 = vector.broadcast %add3A_515 : i32 to vector<16xi32>
      %add3A_517 = arith.addi %mul3A_514, %add3A_516 : vector<16xi32>
      %add3A_518 = arith.constant 1 : i32
      %add3A_519 = vector.broadcast %add3A_518 : i32 to vector<16xi32>
      %add3A_520 = arith.addi %add3A_517, %add3A_519 : vector<16xi32>
      tpu.vector_store_idx %arg6[%add3A_520], %get3A_511 : memref<1024xi32, #tpu.memory_space<vmem>>[vector<16xi32>], vector<16xi32>,
      %get3A_521 = arith.constant 752 : index
      %get3A_522 = tpu.vector_load %arg5[%get3A_521] {strides = array<i32>} : memref<1024xi32, #tpu.memory_space<vmem>>, vector<16xi32>,
      %mul3A_523 = arith.constant 2 : i32
      %mul3A_524 = vector.broadcast %mul3A_523 : i32 to vector<16xi32>
      %mul3A_525 = arith.muli %mul3A_524, %iota3A : vector<16xi32>
      %add3A_526 = arith.constant 480 : i32
      %add3A_527 = vector.broadcast %add3A_526 : i32 to vector<16xi32>
      %add3A_528 = arith.addi %mul3A_525, %add3A_527 : vector<16xi32>
      %add3A_529 = arith.constant 1 : i32
      %add3A_530 = vector.broadcast %add3A_529 : i32 to vector<16xi32>
      %add3A_531 = arith.addi %add3A_528, %add3A_530 : vector<16xi32>
      tpu.vector_store_idx %arg6[%add3A_531], %get3A_522 : memref<1024xi32, #tpu.memory_space<vmem>>[vector<16xi32>], vector<16xi32>,
      %get3A_532 = arith.constant 768 : index
      %get3A_533 = tpu.vector_load %arg5[%get3A_532] {strides = array<i32>} : memref<1024xi32, #tpu.memory_space<vmem>>, vector<16xi32>,
      %mul3A_534 = arith.constant 2 : i32
      %mul3A_535 = vector.broadcast %mul3A_534 : i32 to vector<16xi32>
      %mul3A_536 = arith.muli %mul3A_535, %iota3A : vector<16xi32>
      %add3A_537 = arith.constant 512 : i32
      %add3A_538 = vector.broadcast %add3A_537 : i32 to vector<16xi32>
      %add3A_539 = arith.addi %mul3A_536, %add3A_538 : vector<16xi32>
      %add3A_540 = arith.constant 1 : i32
      %add3A_541 = vector.broadcast %add3A_540 : i32 to vector<16xi32>
      %add3A_542 = arith.addi %add3A_539, %add3A_541 : vector<16xi32>
      tpu.vector_store_idx %arg6[%add3A_542], %get3A_533 : memref<1024xi32, #tpu.memory_space<vmem>>[vector<16xi32>], vector<16xi32>,
      %get3A_543 = arith.constant 784 : index
      %get3A_544 = tpu.vector_load %arg5[%get3A_543] {strides = array<i32>} : memref<1024xi32, #tpu.memory_space<vmem>>, vector<16xi32>,
      %mul3A_545 = arith.constant 2 : i32
      %mul3A_546 = vector.broadcast %mul3A_545 : i32 to vector<16xi32>
      %mul3A_547 = arith.muli %mul3A_546, %iota3A : vector<16xi32>
      %add3A_548 = arith.constant 544 : i32
      %add3A_549 = vector.broadcast %add3A_548 : i32 to vector<16xi32>
      %add3A_550 = arith.addi %mul3A_547, %add3A_549 : vector<16xi32>
      %add3A_551 = arith.constant 1 : i32
      %add3A_552 = vector.broadcast %add3A_551 : i32 to vector<16xi32>
      %add3A_553 = arith.addi %add3A_550, %add3A_552 : vector<16xi32>
      tpu.vector_store_idx %arg6[%add3A_553], %get3A_544 : memref<1024xi32, #tpu.memory_space<vmem>>[vector<16xi32>], vector<16xi32>,
      %get3A_554 = arith.constant 800 : index
      %get3A_555 = tpu.vector_load %arg5[%get3A_554] {strides = array<i32>} : memref<1024xi32, #tpu.memory_space<vmem>>, vector<16xi32>,
      %mul3A_556 = arith.constant 2 : i32
      %mul3A_557 = vector.broadcast %mul3A_556 : i32 to vector<16xi32>
      %mul3A_558 = arith.muli %mul3A_557, %iota3A : vector<16xi32>
      %add3A_559 = arith.constant 576 : i32
      %add3A_560 = vector.broadcast %add3A_559 : i32 to vector<16xi32>
      %add3A_561 = arith.addi %mul3A_558, %add3A_560 : vector<16xi32>
      %add3A_562 = arith.constant 1 : i32
      %add3A_563 = vector.broadcast %add3A_562 : i32 to vector<16xi32>
      %add3A_564 = arith.addi %add3A_561, %add3A_563 : vector<16xi32>
      tpu.vector_store_idx %arg6[%add3A_564], %get3A_555 : memref<1024xi32, #tpu.memory_space<vmem>>[vector<16xi32>], vector<16xi32>,
      %get3A_565 = arith.constant 816 : index
      %get3A_566 = tpu.vector_load %arg5[%get3A_565] {strides = array<i32>} : memref<1024xi32, #tpu.memory_space<vmem>>, vector<16xi32>,
      %mul3A_567 = arith.constant 2 : i32
      %mul3A_568 = vector.broadcast %mul3A_567 : i32 to vector<16xi32>
      %mul3A_569 = arith.muli %mul3A_568, %iota3A : vector<16xi32>
      %add3A_570 = arith.constant 608 : i32
      %add3A_571 = vector.broadcast %add3A_570 : i32 to vector<16xi32>
      %add3A_572 = arith.addi %mul3A_569, %add3A_571 : vector<16xi32>
      %add3A_573 = arith.constant 1 : i32
      %add3A_574 = vector.broadcast %add3A_573 : i32 to vector<16xi32>
      %add3A_575 = arith.addi %add3A_572, %add3A_574 : vector<16xi32>
      tpu.vector_store_idx %arg6[%add3A_575], %get3A_566 : memref<1024xi32, #tpu.memory_space<vmem>>[vector<16xi32>], vector<16xi32>,
      %get3A_576 = arith.constant 832 : index
      %get3A_577 = tpu.vector_load %arg5[%get3A_576] {strides = array<i32>} : memref<1024xi32, #tpu.memory_space<vmem>>, vector<16xi32>,
      %mul3A_578 = arith.constant 2 : i32
      %mul3A_579 = vector.broadcast %mul3A_578 : i32 to vector<16xi32>
      %mul3A_580 = arith.muli %mul3A_579, %iota3A : vector<16xi32>
      %add3A_581 = arith.constant 640 : i32
      %add3A_582 = vector.broadcast %add3A_581 : i32 to vector<16xi32>
      %add3A_583 = arith.addi %mul3A_580, %add3A_582 : vector<16xi32>
      %add3A_584 = arith.constant 1 : i32
      %add3A_585 = vector.broadcast %add3A_584 : i32 to vector<16xi32>
      %add3A_586 = arith.addi %add3A_583, %add3A_585 : vector<16xi32>
      tpu.vector_store_idx %arg6[%add3A_586], %get3A_577 : memref<1024xi32, #tpu.memory_space<vmem>>[vector<16xi32>], vector<16xi32>,
      %get3A_587 = arith.constant 848 : index
      %get3A_588 = tpu.vector_load %arg5[%get3A_587] {strides = array<i32>} : memref<1024xi32, #tpu.memory_space<vmem>>, vector<16xi32>,
      %mul3A_589 = arith.constant 2 : i32
      %mul3A_590 = vector.broadcast %mul3A_589 : i32 to vector<16xi32>
      %mul3A_591 = arith.muli %mul3A_590, %iota3A : vector<16xi32>
      %add3A_592 = arith.constant 672 : i32
      %add3A_593 = vector.broadcast %add3A_592 : i32 to vector<16xi32>
      %add3A_594 = arith.addi %mul3A_591, %add3A_593 : vector<16xi32>
      %add3A_595 = arith.constant 1 : i32
      %add3A_596 = vector.broadcast %add3A_595 : i32 to vector<16xi32>
      %add3A_597 = arith.addi %add3A_594, %add3A_596 : vector<16xi32>
      tpu.vector_store_idx %arg6[%add3A_597], %get3A_588 : memref<1024xi32, #tpu.memory_space<vmem>>[vector<16xi32>], vector<16xi32>,
      %get3A_598 = arith.constant 864 : index
      %get3A_599 = tpu.vector_load %arg5[%get3A_598] {strides = array<i32>} : memref<1024xi32, #tpu.memory_space<vmem>>, vector<16xi32>,
      %mul3A_600 = arith.constant 2 : i32
      %mul3A_601 = vector.broadcast %mul3A_600 : i32 to vector<16xi32>
      %mul3A_602 = arith.muli %mul3A_601, %iota3A : vector<16xi32>
      %add3A_603 = arith.constant 704 : i32
      %add3A_604 = vector.broadcast %add3A_603 : i32 to vector<16xi32>
      %add3A_605 = arith.addi %mul3A_602, %add3A_604 : vector<16xi32>
      %add3A_606 = arith.constant 1 : i32
      %add3A_607 = vector.broadcast %add3A_606 : i32 to vector<16xi32>
      %add3A_608 = arith.addi %add3A_605, %add3A_607 : vector<16xi32>
      tpu.vector_store_idx %arg6[%add3A_608], %get3A_599 : memref<1024xi32, #tpu.memory_space<vmem>>[vector<16xi32>], vector<16xi32>,
      %get3A_609 = arith.constant 880 : index
      %get3A_610 = tpu.vector_load %arg5[%get3A_609] {strides = array<i32>} : memref<1024xi32, #tpu.memory_space<vmem>>, vector<16xi32>,
      %mul3A_611 = arith.constant 2 : i32
      %mul3A_612 = vector.broadcast %mul3A_611 : i32 to vector<16xi32>
      %mul3A_613 = arith.muli %mul3A_612, %iota3A : vector<16xi32>
      %add3A_614 = arith.constant 736 : i32
      %add3A_615 = vector.broadcast %add3A_614 : i32 to vector<16xi32>
      %add3A_616 = arith.addi %mul3A_613, %add3A_615 : vector<16xi32>
      %add3A_617 = arith.constant 1 : i32
      %add3A_618 = vector.broadcast %add3A_617 : i32 to vector<16xi32>
      %add3A_619 = arith.addi %add3A_616, %add3A_618 : vector<16xi32>
      tpu.vector_store_idx %arg6[%add3A_619], %get3A_610 : memref<1024xi32, #tpu.memory_space<vmem>>[vector<16xi32>], vector<16xi32>,
      %get3A_620 = arith.constant 896 : index
      %get3A_621 = tpu.vector_load %arg5[%get3A_620] {strides = array<i32>} : memref<1024xi32, #tpu.memory_space<vmem>>, vector<16xi32>,
      %mul3A_622 = arith.constant 2 : i32
      %mul3A_623 = vector.broadcast %mul3A_622 : i32 to vector<16xi32>
      %mul3A_624 = arith.muli %mul3A_623, %iota3A : vector<16xi32>
      %add3A_625 = arith.constant 768 : i32
      %add3A_626 = vector.broadcast %add3A_625 : i32 to vector<16xi32>
      %add3A_627 = arith.addi %mul3A_624, %add3A_626 : vector<16xi32>
      %add3A_628 = arith.constant 1 : i32
      %add3A_629 = vector.broadcast %add3A_628 : i32 to vector<16xi32>
      %add3A_630 = arith.addi %add3A_627, %add3A_629 : vector<16xi32>
      tpu.vector_store_idx %arg6[%add3A_630], %get3A_621 : memref<1024xi32, #tpu.memory_space<vmem>>[vector<16xi32>], vector<16xi32>,
      %get3A_631 = arith.constant 912 : index
      %get3A_632 = tpu.vector_load %arg5[%get3A_631] {strides = array<i32>} : memref<1024xi32, #tpu.memory_space<vmem>>, vector<16xi32>,
      %mul3A_633 = arith.constant 2 : i32
      %mul3A_634 = vector.broadcast %mul3A_633 : i32 to vector<16xi32>
      %mul3A_635 = arith.muli %mul3A_634, %iota3A : vector<16xi32>
      %add3A_636 = arith.constant 800 : i32
      %add3A_637 = vector.broadcast %add3A_636 : i32 to vector<16xi32>
      %add3A_638 = arith.addi %mul3A_635, %add3A_637 : vector<16xi32>
      %add3A_639 = arith.constant 1 : i32
      %add3A_640 = vector.broadcast %add3A_639 : i32 to vector<16xi32>
      %add3A_641 = arith.addi %add3A_638, %add3A_640 : vector<16xi32>
      tpu.vector_store_idx %arg6[%add3A_641], %get3A_632 : memref<1024xi32, #tpu.memory_space<vmem>>[vector<16xi32>], vector<16xi32>,
      %get3A_642 = arith.constant 928 : index
      %get3A_643 = tpu.vector_load %arg5[%get3A_642] {strides = array<i32>} : memref<1024xi32, #tpu.memory_space<vmem>>, vector<16xi32>,
      %mul3A_644 = arith.constant 2 : i32
      %mul3A_645 = vector.broadcast %mul3A_644 : i32 to vector<16xi32>
      %mul3A_646 = arith.muli %mul3A_645, %iota3A : vector<16xi32>
      %add3A_647 = arith.constant 832 : i32
      %add3A_648 = vector.broadcast %add3A_647 : i32 to vector<16xi32>
      %add3A_649 = arith.addi %mul3A_646, %add3A_648 : vector<16xi32>
      %add3A_650 = arith.constant 1 : i32
      %add3A_651 = vector.broadcast %add3A_650 : i32 to vector<16xi32>
      %add3A_652 = arith.addi %add3A_649, %add3A_651 : vector<16xi32>
      tpu.vector_store_idx %arg6[%add3A_652], %get3A_643 : memref<1024xi32, #tpu.memory_space<vmem>>[vector<16xi32>], vector<16xi32>,
      %get3A_653 = arith.constant 944 : index
      %get3A_654 = tpu.vector_load %arg5[%get3A_653] {strides = array<i32>} : memref<1024xi32, #tpu.memory_space<vmem>>, vector<16xi32>,
      %mul3A_655 = arith.constant 2 : i32
      %mul3A_656 = vector.broadcast %mul3A_655 : i32 to vector<16xi32>
      %mul3A_657 = arith.muli %mul3A_656, %iota3A : vector<16xi32>
      %add3A_658 = arith.constant 864 : i32
      %add3A_659 = vector.broadcast %add3A_658 : i32 to vector<16xi32>
      %add3A_660 = arith.addi %mul3A_657, %add3A_659 : vector<16xi32>
      %add3A_661 = arith.constant 1 : i32
      %add3A_662 = vector.broadcast %add3A_661 : i32 to vector<16xi32>
      %add3A_663 = arith.addi %add3A_660, %add3A_662 : vector<16xi32>
      tpu.vector_store_idx %arg6[%add3A_663], %get3A_654 : memref<1024xi32, #tpu.memory_space<vmem>>[vector<16xi32>], vector<16xi32>,
      %get3A_664 = arith.constant 960 : index
      %get3A_665 = tpu.vector_load %arg5[%get3A_664] {strides = array<i32>} : memref<1024xi32, #tpu.memory_space<vmem>>, vector<16xi32>,
      %mul3A_666 = arith.constant 2 : i32
      %mul3A_667 = vector.broadcast %mul3A_666 : i32 to vector<16xi32>
      %mul3A_668 = arith.muli %mul3A_667, %iota3A : vector<16xi32>
      %add3A_669 = arith.constant 896 : i32
      %add3A_670 = vector.broadcast %add3A_669 : i32 to vector<16xi32>
      %add3A_671 = arith.addi %mul3A_668, %add3A_670 : vector<16xi32>
      %add3A_672 = arith.constant 1 : i32
      %add3A_673 = vector.broadcast %add3A_672 : i32 to vector<16xi32>
      %add3A_674 = arith.addi %add3A_671, %add3A_673 : vector<16xi32>
      tpu.vector_store_idx %arg6[%add3A_674], %get3A_665 : memref<1024xi32, #tpu.memory_space<vmem>>[vector<16xi32>], vector<16xi32>,
      %get3A_675 = arith.constant 976 : index
      %get3A_676 = tpu.vector_load %arg5[%get3A_675] {strides = array<i32>} : memref<1024xi32, #tpu.memory_space<vmem>>, vector<16xi32>,
      %mul3A_677 = arith.constant 2 : i32
      %mul3A_678 = vector.broadcast %mul3A_677 : i32 to vector<16xi32>
      %mul3A_679 = arith.muli %mul3A_678, %iota3A : vector<16xi32>
      %add3A_680 = arith.constant 928 : i32
      %add3A_681 = vector.broadcast %add3A_680 : i32 to vector<16xi32>
      %add3A_682 = arith.addi %mul3A_679, %add3A_681 : vector<16xi32>
      %add3A_683 = arith.constant 1 : i32
      %add3A_684 = vector.broadcast %add3A_683 : i32 to vector<16xi32>
      %add3A_685 = arith.addi %add3A_682, %add3A_684 : vector<16xi32>
      tpu.vector_store_idx %arg6[%add3A_685], %get3A_676 : memref<1024xi32, #tpu.memory_space<vmem>>[vector<16xi32>], vector<16xi32>,
      %get3A_686 = arith.constant 992 : index
      %get3A_687 = tpu.vector_load %arg5[%get3A_686] {strides = array<i32>} : memref<1024xi32, #tpu.memory_space<vmem>>, vector<16xi32>,
      %mul3A_688 = arith.constant 2 : i32
      %mul3A_689 = vector.broadcast %mul3A_688 : i32 to vector<16xi32>
      %mul3A_690 = arith.muli %mul3A_689, %iota3A : vector<16xi32>
      %add3A_691 = arith.constant 960 : i32
      %add3A_692 = vector.broadcast %add3A_691 : i32 to vector<16xi32>
      %add3A_693 = arith.addi %mul3A_690, %add3A_692 : vector<16xi32>
      %add3A_694 = arith.constant 1 : i32
      %add3A_695 = vector.broadcast %add3A_694 : i32 to vector<16xi32>
      %add3A_696 = arith.addi %add3A_693, %add3A_695 : vector<16xi32>
      tpu.vector_store_idx %arg6[%add3A_696], %get3A_687 : memref<1024xi32, #tpu.memory_space<vmem>>[vector<16xi32>], vector<16xi32>,
      %get3A_697 = arith.constant 1008 : index
      %get3A_698 = tpu.vector_load %arg5[%get3A_697] {strides = array<i32>} : memref<1024xi32, #tpu.memory_space<vmem>>, vector<16xi32>,
      %mul3A_699 = arith.constant 2 : i32
      %mul3A_700 = vector.broadcast %mul3A_699 : i32 to vector<16xi32>
      %mul3A_701 = arith.muli %mul3A_700, %iota3A : vector<16xi32>
      %add3A_702 = arith.constant 992 : i32
      %add3A_703 = vector.broadcast %add3A_702 : i32 to vector<16xi32>
      %add3A_704 = arith.addi %mul3A_701, %add3A_703 : vector<16xi32>
      %add3A_705 = arith.constant 1 : i32
      %add3A_706 = vector.broadcast %add3A_705 : i32 to vector<16xi32>
      %add3A_707 = arith.addi %add3A_704, %add3A_706 : vector<16xi32>
      tpu.vector_store_idx %arg6[%add3A_707], %get3A_698 : memref<1024xi32, #tpu.memory_space<vmem>>[vector<16xi32>], vector<16xi32>,
      %dma_start3A = arith.constant 0 : i32
      %dma_start3A_708 = arith.constant 0 : i32
      %dma_start3A_709 = tpu.memref_slice %arg7[%dma_start3A, %dma_start3A_708] : memref<1024x64xf32, #tpu.memory_space<vmem>> -> memref<128x64xf32, #tpu.memory_space<vmem>>
      %dma_start3A_710 = arith.constant 0 : i32
      %dma_start3A_711 = tpu.memref_slice %arg6[%dma_start3A_710] : memref<1024xi32, #tpu.memory_space<vmem>> -> memref<128xi32, #tpu.memory_space<vmem>>
      %dma_start3A_712 = arith.constant 0 : i32
      %dma_start3A_713 = arith.constant 0 : i32
      %dma_start3A_714 = tpu.memref_slice %arg2[%dma_start3A_712, %dma_start3A_713] : memref<1000x64xf32, #tpu.memory_space<hbm>> -> memref<1000x64xf32, #tpu.memory_space<hbm>>
      tpu.enqueue_indirect_dma source(%dma_start3A_714 : memref<1000x64xf32, #tpu.memory_space<hbm>>) target(%dma_start3A_709 : memref<128x64xf32, #tpu.memory_space<vmem>>) offsets(%dma_start3A_711 : memref<128xi32, #tpu.memory_space<vmem>>) semaphore(%arg8 : memref<!tpu.dma_semaphore, #tpu.memory_space<semaphore_mem>>)
      %dma_start3A_715 = arith.constant 128 : i32
      %dma_start3A_716 = arith.constant 0 : i32
      %dma_start3A_717 = tpu.memref_slice %arg7[%dma_start3A_715, %dma_start3A_716] : memref<1024x64xf32, #tpu.memory_space<vmem>> -> memref<128x64xf32, #tpu.memory_space<vmem>>
      %dma_start3A_718 = arith.constant 128 : i32
      %dma_start3A_719 = tpu.memref_slice %arg6[%dma_start3A_718] : memref<1024xi32, #tpu.memory_space<vmem>> -> memref<128xi32, #tpu.memory_space<vmem>>
      %dma_start3A_720 = arith.constant 0 : i32
      %dma_start3A_721 = arith.constant 0 : i32
      %dma_start3A_722 = tpu.memref_slice %arg2[%dma_start3A_720, %dma_start3A_721] : memref<1000x64xf32, #tpu.memory_space<hbm>> -> memref<1000x64xf32, #tpu.memory_space<hbm>>
      tpu.enqueue_indirect_dma source(%dma_start3A_722 : memref<1000x64xf32, #tpu.memory_space<hbm>>) target(%dma_start3A_717 : memref<128x64xf32, #tpu.memory_space<vmem>>) offsets(%dma_start3A_719 : memref<128xi32, #tpu.memory_space<vmem>>) semaphore(%arg8 : memref<!tpu.dma_semaphore, #tpu.memory_space<semaphore_mem>>)
      %dma_start3A_723 = arith.constant 256 : i32
      %dma_start3A_724 = arith.constant 0 : i32
      %dma_start3A_725 = tpu.memref_slice %arg7[%dma_start3A_723, %dma_start3A_724] : memref<1024x64xf32, #tpu.memory_space<vmem>> -> memref<128x64xf32, #tpu.memory_space<vmem>>
      %dma_start3A_726 = arith.constant 256 : i32
      %dma_start3A_727 = tpu.memref_slice %arg6[%dma_start3A_726] : memref<1024xi32, #tpu.memory_space<vmem>> -> memref<128xi32, #tpu.memory_space<vmem>>
      %dma_start3A_728 = arith.constant 0 : i32
      %dma_start3A_729 = arith.constant 0 : i32
      %dma_start3A_730 = tpu.memref_slice %arg2[%dma_start3A_728, %dma_start3A_729] : memref<1000x64xf32, #tpu.memory_space<hbm>> -> memref<1000x64xf32, #tpu.memory_space<hbm>>
      tpu.enqueue_indirect_dma source(%dma_start3A_730 : memref<1000x64xf32, #tpu.memory_space<hbm>>) target(%dma_start3A_725 : memref<128x64xf32, #tpu.memory_space<vmem>>) offsets(%dma_start3A_727 : memref<128xi32, #tpu.memory_space<vmem>>) semaphore(%arg8 : memref<!tpu.dma_semaphore, #tpu.memory_space<semaphore_mem>>)
      %dma_start3A_731 = arith.constant 384 : i32
      %dma_start3A_732 = arith.constant 0 : i32
      %dma_start3A_733 = tpu.memref_slice %arg7[%dma_start3A_731, %dma_start3A_732] : memref<1024x64xf32, #tpu.memory_space<vmem>> -> memref<128x64xf32, #tpu.memory_space<vmem>>
      %dma_start3A_734 = arith.constant 384 : i32
      %dma_start3A_735 = tpu.memref_slice %arg6[%dma_start3A_734] : memref<1024xi32, #tpu.memory_space<vmem>> -> memref<128xi32, #tpu.memory_space<vmem>>
      %dma_start3A_736 = arith.constant 0 : i32
      %dma_start3A_737 = arith.constant 0 : i32
      %dma_start3A_738 = tpu.memref_slice %arg2[%dma_start3A_736, %dma_start3A_737] : memref<1000x64xf32, #tpu.memory_space<hbm>> -> memref<1000x64xf32, #tpu.memory_space<hbm>>
      tpu.enqueue_indirect_dma source(%dma_start3A_738 : memref<1000x64xf32, #tpu.memory_space<hbm>>) target(%dma_start3A_733 : memref<128x64xf32, #tpu.memory_space<vmem>>) offsets(%dma_start3A_735 : memref<128xi32, #tpu.memory_space<vmem>>) semaphore(%arg8 : memref<!tpu.dma_semaphore, #tpu.memory_space<semaphore_mem>>)
      %dma_start3A_739 = arith.constant 512 : i32
      %dma_start3A_740 = arith.constant 0 : i32
      %dma_start3A_741 = tpu.memref_slice %arg7[%dma_start3A_739, %dma_start3A_740] : memref<1024x64xf32, #tpu.memory_space<vmem>> -> memref<128x64xf32, #tpu.memory_space<vmem>>
      %dma_start3A_742 = arith.constant 512 : i32
      %dma_start3A_743 = tpu.memref_slice %arg6[%dma_start3A_742] : memref<1024xi32, #tpu.memory_space<vmem>> -> memref<128xi32, #tpu.memory_space<vmem>>
      %dma_start3A_744 = arith.constant 0 : i32
      %dma_start3A_745 = arith.constant 0 : i32
      %dma_start3A_746 = tpu.memref_slice %arg2[%dma_start3A_744, %dma_start3A_745] : memref<1000x64xf32, #tpu.memory_space<hbm>> -> memref<1000x64xf32, #tpu.memory_space<hbm>>
      tpu.enqueue_indirect_dma source(%dma_start3A_746 : memref<1000x64xf32, #tpu.memory_space<hbm>>) target(%dma_start3A_741 : memref<128x64xf32, #tpu.memory_space<vmem>>) offsets(%dma_start3A_743 : memref<128xi32, #tpu.memory_space<vmem>>) semaphore(%arg8 : memref<!tpu.dma_semaphore, #tpu.memory_space<semaphore_mem>>)
      %dma_start3A_747 = arith.constant 640 : i32
      %dma_start3A_748 = arith.constant 0 : i32
      %dma_start3A_749 = tpu.memref_slice %arg7[%dma_start3A_747, %dma_start3A_748] : memref<1024x64xf32, #tpu.memory_space<vmem>> -> memref<128x64xf32, #tpu.memory_space<vmem>>
      %dma_start3A_750 = arith.constant 640 : i32
      %dma_start3A_751 = tpu.memref_slice %arg6[%dma_start3A_750] : memref<1024xi32, #tpu.memory_space<vmem>> -> memref<128xi32, #tpu.memory_space<vmem>>
      %dma_start3A_752 = arith.constant 0 : i32
      %dma_start3A_753 = arith.constant 0 : i32
      %dma_start3A_754 = tpu.memref_slice %arg2[%dma_start3A_752, %dma_start3A_753] : memref<1000x64xf32, #tpu.memory_space<hbm>> -> memref<1000x64xf32, #tpu.memory_space<hbm>>
      tpu.enqueue_indirect_dma source(%dma_start3A_754 : memref<1000x64xf32, #tpu.memory_space<hbm>>) target(%dma_start3A_749 : memref<128x64xf32, #tpu.memory_space<vmem>>) offsets(%dma_start3A_751 : memref<128xi32, #tpu.memory_space<vmem>>) semaphore(%arg8 : memref<!tpu.dma_semaphore, #tpu.memory_space<semaphore_mem>>)
      %dma_start3A_755 = arith.constant 768 : i32
      %dma_start3A_756 = arith.constant 0 : i32
      %dma_start3A_757 = tpu.memref_slice %arg7[%dma_start3A_755, %dma_start3A_756] : memref<1024x64xf32, #tpu.memory_space<vmem>> -> memref<128x64xf32, #tpu.memory_space<vmem>>
      %dma_start3A_758 = arith.constant 768 : i32
      %dma_start3A_759 = tpu.memref_slice %arg6[%dma_start3A_758] : memref<1024xi32, #tpu.memory_space<vmem>> -> memref<128xi32, #tpu.memory_space<vmem>>
      %dma_start3A_760 = arith.constant 0 : i32
      %dma_start3A_761 = arith.constant 0 : i32
      %dma_start3A_762 = tpu.memref_slice %arg2[%dma_start3A_760, %dma_start3A_761] : memref<1000x64xf32, #tpu.memory_space<hbm>> -> memref<1000x64xf32, #tpu.memory_space<hbm>>
      tpu.enqueue_indirect_dma source(%dma_start3A_762 : memref<1000x64xf32, #tpu.memory_space<hbm>>) target(%dma_start3A_757 : memref<128x64xf32, #tpu.memory_space<vmem>>) offsets(%dma_start3A_759 : memref<128xi32, #tpu.memory_space<vmem>>) semaphore(%arg8 : memref<!tpu.dma_semaphore, #tpu.memory_space<semaphore_mem>>)
      %dma_start3A_763 = arith.constant 896 : i32
      %dma_start3A_764 = arith.constant 0 : i32
      %dma_start3A_765 = tpu.memref_slice %arg7[%dma_start3A_763, %dma_start3A_764] : memref<1024x64xf32, #tpu.memory_space<vmem>> -> memref<128x64xf32, #tpu.memory_space<vmem>>
      %dma_start3A_766 = arith.constant 896 : i32
      %dma_start3A_767 = tpu.memref_slice %arg6[%dma_start3A_766] : memref<1024xi32, #tpu.memory_space<vmem>> -> memref<128xi32, #tpu.memory_space<vmem>>
      %dma_start3A_768 = arith.constant 0 : i32
      %dma_start3A_769 = arith.constant 0 : i32
      %dma_start3A_770 = tpu.memref_slice %arg2[%dma_start3A_768, %dma_start3A_769] : memref<1000x64xf32, #tpu.memory_space<hbm>> -> memref<1000x64xf32, #tpu.memory_space<hbm>>
      tpu.enqueue_indirect_dma source(%dma_start3A_770 : memref<1000x64xf32, #tpu.memory_space<hbm>>) target(%dma_start3A_765 : memref<128x64xf32, #tpu.memory_space<vmem>>) offsets(%dma_start3A_767 : memref<128xi32, #tpu.memory_space<vmem>>) semaphore(%arg8 : memref<!tpu.dma_semaphore, #tpu.memory_space<semaphore_mem>>)
      %dma_wait3A = arith.constant 0 : i32
      %dma_wait3A_771 = arith.constant 0 : i32
      %dma_wait3A_772 = tpu.memref_slice %arg7[%dma_wait3A, %dma_wait3A_771] : memref<1024x64xf32, #tpu.memory_space<vmem>> -> memref<128x64xf32, #tpu.memory_space<vmem>>
      %dma_wait3A_773 = arith.constant 0 : i32
      %dma_wait3A_774 = tpu.memref_slice %arg6[%dma_wait3A_773] : memref<1024xi32, #tpu.memory_space<vmem>> -> memref<128xi32, #tpu.memory_space<vmem>>
      %dma_wait3A_775 = arith.constant 0 : i32
      %dma_wait3A_776 = arith.constant 0 : i32
      %dma_wait3A_777 = tpu.memref_slice %arg2[%dma_wait3A_775, %dma_wait3A_776] : memref<1000x64xf32, #tpu.memory_space<hbm>> -> memref<1000x64xf32, #tpu.memory_space<hbm>>
      tpu.wait_indirect_dma semaphore(%arg8 : memref<!tpu.dma_semaphore, #tpu.memory_space<semaphore_mem>>) src(%dma_wait3A_777 : memref<1000x64xf32, #tpu.memory_space<hbm>>) dst(%dma_wait3A_772 : memref<128x64xf32, #tpu.memory_space<vmem>>)
      %dma_wait3A_778 = arith.constant 128 : i32
      %dma_wait3A_779 = arith.constant 0 : i32
      %dma_wait3A_780 = tpu.memref_slice %arg7[%dma_wait3A_778, %dma_wait3A_779] : memref<1024x64xf32, #tpu.memory_space<vmem>> -> memref<128x64xf32, #tpu.memory_space<vmem>>
      %dma_wait3A_781 = arith.constant 128 : i32
      %dma_wait3A_782 = tpu.memref_slice %arg6[%dma_wait3A_781] : memref<1024xi32, #tpu.memory_space<vmem>> -> memref<128xi32, #tpu.memory_space<vmem>>
      %dma_wait3A_783 = arith.constant 0 : i32
      %dma_wait3A_784 = arith.constant 0 : i32
      %dma_wait3A_785 = tpu.memref_slice %arg2[%dma_wait3A_783, %dma_wait3A_784] : memref<1000x64xf32, #tpu.memory_space<hbm>> -> memref<1000x64xf32, #tpu.memory_space<hbm>>
      tpu.wait_indirect_dma semaphore(%arg8 : memref<!tpu.dma_semaphore, #tpu.memory_space<semaphore_mem>>) src(%dma_wait3A_785 : memref<1000x64xf32, #tpu.memory_space<hbm>>) dst(%dma_wait3A_780 : memref<128x64xf32, #tpu.memory_space<vmem>>)
      %dma_wait3A_786 = arith.constant 256 : i32
      %dma_wait3A_787 = arith.constant 0 : i32
      %dma_wait3A_788 = tpu.memref_slice %arg7[%dma_wait3A_786, %dma_wait3A_787] : memref<1024x64xf32, #tpu.memory_space<vmem>> -> memref<128x64xf32, #tpu.memory_space<vmem>>
      %dma_wait3A_789 = arith.constant 256 : i32
      %dma_wait3A_790 = tpu.memref_slice %arg6[%dma_wait3A_789] : memref<1024xi32, #tpu.memory_space<vmem>> -> memref<128xi32, #tpu.memory_space<vmem>>
      %dma_wait3A_791 = arith.constant 0 : i32
      %dma_wait3A_792 = arith.constant 0 : i32
      %dma_wait3A_793 = tpu.memref_slice %arg2[%dma_wait3A_791, %dma_wait3A_792] : memref<1000x64xf32, #tpu.memory_space<hbm>> -> memref<1000x64xf32, #tpu.memory_space<hbm>>
      tpu.wait_indirect_dma semaphore(%arg8 : memref<!tpu.dma_semaphore, #tpu.memory_space<semaphore_mem>>) src(%dma_wait3A_793 : memref<1000x64xf32, #tpu.memory_space<hbm>>) dst(%dma_wait3A_788 : memref<128x64xf32, #tpu.memory_space<vmem>>)
      %dma_wait3A_794 = arith.constant 384 : i32
      %dma_wait3A_795 = arith.constant 0 : i32
      %dma_wait3A_796 = tpu.memref_slice %arg7[%dma_wait3A_794, %dma_wait3A_795] : memref<1024x64xf32, #tpu.memory_space<vmem>> -> memref<128x64xf32, #tpu.memory_space<vmem>>
      %dma_wait3A_797 = arith.constant 384 : i32
      %dma_wait3A_798 = tpu.memref_slice %arg6[%dma_wait3A_797] : memref<1024xi32, #tpu.memory_space<vmem>> -> memref<128xi32, #tpu.memory_space<vmem>>
      %dma_wait3A_799 = arith.constant 0 : i32
      %dma_wait3A_800 = arith.constant 0 : i32
      %dma_wait3A_801 = tpu.memref_slice %arg2[%dma_wait3A_799, %dma_wait3A_800] : memref<1000x64xf32, #tpu.memory_space<hbm>> -> memref<1000x64xf32, #tpu.memory_space<hbm>>
      tpu.wait_indirect_dma semaphore(%arg8 : memref<!tpu.dma_semaphore, #tpu.memory_space<semaphore_mem>>) src(%dma_wait3A_801 : memref<1000x64xf32, #tpu.memory_space<hbm>>) dst(%dma_wait3A_796 : memref<128x64xf32, #tpu.memory_space<vmem>>)
      %dma_wait3A_802 = arith.constant 512 : i32
      %dma_wait3A_803 = arith.constant 0 : i32
      %dma_wait3A_804 = tpu.memref_slice %arg7[%dma_wait3A_802, %dma_wait3A_803] : memref<1024x64xf32, #tpu.memory_space<vmem>> -> memref<128x64xf32, #tpu.memory_space<vmem>>
      %dma_wait3A_805 = arith.constant 512 : i32
      %dma_wait3A_806 = tpu.memref_slice %arg6[%dma_wait3A_805] : memref<1024xi32, #tpu.memory_space<vmem>> -> memref<128xi32, #tpu.memory_space<vmem>>
      %dma_wait3A_807 = arith.constant 0 : i32
      %dma_wait3A_808 = arith.constant 0 : i32
      %dma_wait3A_809 = tpu.memref_slice %arg2[%dma_wait3A_807, %dma_wait3A_808] : memref<1000x64xf32, #tpu.memory_space<hbm>> -> memref<1000x64xf32, #tpu.memory_space<hbm>>
      tpu.wait_indirect_dma semaphore(%arg8 : memref<!tpu.dma_semaphore, #tpu.memory_space<semaphore_mem>>) src(%dma_wait3A_809 : memref<1000x64xf32, #tpu.memory_space<hbm>>) dst(%dma_wait3A_804 : memref<128x64xf32, #tpu.memory_space<vmem>>)
      %dma_wait3A_810 = arith.constant 640 : i32
      %dma_wait3A_811 = arith.constant 0 : i32
      %dma_wait3A_812 = tpu.memref_slice %arg7[%dma_wait3A_810, %dma_wait3A_811] : memref<1024x64xf32, #tpu.memory_space<vmem>> -> memref<128x64xf32, #tpu.memory_space<vmem>>
      %dma_wait3A_813 = arith.constant 640 : i32
      %dma_wait3A_814 = tpu.memref_slice %arg6[%dma_wait3A_813] : memref<1024xi32, #tpu.memory_space<vmem>> -> memref<128xi32, #tpu.memory_space<vmem>>
      %dma_wait3A_815 = arith.constant 0 : i32
      %dma_wait3A_816 = arith.constant 0 : i32
      %dma_wait3A_817 = tpu.memref_slice %arg2[%dma_wait3A_815, %dma_wait3A_816] : memref<1000x64xf32, #tpu.memory_space<hbm>> -> memref<1000x64xf32, #tpu.memory_space<hbm>>
      tpu.wait_indirect_dma semaphore(%arg8 : memref<!tpu.dma_semaphore, #tpu.memory_space<semaphore_mem>>) src(%dma_wait3A_817 : memref<1000x64xf32, #tpu.memory_space<hbm>>) dst(%dma_wait3A_812 : memref<128x64xf32, #tpu.memory_space<vmem>>)
      %dma_wait3A_818 = arith.constant 768 : i32
      %dma_wait3A_819 = arith.constant 0 : i32
      %dma_wait3A_820 = tpu.memref_slice %arg7[%dma_wait3A_818, %dma_wait3A_819] : memref<1024x64xf32, #tpu.memory_space<vmem>> -> memref<128x64xf32, #tpu.memory_space<vmem>>
      %dma_wait3A_821 = arith.constant 768 : i32
      %dma_wait3A_822 = tpu.memref_slice %arg6[%dma_wait3A_821] : memref<1024xi32, #tpu.memory_space<vmem>> -> memref<128xi32, #tpu.memory_space<vmem>>
      %dma_wait3A_823 = arith.constant 0 : i32
      %dma_wait3A_824 = arith.constant 0 : i32
      %dma_wait3A_825 = tpu.memref_slice %arg2[%dma_wait3A_823, %dma_wait3A_824] : memref<1000x64xf32, #tpu.memory_space<hbm>> -> memref<1000x64xf32, #tpu.memory_space<hbm>>
      tpu.wait_indirect_dma semaphore(%arg8 : memref<!tpu.dma_semaphore, #tpu.memory_space<semaphore_mem>>) src(%dma_wait3A_825 : memref<1000x64xf32, #tpu.memory_space<hbm>>) dst(%dma_wait3A_820 : memref<128x64xf32, #tpu.memory_space<vmem>>)
      %dma_wait3A_826 = arith.constant 896 : i32
      %dma_wait3A_827 = arith.constant 0 : i32
      %dma_wait3A_828 = tpu.memref_slice %arg7[%dma_wait3A_826, %dma_wait3A_827] : memref<1024x64xf32, #tpu.memory_space<vmem>> -> memref<128x64xf32, #tpu.memory_space<vmem>>
      %dma_wait3A_829 = arith.constant 896 : i32
      %dma_wait3A_830 = tpu.memref_slice %arg6[%dma_wait3A_829] : memref<1024xi32, #tpu.memory_space<vmem>> -> memref<128xi32, #tpu.memory_space<vmem>>
      %dma_wait3A_831 = arith.constant 0 : i32
      %dma_wait3A_832 = arith.constant 0 : i32
      %dma_wait3A_833 = tpu.memref_slice %arg2[%dma_wait3A_831, %dma_wait3A_832] : memref<1000x64xf32, #tpu.memory_space<hbm>> -> memref<1000x64xf32, #tpu.memory_space<hbm>>
      tpu.wait_indirect_dma semaphore(%arg8 : memref<!tpu.dma_semaphore, #tpu.memory_space<semaphore_mem>>) src(%dma_wait3A_833 : memref<1000x64xf32, #tpu.memory_space<hbm>>) dst(%dma_wait3A_828 : memref<128x64xf32, #tpu.memory_space<vmem>>)
      %mul3A_834 = arith.constant 1024 : i32
      %mul3A_835 = arith.muli %add3A, %mul3A_834 : i32
      "tpu.region"() ({
        %run_scoped3A = tpu.sem_alloc : memref<!tpu.dma_semaphore, #tpu.memory_space<semaphore_mem>>
        %dma_start3A_836 = arith.constant 0 : i32
        %dma_start3A_837 = tpu.memref_slice %arg4[%mul3A_835, %dma_start3A_836] : memref<24576x64xf32, #tpu.memory_space<hbm>> -> memref<1024x64xf32, #tpu.memory_space<hbm>>
        %dma_start3A_838 = arith.constant 0 : i32
        %dma_start3A_839 = tpu.memref_slice %arg4[%mul3A_835, %dma_start3A_838] : memref<24576x64xf32, #tpu.memory_space<hbm>> -> memref<1024x64xf32, #tpu.memory_space<hbm>>
        tpu.enqueue_dma source(%arg7 : memref<1024x64xf32, #tpu.memory_space<vmem>>) target(%dma_start3A_839 : memref<1024x64xf32, #tpu.memory_space<hbm>>) target_semaphore(%run_scoped3A : memref<!tpu.dma_semaphore, #tpu.memory_space<semaphore_mem>>)
        %dma_wait3A_840 = arith.constant 0 : i32
        %dma_wait3A_841 = tpu.memref_slice %arg4[%mul3A_835, %dma_wait3A_840] : memref<24576x64xf32, #tpu.memory_space<hbm>> -> memref<1024x64xf32, #tpu.memory_space<hbm>>
        %dma_wait3A_842 = arith.constant 0 : i32
        %dma_wait3A_843 = tpu.memref_slice %arg4[%mul3A_835, %dma_wait3A_842] : memref<24576x64xf32, #tpu.memory_space<hbm>> -> memref<1024x64xf32, #tpu.memory_space<hbm>>
        tpu.wait_dma2 semaphore(%run_scoped3A : memref<!tpu.dma_semaphore, #tpu.memory_space<semaphore_mem>>) src(%arg7 : memref<1024x64xf32, #tpu.memory_space<vmem>>) dst(%dma_wait3A_843 : memref<1024x64xf32, #tpu.memory_space<hbm>>)
        tpu.yield
      }) : () -> ()
    } else {
    }
    return
  }
}

#map = affine_map<(d0, d1) -> (0, 0)>
#map1 = affine_map<(d0, d1) -> (0)>
module attributes {stable_mosaic.version = 14 : i64} {
  func.func @gather_k(%arg0: i32, %arg1: i32, %arg2: memref<1000x64xf32, #tpu.memory_space<hbm>>, %arg3: memref<24576xi32, #tpu.memory_space<hbm>>, %arg4: memref<24576x64xf32, #tpu.memory_space<hbm>>, %arg5: memref<1024xi32, #tpu.memory_space<vmem>>, %arg6: memref<1024xi32, #tpu.memory_space<vmem>>, %arg7: memref<1024x64xf32, #tpu.memory_space<vmem>>, %arg8: memref<!tpu.dma_semaphore, #tpu.memory_space<semaphore_mem>>) attributes {dimension_semantics = [#tpu.dimension_semantics<core_parallel>, #tpu.dimension_semantics<subcore_parallel>], iteration_bounds = array<i64: 2, 16>, scalar_prefetch = 0 : i64, scratch_operands = 4 : i64, tpu.core_type = #tpu.core_type<sc_vector_subcore>, window_params = [{transform_indices = #map}, {transform_indices = #map1}, {transform_indices = #map}]} {
    %mul3A = arith.constant 2 : i32
    %mul3A_0 = arith.muli %arg1, %mul3A : i32
    %add3A = arith.addi %mul3A_0, %arg0 : i32
    %lt3A = arith.constant 24 : i32
    %lt3A_1 = arith.cmpi slt, %add3A, %lt3A : i32
    %convert_element_type3A = arith.extui %lt3A_1 : i1 to i32
    %cond3A = arith.constant 0 : i32
    %cond3A_2 = arith.cmpi ne, %convert_element_type3A, %cond3A : i32
    scf.if %cond3A_2 {
      %mul3A_3 = arith.constant 1024 : i32
      %mul3A_4 = arith.muli %add3A, %mul3A_3 : i32
      "tpu.region"() ({
        %run_scoped3A = tpu.sem_alloc : memref<!tpu.dma_semaphore, #tpu.memory_space<semaphore_mem>>
        %dma_start3A_836 = tpu.memref_slice %arg3[%mul3A_4] : memref<24576xi32, #tpu.memory_space<hbm>> -> memref<1024xi32, #tpu.memory_space<hbm>>
        %dma_start3A_837 = tpu.memref_slice %arg3[%mul3A_4] : memref<24576xi32, #tpu.memory_space<hbm>> -> memref<1024xi32, #tpu.memory_space<hbm>>
        tpu.enqueue_dma source(%dma_start3A_837 : memref<1024xi32, #tpu.memory_space<hbm>>) target(%arg5 : memref<1024xi32, #tpu.memory_space<vmem>>) target_semaphore(%run_scoped3A : memref<!tpu.dma_semaphore, #tpu.memory_space<semaphore_mem>>)
        %dma_wait3A_838 = tpu.memref_slice %arg3[%mul3A_4] : memref<24576xi32, #tpu.memory_space<hbm>> -> memref<1024xi32, #tpu.memory_space<hbm>>
        %dma_wait3A_839 = tpu.memref_slice %arg3[%mul3A_4] : memref<24576xi32, #tpu.memory_space<hbm>> -> memref<1024xi32, #tpu.memory_space<hbm>>
        tpu.wait_dma2 semaphore(%run_scoped3A : memref<!tpu.dma_semaphore, #tpu.memory_space<semaphore_mem>>) src(%dma_wait3A_839 : memref<1024xi32, #tpu.memory_space<hbm>>) dst(%arg5 : memref<1024xi32, #tpu.memory_space<vmem>>)
        tpu.yield
      }) : () -> ()
      %iota3A = tpu.iota {dimensions = array<i32: 0>} : vector<16xi32>
      %get3A = arith.constant 0 : index
      %get3A_5 = tpu.vector_load %arg5[%get3A] {strides = array<i32>} : memref<1024xi32, #tpu.memory_space<vmem>>, vector<16xi32>,
      %mul3A_6 = arith.constant 2 : i32
      %mul3A_7 = vector.broadcast %mul3A_6 : i32 to vector<16xi32>
      %mul3A_8 = arith.muli %mul3A_7, %iota3A : vector<16xi32>
      %add3A_9 = arith.constant 0 : i32
      %add3A_10 = vector.broadcast %add3A_9 : i32 to vector<16xi32>
      %add3A_11 = arith.addi %mul3A_8, %add3A_10 : vector<16xi32>
      %add3A_12 = arith.constant 0 : i32
      %add3A_13 = vector.broadcast %add3A_12 : i32 to vector<16xi32>
      %add3A_14 = arith.addi %add3A_11, %add3A_13 : vector<16xi32>
      tpu.vector_store_idx %arg6[%add3A_14], %get3A_5 : memref<1024xi32, #tpu.memory_space<vmem>>[vector<16xi32>], vector<16xi32>,
      %get3A_15 = arith.constant 16 : index
      %get3A_16 = tpu.vector_load %arg5[%get3A_15] {strides = array<i32>} : memref<1024xi32, #tpu.memory_space<vmem>>, vector<16xi32>,
      %mul3A_17 = arith.constant 2 : i32
      %mul3A_18 = vector.broadcast %mul3A_17 : i32 to vector<16xi32>
      %mul3A_19 = arith.muli %mul3A_18, %iota3A : vector<16xi32>
      %add3A_20 = arith.constant 32 : i32
      %add3A_21 = vector.broadcast %add3A_20 : i32 to vector<16xi32>
      %add3A_22 = arith.addi %mul3A_19, %add3A_21 : vector<16xi32>
      %add3A_23 = arith.constant 0 : i32
      %add3A_24 = vector.broadcast %add3A_23 : i32 to vector<16xi32>
      %add3A_25 = arith.addi %add3A_22, %add3A_24 : vector<16xi32>
      tpu.vector_store_idx %arg6[%add3A_25], %get3A_16 : memref<1024xi32, #tpu.memory_space<vmem>>[vector<16xi32>], vector<16xi32>,
      %get3A_26 = arith.constant 32 : index
      %get3A_27 = tpu.vector_load %arg5[%get3A_26] {strides = array<i32>} : memref<1024xi32, #tpu.memory_space<vmem>>, vector<16xi32>,
      %mul3A_28 = arith.constant 2 : i32
      %mul3A_29 = vector.broadcast %mul3A_28 : i32 to vector<16xi32>
      %mul3A_30 = arith.muli %mul3A_29, %iota3A : vector<16xi32>
      %add3A_31 = arith.constant 64 : i32
      %add3A_32 = vector.broadcast %add3A_31 : i32 to vector<16xi32>
      %add3A_33 = arith.addi %mul3A_30, %add3A_32 : vector<16xi32>
      %add3A_34 = arith.constant 0 : i32
      %add3A_35 = vector.broadcast %add3A_34 : i32 to vector<16xi32>
      %add3A_36 = arith.addi %add3A_33, %add3A_35 : vector<16xi32>
      tpu.vector_store_idx %arg6[%add3A_36], %get3A_27 : memref<1024xi32, #tpu.memory_space<vmem>>[vector<16xi32>], vector<16xi32>,
      %get3A_37 = arith.constant 48 : index
      %get3A_38 = tpu.vector_load %arg5[%get3A_37] {strides = array<i32>} : memref<1024xi32, #tpu.memory_space<vmem>>, vector<16xi32>,
      %mul3A_39 = arith.constant 2 : i32
      %mul3A_40 = vector.broadcast %mul3A_39 : i32 to vector<16xi32>
      %mul3A_41 = arith.muli %mul3A_40, %iota3A : vector<16xi32>
      %add3A_42 = arith.constant 96 : i32
      %add3A_43 = vector.broadcast %add3A_42 : i32 to vector<16xi32>
      %add3A_44 = arith.addi %mul3A_41, %add3A_43 : vector<16xi32>
      %add3A_45 = arith.constant 0 : i32
      %add3A_46 = vector.broadcast %add3A_45 : i32 to vector<16xi32>
      %add3A_47 = arith.addi %add3A_44, %add3A_46 : vector<16xi32>
      tpu.vector_store_idx %arg6[%add3A_47], %get3A_38 : memref<1024xi32, #tpu.memory_space<vmem>>[vector<16xi32>], vector<16xi32>,
      %get3A_48 = arith.constant 64 : index
      %get3A_49 = tpu.vector_load %arg5[%get3A_48] {strides = array<i32>} : memref<1024xi32, #tpu.memory_space<vmem>>, vector<16xi32>,
      %mul3A_50 = arith.constant 2 : i32
      %mul3A_51 = vector.broadcast %mul3A_50 : i32 to vector<16xi32>
      %mul3A_52 = arith.muli %mul3A_51, %iota3A : vector<16xi32>
      %add3A_53 = arith.constant 128 : i32
      %add3A_54 = vector.broadcast %add3A_53 : i32 to vector<16xi32>
      %add3A_55 = arith.addi %mul3A_52, %add3A_54 : vector<16xi32>
      %add3A_56 = arith.constant 0 : i32
      %add3A_57 = vector.broadcast %add3A_56 : i32 to vector<16xi32>
      %add3A_58 = arith.addi %add3A_55, %add3A_57 : vector<16xi32>
      tpu.vector_store_idx %arg6[%add3A_58], %get3A_49 : memref<1024xi32, #tpu.memory_space<vmem>>[vector<16xi32>], vector<16xi32>,
      %get3A_59 = arith.constant 80 : index
      %get3A_60 = tpu.vector_load %arg5[%get3A_59] {strides = array<i32>} : memref<1024xi32, #tpu.memory_space<vmem>>, vector<16xi32>,
      %mul3A_61 = arith.constant 2 : i32
      %mul3A_62 = vector.broadcast %mul3A_61 : i32 to vector<16xi32>
      %mul3A_63 = arith.muli %mul3A_62, %iota3A : vector<16xi32>
      %add3A_64 = arith.constant 160 : i32
      %add3A_65 = vector.broadcast %add3A_64 : i32 to vector<16xi32>
      %add3A_66 = arith.addi %mul3A_63, %add3A_65 : vector<16xi32>
      %add3A_67 = arith.constant 0 : i32
      %add3A_68 = vector.broadcast %add3A_67 : i32 to vector<16xi32>
      %add3A_69 = arith.addi %add3A_66, %add3A_68 : vector<16xi32>
      tpu.vector_store_idx %arg6[%add3A_69], %get3A_60 : memref<1024xi32, #tpu.memory_space<vmem>>[vector<16xi32>], vector<16xi32>,
      %get3A_70 = arith.constant 96 : index
      %get3A_71 = tpu.vector_load %arg5[%get3A_70] {strides = array<i32>} : memref<1024xi32, #tpu.memory_space<vmem>>, vector<16xi32>,
      %mul3A_72 = arith.constant 2 : i32
      %mul3A_73 = vector.broadcast %mul3A_72 : i32 to vector<16xi32>
      %mul3A_74 = arith.muli %mul3A_73, %iota3A : vector<16xi32>
      %add3A_75 = arith.constant 192 : i32
      %add3A_76 = vector.broadcast %add3A_75 : i32 to vector<16xi32>
      %add3A_77 = arith.addi %mul3A_74, %add3A_76 : vector<16xi32>
      %add3A_78 = arith.constant 0 : i32
      %add3A_79 = vector.broadcast %add3A_78 : i32 to vector<16xi32>
      %add3A_80 = arith.addi %add3A_77, %add3A_79 : vector<16xi32>
      tpu.vector_store_idx %arg6[%add3A_80], %get3A_71 : memref<1024xi32, #tpu.memory_space<vmem>>[vector<16xi32>], vector<16xi32>,
      %get3A_81 = arith.constant 112 : index
      %get3A_82 = tpu.vector_load %arg5[%get3A_81] {strides = array<i32>} : memref<1024xi32, #tpu.memory_space<vmem>>, vector<16xi32>,
      %mul3A_83 = arith.constant 2 : i32
      %mul3A_84 = vector.broadcast %mul3A_83 : i32 to vector<16xi32>
      %mul3A_85 = arith.muli %mul3A_84, %iota3A : vector<16xi32>
      %add3A_86 = arith.constant 224 : i32
      %add3A_87 = vector.broadcast %add3A_86 : i32 to vector<16xi32>
      %add3A_88 = arith.addi %mul3A_85, %add3A_87 : vector<16xi32>
      %add3A_89 = arith.constant 0 : i32
      %add3A_90 = vector.broadcast %add3A_89 : i32 to vector<16xi32>
      %add3A_91 = arith.addi %add3A_88, %add3A_90 : vector<16xi32>
      tpu.vector_store_idx %arg6[%add3A_91], %get3A_82 : memref<1024xi32, #tpu.memory_space<vmem>>[vector<16xi32>], vector<16xi32>,
      %get3A_92 = arith.constant 128 : index
      %get3A_93 = tpu.vector_load %arg5[%get3A_92] {strides = array<i32>} : memref<1024xi32, #tpu.memory_space<vmem>>, vector<16xi32>,
      %mul3A_94 = arith.constant 2 : i32
      %mul3A_95 = vector.broadcast %mul3A_94 : i32 to vector<16xi32>
      %mul3A_96 = arith.muli %mul3A_95, %iota3A : vector<16xi32>
      %add3A_97 = arith.constant 256 : i32
      %add3A_98 = vector.broadcast %add3A_97 : i32 to vector<16xi32>
      %add3A_99 = arith.addi %mul3A_96, %add3A_98 : vector<16xi32>
      %add3A_100 = arith.constant 0 : i32
      %add3A_101 = vector.broadcast %add3A_100 : i32 to vector<16xi32>
      %add3A_102 = arith.addi %add3A_99, %add3A_101 : vector<16xi32>
      tpu.vector_store_idx %arg6[%add3A_102], %get3A_93 : memref<1024xi32, #tpu.memory_space<vmem>>[vector<16xi32>], vector<16xi32>,
      %get3A_103 = arith.constant 144 : index
      %get3A_104 = tpu.vector_load %arg5[%get3A_103] {strides = array<i32>} : memref<1024xi32, #tpu.memory_space<vmem>>, vector<16xi32>,
      %mul3A_105 = arith.constant 2 : i32
      %mul3A_106 = vector.broadcast %mul3A_105 : i32 to vector<16xi32>
      %mul3A_107 = arith.muli %mul3A_106, %iota3A : vector<16xi32>
      %add3A_108 = arith.constant 288 : i32
      %add3A_109 = vector.broadcast %add3A_108 : i32 to vector<16xi32>
      %add3A_110 = arith.addi %mul3A_107, %add3A_109 : vector<16xi32>
      %add3A_111 = arith.constant 0 : i32
      %add3A_112 = vector.broadcast %add3A_111 : i32 to vector<16xi32>
      %add3A_113 = arith.addi %add3A_110, %add3A_112 : vector<16xi32>
      tpu.vector_store_idx %arg6[%add3A_113], %get3A_104 : memref<1024xi32, #tpu.memory_space<vmem>>[vector<16xi32>], vector<16xi32>,
      %get3A_114 = arith.constant 160 : index
      %get3A_115 = tpu.vector_load %arg5[%get3A_114] {strides = array<i32>} : memref<1024xi32, #tpu.memory_space<vmem>>, vector<16xi32>,
      %mul3A_116 = arith.constant 2 : i32
      %mul3A_117 = vector.broadcast %mul3A_116 : i32 to vector<16xi32>
      %mul3A_118 = arith.muli %mul3A_117, %iota3A : vector<16xi32>
      %add3A_119 = arith.constant 320 : i32
      %add3A_120 = vector.broadcast %add3A_119 : i32 to vector<16xi32>
      %add3A_121 = arith.addi %mul3A_118, %add3A_120 : vector<16xi32>
      %add3A_122 = arith.constant 0 : i32
      %add3A_123 = vector.broadcast %add3A_122 : i32 to vector<16xi32>
      %add3A_124 = arith.addi %add3A_121, %add3A_123 : vector<16xi32>
      tpu.vector_store_idx %arg6[%add3A_124], %get3A_115 : memref<1024xi32, #tpu.memory_space<vmem>>[vector<16xi32>], vector<16xi32>,
      %get3A_125 = arith.constant 176 : index
      %get3A_126 = tpu.vector_load %arg5[%get3A_125] {strides = array<i32>} : memref<1024xi32, #tpu.memory_space<vmem>>, vector<16xi32>,
      %mul3A_127 = arith.constant 2 : i32
      %mul3A_128 = vector.broadcast %mul3A_127 : i32 to vector<16xi32>
      %mul3A_129 = arith.muli %mul3A_128, %iota3A : vector<16xi32>
      %add3A_130 = arith.constant 352 : i32
      %add3A_131 = vector.broadcast %add3A_130 : i32 to vector<16xi32>
      %add3A_132 = arith.addi %mul3A_129, %add3A_131 : vector<16xi32>
      %add3A_133 = arith.constant 0 : i32
      %add3A_134 = vector.broadcast %add3A_133 : i32 to vector<16xi32>
      %add3A_135 = arith.addi %add3A_132, %add3A_134 : vector<16xi32>
      tpu.vector_store_idx %arg6[%add3A_135], %get3A_126 : memref<1024xi32, #tpu.memory_space<vmem>>[vector<16xi32>], vector<16xi32>,
      %get3A_136 = arith.constant 192 : index
      %get3A_137 = tpu.vector_load %arg5[%get3A_136] {strides = array<i32>} : memref<1024xi32, #tpu.memory_space<vmem>>, vector<16xi32>,
      %mul3A_138 = arith.constant 2 : i32
      %mul3A_139 = vector.broadcast %mul3A_138 : i32 to vector<16xi32>
      %mul3A_140 = arith.muli %mul3A_139, %iota3A : vector<16xi32>
      %add3A_141 = arith.constant 384 : i32
      %add3A_142 = vector.broadcast %add3A_141 : i32 to vector<16xi32>
      %add3A_143 = arith.addi %mul3A_140, %add3A_142 : vector<16xi32>
      %add3A_144 = arith.constant 0 : i32
      %add3A_145 = vector.broadcast %add3A_144 : i32 to vector<16xi32>
      %add3A_146 = arith.addi %add3A_143, %add3A_145 : vector<16xi32>
      tpu.vector_store_idx %arg6[%add3A_146], %get3A_137 : memref<1024xi32, #tpu.memory_space<vmem>>[vector<16xi32>], vector<16xi32>,
      %get3A_147 = arith.constant 208 : index
      %get3A_148 = tpu.vector_load %arg5[%get3A_147] {strides = array<i32>} : memref<1024xi32, #tpu.memory_space<vmem>>, vector<16xi32>,
      %mul3A_149 = arith.constant 2 : i32
      %mul3A_150 = vector.broadcast %mul3A_149 : i32 to vector<16xi32>
      %mul3A_151 = arith.muli %mul3A_150, %iota3A : vector<16xi32>
      %add3A_152 = arith.constant 416 : i32
      %add3A_153 = vector.broadcast %add3A_152 : i32 to vector<16xi32>
      %add3A_154 = arith.addi %mul3A_151, %add3A_153 : vector<16xi32>
      %add3A_155 = arith.constant 0 : i32
      %add3A_156 = vector.broadcast %add3A_155 : i32 to vector<16xi32>
      %add3A_157 = arith.addi %add3A_154, %add3A_156 : vector<16xi32>
      tpu.vector_store_idx %arg6[%add3A_157], %get3A_148 : memref<1024xi32, #tpu.memory_space<vmem>>[vector<16xi32>], vector<16xi32>,
      %get3A_158 = arith.constant 224 : index
      %get3A_159 = tpu.vector_load %arg5[%get3A_158] {strides = array<i32>} : memref<1024xi32, #tpu.memory_space<vmem>>, vector<16xi32>,
      %mul3A_160 = arith.constant 2 : i32
      %mul3A_161 = vector.broadcast %mul3A_160 : i32 to vector<16xi32>
      %mul3A_162 = arith.muli %mul3A_161, %iota3A : vector<16xi32>
      %add3A_163 = arith.constant 448 : i32
      %add3A_164 = vector.broadcast %add3A_163 : i32 to vector<16xi32>
      %add3A_165 = arith.addi %mul3A_162, %add3A_164 : vector<16xi32>
      %add3A_166 = arith.constant 0 : i32
      %add3A_167 = vector.broadcast %add3A_166 : i32 to vector<16xi32>
      %add3A_168 = arith.addi %add3A_165, %add3A_167 : vector<16xi32>
      tpu.vector_store_idx %arg6[%add3A_168], %get3A_159 : memref<1024xi32, #tpu.memory_space<vmem>>[vector<16xi32>], vector<16xi32>,
      %get3A_169 = arith.constant 240 : index
      %get3A_170 = tpu.vector_load %arg5[%get3A_169] {strides = array<i32>} : memref<1024xi32, #tpu.memory_space<vmem>>, vector<16xi32>,
      %mul3A_171 = arith.constant 2 : i32
      %mul3A_172 = vector.broadcast %mul3A_171 : i32 to vector<16xi32>
      %mul3A_173 = arith.muli %mul3A_172, %iota3A : vector<16xi32>
      %add3A_174 = arith.constant 480 : i32
      %add3A_175 = vector.broadcast %add3A_174 : i32 to vector<16xi32>
      %add3A_176 = arith.addi %mul3A_173, %add3A_175 : vector<16xi32>
      %add3A_177 = arith.constant 0 : i32
      %add3A_178 = vector.broadcast %add3A_177 : i32 to vector<16xi32>
      %add3A_179 = arith.addi %add3A_176, %add3A_178 : vector<16xi32>
      tpu.vector_store_idx %arg6[%add3A_179], %get3A_170 : memref<1024xi32, #tpu.memory_space<vmem>>[vector<16xi32>], vector<16xi32>,
      %get3A_180 = arith.constant 256 : index
      %get3A_181 = tpu.vector_load %arg5[%get3A_180] {strides = array<i32>} : memref<1024xi32, #tpu.memory_space<vmem>>, vector<16xi32>,
      %mul3A_182 = arith.constant 2 : i32
      %mul3A_183 = vector.broadcast %mul3A_182 : i32 to vector<16xi32>
      %mul3A_184 = arith.muli %mul3A_183, %iota3A : vector<16xi32>
      %add3A_185 = arith.constant 512 : i32
      %add3A_186 = vector.broadcast %add3A_185 : i32 to vector<16xi32>
      %add3A_187 = arith.addi %mul3A_184, %add3A_186 : vector<16xi32>
      %add3A_188 = arith.constant 0 : i32
      %add3A_189 = vector.broadcast %add3A_188 : i32 to vector<16xi32>
      %add3A_190 = arith.addi %add3A_187, %add3A_189 : vector<16xi32>
      tpu.vector_store_idx %arg6[%add3A_190], %get3A_181 : memref<1024xi32, #tpu.memory_space<vmem>>[vector<16xi32>], vector<16xi32>,
      %get3A_191 = arith.constant 272 : index
      %get3A_192 = tpu.vector_load %arg5[%get3A_191] {strides = array<i32>} : memref<1024xi32, #tpu.memory_space<vmem>>, vector<16xi32>,
      %mul3A_193 = arith.constant 2 : i32
      %mul3A_194 = vector.broadcast %mul3A_193 : i32 to vector<16xi32>
      %mul3A_195 = arith.muli %mul3A_194, %iota3A : vector<16xi32>
      %add3A_196 = arith.constant 544 : i32
      %add3A_197 = vector.broadcast %add3A_196 : i32 to vector<16xi32>
      %add3A_198 = arith.addi %mul3A_195, %add3A_197 : vector<16xi32>
      %add3A_199 = arith.constant 0 : i32
      %add3A_200 = vector.broadcast %add3A_199 : i32 to vector<16xi32>
      %add3A_201 = arith.addi %add3A_198, %add3A_200 : vector<16xi32>
      tpu.vector_store_idx %arg6[%add3A_201], %get3A_192 : memref<1024xi32, #tpu.memory_space<vmem>>[vector<16xi32>], vector<16xi32>,
      %get3A_202 = arith.constant 288 : index
      %get3A_203 = tpu.vector_load %arg5[%get3A_202] {strides = array<i32>} : memref<1024xi32, #tpu.memory_space<vmem>>, vector<16xi32>,
      %mul3A_204 = arith.constant 2 : i32
      %mul3A_205 = vector.broadcast %mul3A_204 : i32 to vector<16xi32>
      %mul3A_206 = arith.muli %mul3A_205, %iota3A : vector<16xi32>
      %add3A_207 = arith.constant 576 : i32
      %add3A_208 = vector.broadcast %add3A_207 : i32 to vector<16xi32>
      %add3A_209 = arith.addi %mul3A_206, %add3A_208 : vector<16xi32>
      %add3A_210 = arith.constant 0 : i32
      %add3A_211 = vector.broadcast %add3A_210 : i32 to vector<16xi32>
      %add3A_212 = arith.addi %add3A_209, %add3A_211 : vector<16xi32>
      tpu.vector_store_idx %arg6[%add3A_212], %get3A_203 : memref<1024xi32, #tpu.memory_space<vmem>>[vector<16xi32>], vector<16xi32>,
      %get3A_213 = arith.constant 304 : index
      %get3A_214 = tpu.vector_load %arg5[%get3A_213] {strides = array<i32>} : memref<1024xi32, #tpu.memory_space<vmem>>, vector<16xi32>,
      %mul3A_215 = arith.constant 2 : i32
      %mul3A_216 = vector.broadcast %mul3A_215 : i32 to vector<16xi32>
      %mul3A_217 = arith.muli %mul3A_216, %iota3A : vector<16xi32>
      %add3A_218 = arith.constant 608 : i32
      %add3A_219 = vector.broadcast %add3A_218 : i32 to vector<16xi32>
      %add3A_220 = arith.addi %mul3A_217, %add3A_219 : vector<16xi32>
      %add3A_221 = arith.constant 0 : i32
      %add3A_222 = vector.broadcast %add3A_221 : i32 to vector<16xi32>
      %add3A_223 = arith.addi %add3A_220, %add3A_222 : vector<16xi32>
      tpu.vector_store_idx %arg6[%add3A_223], %get3A_214 : memref<1024xi32, #tpu.memory_space<vmem>>[vector<16xi32>], vector<16xi32>,
      %get3A_224 = arith.constant 320 : index
      %get3A_225 = tpu.vector_load %arg5[%get3A_224] {strides = array<i32>} : memref<1024xi32, #tpu.memory_space<vmem>>, vector<16xi32>,
      %mul3A_226 = arith.constant 2 : i32
      %mul3A_227 = vector.broadcast %mul3A_226 : i32 to vector<16xi32>
      %mul3A_228 = arith.muli %mul3A_227, %iota3A : vector<16xi32>
      %add3A_229 = arith.constant 640 : i32
      %add3A_230 = vector.broadcast %add3A_229 : i32 to vector<16xi32>
      %add3A_231 = arith.addi %mul3A_228, %add3A_230 : vector<16xi32>
      %add3A_232 = arith.constant 0 : i32
      %add3A_233 = vector.broadcast %add3A_232 : i32 to vector<16xi32>
      %add3A_234 = arith.addi %add3A_231, %add3A_233 : vector<16xi32>
      tpu.vector_store_idx %arg6[%add3A_234], %get3A_225 : memref<1024xi32, #tpu.memory_space<vmem>>[vector<16xi32>], vector<16xi32>,
      %get3A_235 = arith.constant 336 : index
      %get3A_236 = tpu.vector_load %arg5[%get3A_235] {strides = array<i32>} : memref<1024xi32, #tpu.memory_space<vmem>>, vector<16xi32>,
      %mul3A_237 = arith.constant 2 : i32
      %mul3A_238 = vector.broadcast %mul3A_237 : i32 to vector<16xi32>
      %mul3A_239 = arith.muli %mul3A_238, %iota3A : vector<16xi32>
      %add3A_240 = arith.constant 672 : i32
      %add3A_241 = vector.broadcast %add3A_240 : i32 to vector<16xi32>
      %add3A_242 = arith.addi %mul3A_239, %add3A_241 : vector<16xi32>
      %add3A_243 = arith.constant 0 : i32
      %add3A_244 = vector.broadcast %add3A_243 : i32 to vector<16xi32>
      %add3A_245 = arith.addi %add3A_242, %add3A_244 : vector<16xi32>
      tpu.vector_store_idx %arg6[%add3A_245], %get3A_236 : memref<1024xi32, #tpu.memory_space<vmem>>[vector<16xi32>], vector<16xi32>,
      %get3A_246 = arith.constant 352 : index
      %get3A_247 = tpu.vector_load %arg5[%get3A_246] {strides = array<i32>} : memref<1024xi32, #tpu.memory_space<vmem>>, vector<16xi32>,
      %mul3A_248 = arith.constant 2 : i32
      %mul3A_249 = vector.broadcast %mul3A_248 : i32 to vector<16xi32>
      %mul3A_250 = arith.muli %mul3A_249, %iota3A : vector<16xi32>
      %add3A_251 = arith.constant 704 : i32
      %add3A_252 = vector.broadcast %add3A_251 : i32 to vector<16xi32>
      %add3A_253 = arith.addi %mul3A_250, %add3A_252 : vector<16xi32>
      %add3A_254 = arith.constant 0 : i32
      %add3A_255 = vector.broadcast %add3A_254 : i32 to vector<16xi32>
      %add3A_256 = arith.addi %add3A_253, %add3A_255 : vector<16xi32>
      tpu.vector_store_idx %arg6[%add3A_256], %get3A_247 : memref<1024xi32, #tpu.memory_space<vmem>>[vector<16xi32>], vector<16xi32>,
      %get3A_257 = arith.constant 368 : index
      %get3A_258 = tpu.vector_load %arg5[%get3A_257] {strides = array<i32>} : memref<1024xi32, #tpu.memory_space<vmem>>, vector<16xi32>,
      %mul3A_259 = arith.constant 2 : i32
      %mul3A_260 = vector.broadcast %mul3A_259 : i32 to vector<16xi32>
      %mul3A_261 = arith.muli %mul3A_260, %iota3A : vector<16xi32>
      %add3A_262 = arith.constant 736 : i32
      %add3A_263 = vector.broadcast %add3A_262 : i32 to vector<16xi32>
      %add3A_264 = arith.addi %mul3A_261, %add3A_263 : vector<16xi32>
      %add3A_265 = arith.constant 0 : i32
      %add3A_266 = vector.broadcast %add3A_265 : i32 to vector<16xi32>
      %add3A_267 = arith.addi %add3A_264, %add3A_266 : vector<16xi32>
      tpu.vector_store_idx %arg6[%add3A_267], %get3A_258 : memref<1024xi32, #tpu.memory_space<vmem>>[vector<16xi32>], vector<16xi32>,
      %get3A_268 = arith.constant 384 : index
      %get3A_269 = tpu.vector_load %arg5[%get3A_268] {strides = array<i32>} : memref<1024xi32, #tpu.memory_space<vmem>>, vector<16xi32>,
      %mul3A_270 = arith.constant 2 : i32
      %mul3A_271 = vector.broadcast %mul3A_270 : i32 to vector<16xi32>
      %mul3A_272 = arith.muli %mul3A_271, %iota3A : vector<16xi32>
      %add3A_273 = arith.constant 768 : i32
      %add3A_274 = vector.broadcast %add3A_273 : i32 to vector<16xi32>
      %add3A_275 = arith.addi %mul3A_272, %add3A_274 : vector<16xi32>
      %add3A_276 = arith.constant 0 : i32
      %add3A_277 = vector.broadcast %add3A_276 : i32 to vector<16xi32>
      %add3A_278 = arith.addi %add3A_275, %add3A_277 : vector<16xi32>
      tpu.vector_store_idx %arg6[%add3A_278], %get3A_269 : memref<1024xi32, #tpu.memory_space<vmem>>[vector<16xi32>], vector<16xi32>,
      %get3A_279 = arith.constant 400 : index
      %get3A_280 = tpu.vector_load %arg5[%get3A_279] {strides = array<i32>} : memref<1024xi32, #tpu.memory_space<vmem>>, vector<16xi32>,
      %mul3A_281 = arith.constant 2 : i32
      %mul3A_282 = vector.broadcast %mul3A_281 : i32 to vector<16xi32>
      %mul3A_283 = arith.muli %mul3A_282, %iota3A : vector<16xi32>
      %add3A_284 = arith.constant 800 : i32
      %add3A_285 = vector.broadcast %add3A_284 : i32 to vector<16xi32>
      %add3A_286 = arith.addi %mul3A_283, %add3A_285 : vector<16xi32>
      %add3A_287 = arith.constant 0 : i32
      %add3A_288 = vector.broadcast %add3A_287 : i32 to vector<16xi32>
      %add3A_289 = arith.addi %add3A_286, %add3A_288 : vector<16xi32>
      tpu.vector_store_idx %arg6[%add3A_289], %get3A_280 : memref<1024xi32, #tpu.memory_space<vmem>>[vector<16xi32>], vector<16xi32>,
      %get3A_290 = arith.constant 416 : index
      %get3A_291 = tpu.vector_load %arg5[%get3A_290] {strides = array<i32>} : memref<1024xi32, #tpu.memory_space<vmem>>, vector<16xi32>,
      %mul3A_292 = arith.constant 2 : i32
      %mul3A_293 = vector.broadcast %mul3A_292 : i32 to vector<16xi32>
      %mul3A_294 = arith.muli %mul3A_293, %iota3A : vector<16xi32>
      %add3A_295 = arith.constant 832 : i32
      %add3A_296 = vector.broadcast %add3A_295 : i32 to vector<16xi32>
      %add3A_297 = arith.addi %mul3A_294, %add3A_296 : vector<16xi32>
      %add3A_298 = arith.constant 0 : i32
      %add3A_299 = vector.broadcast %add3A_298 : i32 to vector<16xi32>
      %add3A_300 = arith.addi %add3A_297, %add3A_299 : vector<16xi32>
      tpu.vector_store_idx %arg6[%add3A_300], %get3A_291 : memref<1024xi32, #tpu.memory_space<vmem>>[vector<16xi32>], vector<16xi32>,
      %get3A_301 = arith.constant 432 : index
      %get3A_302 = tpu.vector_load %arg5[%get3A_301] {strides = array<i32>} : memref<1024xi32, #tpu.memory_space<vmem>>, vector<16xi32>,
      %mul3A_303 = arith.constant 2 : i32
      %mul3A_304 = vector.broadcast %mul3A_303 : i32 to vector<16xi32>
      %mul3A_305 = arith.muli %mul3A_304, %iota3A : vector<16xi32>
      %add3A_306 = arith.constant 864 : i32
      %add3A_307 = vector.broadcast %add3A_306 : i32 to vector<16xi32>
      %add3A_308 = arith.addi %mul3A_305, %add3A_307 : vector<16xi32>
      %add3A_309 = arith.constant 0 : i32
      %add3A_310 = vector.broadcast %add3A_309 : i32 to vector<16xi32>
      %add3A_311 = arith.addi %add3A_308, %add3A_310 : vector<16xi32>
      tpu.vector_store_idx %arg6[%add3A_311], %get3A_302 : memref<1024xi32, #tpu.memory_space<vmem>>[vector<16xi32>], vector<16xi32>,
      %get3A_312 = arith.constant 448 : index
      %get3A_313 = tpu.vector_load %arg5[%get3A_312] {strides = array<i32>} : memref<1024xi32, #tpu.memory_space<vmem>>, vector<16xi32>,
      %mul3A_314 = arith.constant 2 : i32
      %mul3A_315 = vector.broadcast %mul3A_314 : i32 to vector<16xi32>
      %mul3A_316 = arith.muli %mul3A_315, %iota3A : vector<16xi32>
      %add3A_317 = arith.constant 896 : i32
      %add3A_318 = vector.broadcast %add3A_317 : i32 to vector<16xi32>
      %add3A_319 = arith.addi %mul3A_316, %add3A_318 : vector<16xi32>
      %add3A_320 = arith.constant 0 : i32
      %add3A_321 = vector.broadcast %add3A_320 : i32 to vector<16xi32>
      %add3A_322 = arith.addi %add3A_319, %add3A_321 : vector<16xi32>
      tpu.vector_store_idx %arg6[%add3A_322], %get3A_313 : memref<1024xi32, #tpu.memory_space<vmem>>[vector<16xi32>], vector<16xi32>,
      %get3A_323 = arith.constant 464 : index
      %get3A_324 = tpu.vector_load %arg5[%get3A_323] {strides = array<i32>} : memref<1024xi32, #tpu.memory_space<vmem>>, vector<16xi32>,
      %mul3A_325 = arith.constant 2 : i32
      %mul3A_326 = vector.broadcast %mul3A_325 : i32 to vector<16xi32>
      %mul3A_327 = arith.muli %mul3A_326, %iota3A : vector<16xi32>
      %add3A_328 = arith.constant 928 : i32
      %add3A_329 = vector.broadcast %add3A_328 : i32 to vector<16xi32>
      %add3A_330 = arith.addi %mul3A_327, %add3A_329 : vector<16xi32>
      %add3A_331 = arith.constant 0 : i32
      %add3A_332 = vector.broadcast %add3A_331 : i32 to vector<16xi32>
      %add3A_333 = arith.addi %add3A_330, %add3A_332 : vector<16xi32>
      tpu.vector_store_idx %arg6[%add3A_333], %get3A_324 : memref<1024xi32, #tpu.memory_space<vmem>>[vector<16xi32>], vector<16xi32>,
      %get3A_334 = arith.constant 480 : index
      %get3A_335 = tpu.vector_load %arg5[%get3A_334] {strides = array<i32>} : memref<1024xi32, #tpu.memory_space<vmem>>, vector<16xi32>,
      %mul3A_336 = arith.constant 2 : i32
      %mul3A_337 = vector.broadcast %mul3A_336 : i32 to vector<16xi32>
      %mul3A_338 = arith.muli %mul3A_337, %iota3A : vector<16xi32>
      %add3A_339 = arith.constant 960 : i32
      %add3A_340 = vector.broadcast %add3A_339 : i32 to vector<16xi32>
      %add3A_341 = arith.addi %mul3A_338, %add3A_340 : vector<16xi32>
      %add3A_342 = arith.constant 0 : i32
      %add3A_343 = vector.broadcast %add3A_342 : i32 to vector<16xi32>
      %add3A_344 = arith.addi %add3A_341, %add3A_343 : vector<16xi32>
      tpu.vector_store_idx %arg6[%add3A_344], %get3A_335 : memref<1024xi32, #tpu.memory_space<vmem>>[vector<16xi32>], vector<16xi32>,
      %get3A_345 = arith.constant 496 : index
      %get3A_346 = tpu.vector_load %arg5[%get3A_345] {strides = array<i32>} : memref<1024xi32, #tpu.memory_space<vmem>>, vector<16xi32>,
      %mul3A_347 = arith.constant 2 : i32
      %mul3A_348 = vector.broadcast %mul3A_347 : i32 to vector<16xi32>
      %mul3A_349 = arith.muli %mul3A_348, %iota3A : vector<16xi32>
      %add3A_350 = arith.constant 992 : i32
      %add3A_351 = vector.broadcast %add3A_350 : i32 to vector<16xi32>
      %add3A_352 = arith.addi %mul3A_349, %add3A_351 : vector<16xi32>
      %add3A_353 = arith.constant 0 : i32
      %add3A_354 = vector.broadcast %add3A_353 : i32 to vector<16xi32>
      %add3A_355 = arith.addi %add3A_352, %add3A_354 : vector<16xi32>
      tpu.vector_store_idx %arg6[%add3A_355], %get3A_346 : memref<1024xi32, #tpu.memory_space<vmem>>[vector<16xi32>], vector<16xi32>,
      %get3A_356 = arith.constant 512 : index
      %get3A_357 = tpu.vector_load %arg5[%get3A_356] {strides = array<i32>} : memref<1024xi32, #tpu.memory_space<vmem>>, vector<16xi32>,
      %mul3A_358 = arith.constant 2 : i32
      %mul3A_359 = vector.broadcast %mul3A_358 : i32 to vector<16xi32>
      %mul3A_360 = arith.muli %mul3A_359, %iota3A : vector<16xi32>
      %add3A_361 = arith.constant 0 : i32
      %add3A_362 = vector.broadcast %add3A_361 : i32 to vector<16xi32>
      %add3A_363 = arith.addi %mul3A_360, %add3A_362 : vector<16xi32>
      %add3A_364 = arith.constant 1 : i32
      %add3A_365 = vector.broadcast %add3A_364 : i32 to vector<16xi32>
      %add3A_366 = arith.addi %add3A_363, %add3A_365 : vector<16xi32>
      tpu.vector_store_idx %arg6[%add3A_366], %get3A_357 : memref<1024xi32, #tpu.memory_space<vmem>>[vector<16xi32>], vector<16xi32>,
      %get3A_367 = arith.constant 528 : index
      %get3A_368 = tpu.vector_load %arg5[%get3A_367] {strides = array<i32>} : memref<1024xi32, #tpu.memory_space<vmem>>, vector<16xi32>,
      %mul3A_369 = arith.constant 2 : i32
      %mul3A_370 = vector.broadcast %mul3A_369 : i32 to vector<16xi32>
      %mul3A_371 = arith.muli %mul3A_370, %iota3A : vector<16xi32>
      %add3A_372 = arith.constant 32 : i32
      %add3A_373 = vector.broadcast %add3A_372 : i32 to vector<16xi32>
      %add3A_374 = arith.addi %mul3A_371, %add3A_373 : vector<16xi32>
      %add3A_375 = arith.constant 1 : i32
      %add3A_376 = vector.broadcast %add3A_375 : i32 to vector<16xi32>
      %add3A_377 = arith.addi %add3A_374, %add3A_376 : vector<16xi32>
      tpu.vector_store_idx %arg6[%add3A_377], %get3A_368 : memref<1024xi32, #tpu.memory_space<vmem>>[vector<16xi32>], vector<16xi32>,
      %get3A_378 = arith.constant 544 : index
      %get3A_379 = tpu.vector_load %arg5[%get3A_378] {strides = array<i32>} : memref<1024xi32, #tpu.memory_space<vmem>>, vector<16xi32>,
      %mul3A_380 = arith.constant 2 : i32
      %mul3A_381 = vector.broadcast %mul3A_380 : i32 to vector<16xi32>
      %mul3A_382 = arith.muli %mul3A_381, %iota3A : vector<16xi32>
      %add3A_383 = arith.constant 64 : i32
      %add3A_384 = vector.broadcast %add3A_383 : i32 to vector<16xi32>
      %add3A_385 = arith.addi %mul3A_382, %add3A_384 : vector<16xi32>
      %add3A_386 = arith.constant 1 : i32
      %add3A_387 = vector.broadcast %add3A_386 : i32 to vector<16xi32>
      %add3A_388 = arith.addi %add3A_385, %add3A_387 : vector<16xi32>
      tpu.vector_store_idx %arg6[%add3A_388], %get3A_379 : memref<1024xi32, #tpu.memory_space<vmem>>[vector<16xi32>], vector<16xi32>,
      %get3A_389 = arith.constant 560 : index
      %get3A_390 = tpu.vector_load %arg5[%get3A_389] {strides = array<i32>} : memref<1024xi32, #tpu.memory_space<vmem>>, vector<16xi32>,
      %mul3A_391 = arith.constant 2 : i32
      %mul3A_392 = vector.broadcast %mul3A_391 : i32 to vector<16xi32>
      %mul3A_393 = arith.muli %mul3A_392, %iota3A : vector<16xi32>
      %add3A_394 = arith.constant 96 : i32
      %add3A_395 = vector.broadcast %add3A_394 : i32 to vector<16xi32>
      %add3A_396 = arith.addi %mul3A_393, %add3A_395 : vector<16xi32>
      %add3A_397 = arith.constant 1 : i32
      %add3A_398 = vector.broadcast %add3A_397 : i32 to vector<16xi32>
      %add3A_399 = arith.addi %add3A_396, %add3A_398 : vector<16xi32>
      tpu.vector_store_idx %arg6[%add3A_399], %get3A_390 : memref<1024xi32, #tpu.memory_space<vmem>>[vector<16xi32>], vector<16xi32>,
      %get3A_400 = arith.constant 576 : index
      %get3A_401 = tpu.vector_load %arg5[%get3A_400] {strides = array<i32>} : memref<1024xi32, #tpu.memory_space<vmem>>, vector<16xi32>,
      %mul3A_402 = arith.constant 2 : i32
      %mul3A_403 = vector.broadcast %mul3A_402 : i32 to vector<16xi32>
      %mul3A_404 = arith.muli %mul3A_403, %iota3A : vector<16xi32>
      %add3A_405 = arith.constant 128 : i32
      %add3A_406 = vector.broadcast %add3A_405 : i32 to vector<16xi32>
      %add3A_407 = arith.addi %mul3A_404, %add3A_406 : vector<16xi32>
      %add3A_408 = arith.constant 1 : i32
      %add3A_409 = vector.broadcast %add3A_408 : i32 to vector<16xi32>
      %add3A_410 = arith.addi %add3A_407, %add3A_409 : vector<16xi32>
      tpu.vector_store_idx %arg6[%add3A_410], %get3A_401 : memref<1024xi32, #tpu.memory_space<vmem>>[vector<16xi32>], vector<16xi32>,
      %get3A_411 = arith.constant 592 : index
      %get3A_412 = tpu.vector_load %arg5[%get3A_411] {strides = array<i32>} : memref<1024xi32, #tpu.memory_space<vmem>>, vector<16xi32>,
      %mul3A_413 = arith.constant 2 : i32
      %mul3A_414 = vector.broadcast %mul3A_413 : i32 to vector<16xi32>
      %mul3A_415 = arith.muli %mul3A_414, %iota3A : vector<16xi32>
      %add3A_416 = arith.constant 160 : i32
      %add3A_417 = vector.broadcast %add3A_416 : i32 to vector<16xi32>
      %add3A_418 = arith.addi %mul3A_415, %add3A_417 : vector<16xi32>
      %add3A_419 = arith.constant 1 : i32
      %add3A_420 = vector.broadcast %add3A_419 : i32 to vector<16xi32>
      %add3A_421 = arith.addi %add3A_418, %add3A_420 : vector<16xi32>
      tpu.vector_store_idx %arg6[%add3A_421], %get3A_412 : memref<1024xi32, #tpu.memory_space<vmem>>[vector<16xi32>], vector<16xi32>,
      %get3A_422 = arith.constant 608 : index
      %get3A_423 = tpu.vector_load %arg5[%get3A_422] {strides = array<i32>} : memref<1024xi32, #tpu.memory_space<vmem>>, vector<16xi32>,
      %mul3A_424 = arith.constant 2 : i32
      %mul3A_425 = vector.broadcast %mul3A_424 : i32 to vector<16xi32>
      %mul3A_426 = arith.muli %mul3A_425, %iota3A : vector<16xi32>
      %add3A_427 = arith.constant 192 : i32
      %add3A_428 = vector.broadcast %add3A_427 : i32 to vector<16xi32>
      %add3A_429 = arith.addi %mul3A_426, %add3A_428 : vector<16xi32>
      %add3A_430 = arith.constant 1 : i32
      %add3A_431 = vector.broadcast %add3A_430 : i32 to vector<16xi32>
      %add3A_432 = arith.addi %add3A_429, %add3A_431 : vector<16xi32>
      tpu.vector_store_idx %arg6[%add3A_432], %get3A_423 : memref<1024xi32, #tpu.memory_space<vmem>>[vector<16xi32>], vector<16xi32>,
      %get3A_433 = arith.constant 624 : index
      %get3A_434 = tpu.vector_load %arg5[%get3A_433] {strides = array<i32>} : memref<1024xi32, #tpu.memory_space<vmem>>, vector<16xi32>,
      %mul3A_435 = arith.constant 2 : i32
      %mul3A_436 = vector.broadcast %mul3A_435 : i32 to vector<16xi32>
      %mul3A_437 = arith.muli %mul3A_436, %iota3A : vector<16xi32>
      %add3A_438 = arith.constant 224 : i32
      %add3A_439 = vector.broadcast %add3A_438 : i32 to vector<16xi32>
      %add3A_440 = arith.addi %mul3A_437, %add3A_439 : vector<16xi32>
      %add3A_441 = arith.constant 1 : i32
      %add3A_442 = vector.broadcast %add3A_441 : i32 to vector<16xi32>
      %add3A_443 = arith.addi %add3A_440, %add3A_442 : vector<16xi32>
      tpu.vector_store_idx %arg6[%add3A_443], %get3A_434 : memref<1024xi32, #tpu.memory_space<vmem>>[vector<16xi32>], vector<16xi32>,
      %get3A_444 = arith.constant 640 : index
      %get3A_445 = tpu.vector_load %arg5[%get3A_444] {strides = array<i32>} : memref<1024xi32, #tpu.memory_space<vmem>>, vector<16xi32>,
      %mul3A_446 = arith.constant 2 : i32
      %mul3A_447 = vector.broadcast %mul3A_446 : i32 to vector<16xi32>
      %mul3A_448 = arith.muli %mul3A_447, %iota3A : vector<16xi32>
      %add3A_449 = arith.constant 256 : i32
      %add3A_450 = vector.broadcast %add3A_449 : i32 to vector<16xi32>
      %add3A_451 = arith.addi %mul3A_448, %add3A_450 : vector<16xi32>
      %add3A_452 = arith.constant 1 : i32
      %add3A_453 = vector.broadcast %add3A_452 : i32 to vector<16xi32>
      %add3A_454 = arith.addi %add3A_451, %add3A_453 : vector<16xi32>
      tpu.vector_store_idx %arg6[%add3A_454], %get3A_445 : memref<1024xi32, #tpu.memory_space<vmem>>[vector<16xi32>], vector<16xi32>,
      %get3A_455 = arith.constant 656 : index
      %get3A_456 = tpu.vector_load %arg5[%get3A_455] {strides = array<i32>} : memref<1024xi32, #tpu.memory_space<vmem>>, vector<16xi32>,
      %mul3A_457 = arith.constant 2 : i32
      %mul3A_458 = vector.broadcast %mul3A_457 : i32 to vector<16xi32>
      %mul3A_459 = arith.muli %mul3A_458, %iota3A : vector<16xi32>
      %add3A_460 = arith.constant 288 : i32
      %add3A_461 = vector.broadcast %add3A_460 : i32 to vector<16xi32>
      %add3A_462 = arith.addi %mul3A_459, %add3A_461 : vector<16xi32>
      %add3A_463 = arith.constant 1 : i32
      %add3A_464 = vector.broadcast %add3A_463 : i32 to vector<16xi32>
      %add3A_465 = arith.addi %add3A_462, %add3A_464 : vector<16xi32>
      tpu.vector_store_idx %arg6[%add3A_465], %get3A_456 : memref<1024xi32, #tpu.memory_space<vmem>>[vector<16xi32>], vector<16xi32>,
      %get3A_466 = arith.constant 672 : index
      %get3A_467 = tpu.vector_load %arg5[%get3A_466] {strides = array<i32>} : memref<1024xi32, #tpu.memory_space<vmem>>, vector<16xi32>,
      %mul3A_468 = arith.constant 2 : i32
      %mul3A_469 = vector.broadcast %mul3A_468 : i32 to vector<16xi32>
      %mul3A_470 = arith.muli %mul3A_469, %iota3A : vector<16xi32>
      %add3A_471 = arith.constant 320 : i32
      %add3A_472 = vector.broadcast %add3A_471 : i32 to vector<16xi32>
      %add3A_473 = arith.addi %mul3A_470, %add3A_472 : vector<16xi32>
      %add3A_474 = arith.constant 1 : i32
      %add3A_475 = vector.broadcast %add3A_474 : i32 to vector<16xi32>
      %add3A_476 = arith.addi %add3A_473, %add3A_475 : vector<16xi32>
      tpu.vector_store_idx %arg6[%add3A_476], %get3A_467 : memref<1024xi32, #tpu.memory_space<vmem>>[vector<16xi32>], vector<16xi32>,
      %get3A_477 = arith.constant 688 : index
      %get3A_478 = tpu.vector_load %arg5[%get3A_477] {strides = array<i32>} : memref<1024xi32, #tpu.memory_space<vmem>>, vector<16xi32>,
      %mul3A_479 = arith.constant 2 : i32
      %mul3A_480 = vector.broadcast %mul3A_479 : i32 to vector<16xi32>
      %mul3A_481 = arith.muli %mul3A_480, %iota3A : vector<16xi32>
      %add3A_482 = arith.constant 352 : i32
      %add3A_483 = vector.broadcast %add3A_482 : i32 to vector<16xi32>
      %add3A_484 = arith.addi %mul3A_481, %add3A_483 : vector<16xi32>
      %add3A_485 = arith.constant 1 : i32
      %add3A_486 = vector.broadcast %add3A_485 : i32 to vector<16xi32>
      %add3A_487 = arith.addi %add3A_484, %add3A_486 : vector<16xi32>
      tpu.vector_store_idx %arg6[%add3A_487], %get3A_478 : memref<1024xi32, #tpu.memory_space<vmem>>[vector<16xi32>], vector<16xi32>,
      %get3A_488 = arith.constant 704 : index
      %get3A_489 = tpu.vector_load %arg5[%get3A_488] {strides = array<i32>} : memref<1024xi32, #tpu.memory_space<vmem>>, vector<16xi32>,
      %mul3A_490 = arith.constant 2 : i32
      %mul3A_491 = vector.broadcast %mul3A_490 : i32 to vector<16xi32>
      %mul3A_492 = arith.muli %mul3A_491, %iota3A : vector<16xi32>
      %add3A_493 = arith.constant 384 : i32
      %add3A_494 = vector.broadcast %add3A_493 : i32 to vector<16xi32>
      %add3A_495 = arith.addi %mul3A_492, %add3A_494 : vector<16xi32>
      %add3A_496 = arith.constant 1 : i32
      %add3A_497 = vector.broadcast %add3A_496 : i32 to vector<16xi32>
      %add3A_498 = arith.addi %add3A_495, %add3A_497 : vector<16xi32>
      tpu.vector_store_idx %arg6[%add3A_498], %get3A_489 : memref<1024xi32, #tpu.memory_space<vmem>>[vector<16xi32>], vector<16xi32>,
      %get3A_499 = arith.constant 720 : index
      %get3A_500 = tpu.vector_load %arg5[%get3A_499] {strides = array<i32>} : memref<1024xi32, #tpu.memory_space<vmem>>, vector<16xi32>,
      %mul3A_501 = arith.constant 2 : i32
      %mul3A_502 = vector.broadcast %mul3A_501 : i32 to vector<16xi32>
      %mul3A_503 = arith.muli %mul3A_502, %iota3A : vector<16xi32>
      %add3A_504 = arith.constant 416 : i32
      %add3A_505 = vector.broadcast %add3A_504 : i32 to vector<16xi32>
      %add3A_506 = arith.addi %mul3A_503, %add3A_505 : vector<16xi32>
      %add3A_507 = arith.constant 1 : i32
      %add3A_508 = vector.broadcast %add3A_507 : i32 to vector<16xi32>
      %add3A_509 = arith.addi %add3A_506, %add3A_508 : vector<16xi32>
      tpu.vector_store_idx %arg6[%add3A_509], %get3A_500 : memref<1024xi32, #tpu.memory_space<vmem>>[vector<16xi32>], vector<16xi32>,
      %get3A_510 = arith.constant 736 : index
      %get3A_511 = tpu.vector_load %arg5[%get3A_510] {strides = array<i32>} : memref<1024xi32, #tpu.memory_space<vmem>>, vector<16xi32>,
      %mul3A_512 = arith.constant 2 : i32
      %mul3A_513 = vector.broadcast %mul3A_512 : i32 to vector<16xi32>
      %mul3A_514 = arith.muli %mul3A_513, %iota3A : vector<16xi32>
      %add3A_515 = arith.constant 448 : i32
      %add3A_516 = vector.broadcast %add3A_515 : i32 to vector<16xi32>
      %add3A_517 = arith.addi %mul3A_514, %add3A_516 : vector<16xi32>
      %add3A_518 = arith.constant 1 : i32
      %add3A_519 = vector.broadcast %add3A_518 : i32 to vector<16xi32>
      %add3A_520 = arith.addi %add3A_517, %add3A_519 : vector<16xi32>
      tpu.vector_store_idx %arg6[%add3A_520], %get3A_511 : memref<1024xi32, #tpu.memory_space<vmem>>[vector<16xi32>], vector<16xi32>,
      %get3A_521 = arith.constant 752 : index
      %get3A_522 = tpu.vector_load %arg5[%get3A_521] {strides = array<i32>} : memref<1024xi32, #tpu.memory_space<vmem>>, vector<16xi32>,
      %mul3A_523 = arith.constant 2 : i32
      %mul3A_524 = vector.broadcast %mul3A_523 : i32 to vector<16xi32>
      %mul3A_525 = arith.muli %mul3A_524, %iota3A : vector<16xi32>
      %add3A_526 = arith.constant 480 : i32
      %add3A_527 = vector.broadcast %add3A_526 : i32 to vector<16xi32>
      %add3A_528 = arith.addi %mul3A_525, %add3A_527 : vector<16xi32>
      %add3A_529 = arith.constant 1 : i32
      %add3A_530 = vector.broadcast %add3A_529 : i32 to vector<16xi32>
      %add3A_531 = arith.addi %add3A_528, %add3A_530 : vector<16xi32>
      tpu.vector_store_idx %arg6[%add3A_531], %get3A_522 : memref<1024xi32, #tpu.memory_space<vmem>>[vector<16xi32>], vector<16xi32>,
      %get3A_532 = arith.constant 768 : index
      %get3A_533 = tpu.vector_load %arg5[%get3A_532] {strides = array<i32>} : memref<1024xi32, #tpu.memory_space<vmem>>, vector<16xi32>,
      %mul3A_534 = arith.constant 2 : i32
      %mul3A_535 = vector.broadcast %mul3A_534 : i32 to vector<16xi32>
      %mul3A_536 = arith.muli %mul3A_535, %iota3A : vector<16xi32>
      %add3A_537 = arith.constant 512 : i32
      %add3A_538 = vector.broadcast %add3A_537 : i32 to vector<16xi32>
      %add3A_539 = arith.addi %mul3A_536, %add3A_538 : vector<16xi32>
      %add3A_540 = arith.constant 1 : i32
      %add3A_541 = vector.broadcast %add3A_540 : i32 to vector<16xi32>
      %add3A_542 = arith.addi %add3A_539, %add3A_541 : vector<16xi32>
      tpu.vector_store_idx %arg6[%add3A_542], %get3A_533 : memref<1024xi32, #tpu.memory_space<vmem>>[vector<16xi32>], vector<16xi32>,
      %get3A_543 = arith.constant 784 : index
      %get3A_544 = tpu.vector_load %arg5[%get3A_543] {strides = array<i32>} : memref<1024xi32, #tpu.memory_space<vmem>>, vector<16xi32>,
      %mul3A_545 = arith.constant 2 : i32
      %mul3A_546 = vector.broadcast %mul3A_545 : i32 to vector<16xi32>
      %mul3A_547 = arith.muli %mul3A_546, %iota3A : vector<16xi32>
      %add3A_548 = arith.constant 544 : i32
      %add3A_549 = vector.broadcast %add3A_548 : i32 to vector<16xi32>
      %add3A_550 = arith.addi %mul3A_547, %add3A_549 : vector<16xi32>
      %add3A_551 = arith.constant 1 : i32
      %add3A_552 = vector.broadcast %add3A_551 : i32 to vector<16xi32>
      %add3A_553 = arith.addi %add3A_550, %add3A_552 : vector<16xi32>
      tpu.vector_store_idx %arg6[%add3A_553], %get3A_544 : memref<1024xi32, #tpu.memory_space<vmem>>[vector<16xi32>], vector<16xi32>,
      %get3A_554 = arith.constant 800 : index
      %get3A_555 = tpu.vector_load %arg5[%get3A_554] {strides = array<i32>} : memref<1024xi32, #tpu.memory_space<vmem>>, vector<16xi32>,
      %mul3A_556 = arith.constant 2 : i32
      %mul3A_557 = vector.broadcast %mul3A_556 : i32 to vector<16xi32>
      %mul3A_558 = arith.muli %mul3A_557, %iota3A : vector<16xi32>
      %add3A_559 = arith.constant 576 : i32
      %add3A_560 = vector.broadcast %add3A_559 : i32 to vector<16xi32>
      %add3A_561 = arith.addi %mul3A_558, %add3A_560 : vector<16xi32>
      %add3A_562 = arith.constant 1 : i32
      %add3A_563 = vector.broadcast %add3A_562 : i32 to vector<16xi32>
      %add3A_564 = arith.addi %add3A_561, %add3A_563 : vector<16xi32>
      tpu.vector_store_idx %arg6[%add3A_564], %get3A_555 : memref<1024xi32, #tpu.memory_space<vmem>>[vector<16xi32>], vector<16xi32>,
      %get3A_565 = arith.constant 816 : index
      %get3A_566 = tpu.vector_load %arg5[%get3A_565] {strides = array<i32>} : memref<1024xi32, #tpu.memory_space<vmem>>, vector<16xi32>,
      %mul3A_567 = arith.constant 2 : i32
      %mul3A_568 = vector.broadcast %mul3A_567 : i32 to vector<16xi32>
      %mul3A_569 = arith.muli %mul3A_568, %iota3A : vector<16xi32>
      %add3A_570 = arith.constant 608 : i32
      %add3A_571 = vector.broadcast %add3A_570 : i32 to vector<16xi32>
      %add3A_572 = arith.addi %mul3A_569, %add3A_571 : vector<16xi32>
      %add3A_573 = arith.constant 1 : i32
      %add3A_574 = vector.broadcast %add3A_573 : i32 to vector<16xi32>
      %add3A_575 = arith.addi %add3A_572, %add3A_574 : vector<16xi32>
      tpu.vector_store_idx %arg6[%add3A_575], %get3A_566 : memref<1024xi32, #tpu.memory_space<vmem>>[vector<16xi32>], vector<16xi32>,
      %get3A_576 = arith.constant 832 : index
      %get3A_577 = tpu.vector_load %arg5[%get3A_576] {strides = array<i32>} : memref<1024xi32, #tpu.memory_space<vmem>>, vector<16xi32>,
      %mul3A_578 = arith.constant 2 : i32
      %mul3A_579 = vector.broadcast %mul3A_578 : i32 to vector<16xi32>
      %mul3A_580 = arith.muli %mul3A_579, %iota3A : vector<16xi32>
      %add3A_581 = arith.constant 640 : i32
      %add3A_582 = vector.broadcast %add3A_581 : i32 to vector<16xi32>
      %add3A_583 = arith.addi %mul3A_580, %add3A_582 : vector<16xi32>
      %add3A_584 = arith.constant 1 : i32
      %add3A_585 = vector.broadcast %add3A_584 : i32 to vector<16xi32>
      %add3A_586 = arith.addi %add3A_583, %add3A_585 : vector<16xi32>
      tpu.vector_store_idx %arg6[%add3A_586], %get3A_577 : memref<1024xi32, #tpu.memory_space<vmem>>[vector<16xi32>], vector<16xi32>,
      %get3A_587 = arith.constant 848 : index
      %get3A_588 = tpu.vector_load %arg5[%get3A_587] {strides = array<i32>} : memref<1024xi32, #tpu.memory_space<vmem>>, vector<16xi32>,
      %mul3A_589 = arith.constant 2 : i32
      %mul3A_590 = vector.broadcast %mul3A_589 : i32 to vector<16xi32>
      %mul3A_591 = arith.muli %mul3A_590, %iota3A : vector<16xi32>
      %add3A_592 = arith.constant 672 : i32
      %add3A_593 = vector.broadcast %add3A_592 : i32 to vector<16xi32>
      %add3A_594 = arith.addi %mul3A_591, %add3A_593 : vector<16xi32>
      %add3A_595 = arith.constant 1 : i32
      %add3A_596 = vector.broadcast %add3A_595 : i32 to vector<16xi32>
      %add3A_597 = arith.addi %add3A_594, %add3A_596 : vector<16xi32>
      tpu.vector_store_idx %arg6[%add3A_597], %get3A_588 : memref<1024xi32, #tpu.memory_space<vmem>>[vector<16xi32>], vector<16xi32>,
      %get3A_598 = arith.constant 864 : index
      %get3A_599 = tpu.vector_load %arg5[%get3A_598] {strides = array<i32>} : memref<1024xi32, #tpu.memory_space<vmem>>, vector<16xi32>,
      %mul3A_600 = arith.constant 2 : i32
      %mul3A_601 = vector.broadcast %mul3A_600 : i32 to vector<16xi32>
      %mul3A_602 = arith.muli %mul3A_601, %iota3A : vector<16xi32>
      %add3A_603 = arith.constant 704 : i32
      %add3A_604 = vector.broadcast %add3A_603 : i32 to vector<16xi32>
      %add3A_605 = arith.addi %mul3A_602, %add3A_604 : vector<16xi32>
      %add3A_606 = arith.constant 1 : i32
      %add3A_607 = vector.broadcast %add3A_606 : i32 to vector<16xi32>
      %add3A_608 = arith.addi %add3A_605, %add3A_607 : vector<16xi32>
      tpu.vector_store_idx %arg6[%add3A_608], %get3A_599 : memref<1024xi32, #tpu.memory_space<vmem>>[vector<16xi32>], vector<16xi32>,
      %get3A_609 = arith.constant 880 : index
      %get3A_610 = tpu.vector_load %arg5[%get3A_609] {strides = array<i32>} : memref<1024xi32, #tpu.memory_space<vmem>>, vector<16xi32>,
      %mul3A_611 = arith.constant 2 : i32
      %mul3A_612 = vector.broadcast %mul3A_611 : i32 to vector<16xi32>
      %mul3A_613 = arith.muli %mul3A_612, %iota3A : vector<16xi32>
      %add3A_614 = arith.constant 736 : i32
      %add3A_615 = vector.broadcast %add3A_614 : i32 to vector<16xi32>
      %add3A_616 = arith.addi %mul3A_613, %add3A_615 : vector<16xi32>
      %add3A_617 = arith.constant 1 : i32
      %add3A_618 = vector.broadcast %add3A_617 : i32 to vector<16xi32>
      %add3A_619 = arith.addi %add3A_616, %add3A_618 : vector<16xi32>
      tpu.vector_store_idx %arg6[%add3A_619], %get3A_610 : memref<1024xi32, #tpu.memory_space<vmem>>[vector<16xi32>], vector<16xi32>,
      %get3A_620 = arith.constant 896 : index
      %get3A_621 = tpu.vector_load %arg5[%get3A_620] {strides = array<i32>} : memref<1024xi32, #tpu.memory_space<vmem>>, vector<16xi32>,
      %mul3A_622 = arith.constant 2 : i32
      %mul3A_623 = vector.broadcast %mul3A_622 : i32 to vector<16xi32>
      %mul3A_624 = arith.muli %mul3A_623, %iota3A : vector<16xi32>
      %add3A_625 = arith.constant 768 : i32
      %add3A_626 = vector.broadcast %add3A_625 : i32 to vector<16xi32>
      %add3A_627 = arith.addi %mul3A_624, %add3A_626 : vector<16xi32>
      %add3A_628 = arith.constant 1 : i32
      %add3A_629 = vector.broadcast %add3A_628 : i32 to vector<16xi32>
      %add3A_630 = arith.addi %add3A_627, %add3A_629 : vector<16xi32>
      tpu.vector_store_idx %arg6[%add3A_630], %get3A_621 : memref<1024xi32, #tpu.memory_space<vmem>>[vector<16xi32>], vector<16xi32>,
      %get3A_631 = arith.constant 912 : index
      %get3A_632 = tpu.vector_load %arg5[%get3A_631] {strides = array<i32>} : memref<1024xi32, #tpu.memory_space<vmem>>, vector<16xi32>,
      %mul3A_633 = arith.constant 2 : i32
      %mul3A_634 = vector.broadcast %mul3A_633 : i32 to vector<16xi32>
      %mul3A_635 = arith.muli %mul3A_634, %iota3A : vector<16xi32>
      %add3A_636 = arith.constant 800 : i32
      %add3A_637 = vector.broadcast %add3A_636 : i32 to vector<16xi32>
      %add3A_638 = arith.addi %mul3A_635, %add3A_637 : vector<16xi32>
      %add3A_639 = arith.constant 1 : i32
      %add3A_640 = vector.broadcast %add3A_639 : i32 to vector<16xi32>
      %add3A_641 = arith.addi %add3A_638, %add3A_640 : vector<16xi32>
      tpu.vector_store_idx %arg6[%add3A_641], %get3A_632 : memref<1024xi32, #tpu.memory_space<vmem>>[vector<16xi32>], vector<16xi32>,
      %get3A_642 = arith.constant 928 : index
      %get3A_643 = tpu.vector_load %arg5[%get3A_642] {strides = array<i32>} : memref<1024xi32, #tpu.memory_space<vmem>>, vector<16xi32>,
      %mul3A_644 = arith.constant 2 : i32
      %mul3A_645 = vector.broadcast %mul3A_644 : i32 to vector<16xi32>
      %mul3A_646 = arith.muli %mul3A_645, %iota3A : vector<16xi32>
      %add3A_647 = arith.constant 832 : i32
      %add3A_648 = vector.broadcast %add3A_647 : i32 to vector<16xi32>
      %add3A_649 = arith.addi %mul3A_646, %add3A_648 : vector<16xi32>
      %add3A_650 = arith.constant 1 : i32
      %add3A_651 = vector.broadcast %add3A_650 : i32 to vector<16xi32>
      %add3A_652 = arith.addi %add3A_649, %add3A_651 : vector<16xi32>
      tpu.vector_store_idx %arg6[%add3A_652], %get3A_643 : memref<1024xi32, #tpu.memory_space<vmem>>[vector<16xi32>], vector<16xi32>,
      %get3A_653 = arith.constant 944 : index
      %get3A_654 = tpu.vector_load %arg5[%get3A_653] {strides = array<i32>} : memref<1024xi32, #tpu.memory_space<vmem>>, vector<16xi32>,
      %mul3A_655 = arith.constant 2 : i32
      %mul3A_656 = vector.broadcast %mul3A_655 : i32 to vector<16xi32>
      %mul3A_657 = arith.muli %mul3A_656, %iota3A : vector<16xi32>
      %add3A_658 = arith.constant 864 : i32
      %add3A_659 = vector.broadcast %add3A_658 : i32 to vector<16xi32>
      %add3A_660 = arith.addi %mul3A_657, %add3A_659 : vector<16xi32>
      %add3A_661 = arith.constant 1 : i32
      %add3A_662 = vector.broadcast %add3A_661 : i32 to vector<16xi32>
      %add3A_663 = arith.addi %add3A_660, %add3A_662 : vector<16xi32>
      tpu.vector_store_idx %arg6[%add3A_663], %get3A_654 : memref<1024xi32, #tpu.memory_space<vmem>>[vector<16xi32>], vector<16xi32>,
      %get3A_664 = arith.constant 960 : index
      %get3A_665 = tpu.vector_load %arg5[%get3A_664] {strides = array<i32>} : memref<1024xi32, #tpu.memory_space<vmem>>, vector<16xi32>,
      %mul3A_666 = arith.constant 2 : i32
      %mul3A_667 = vector.broadcast %mul3A_666 : i32 to vector<16xi32>
      %mul3A_668 = arith.muli %mul3A_667, %iota3A : vector<16xi32>
      %add3A_669 = arith.constant 896 : i32
      %add3A_670 = vector.broadcast %add3A_669 : i32 to vector<16xi32>
      %add3A_671 = arith.addi %mul3A_668, %add3A_670 : vector<16xi32>
      %add3A_672 = arith.constant 1 : i32
      %add3A_673 = vector.broadcast %add3A_672 : i32 to vector<16xi32>
      %add3A_674 = arith.addi %add3A_671, %add3A_673 : vector<16xi32>
      tpu.vector_store_idx %arg6[%add3A_674], %get3A_665 : memref<1024xi32, #tpu.memory_space<vmem>>[vector<16xi32>], vector<16xi32>,
      %get3A_675 = arith.constant 976 : index
      %get3A_676 = tpu.vector_load %arg5[%get3A_675] {strides = array<i32>} : memref<1024xi32, #tpu.memory_space<vmem>>, vector<16xi32>,
      %mul3A_677 = arith.constant 2 : i32
      %mul3A_678 = vector.broadcast %mul3A_677 : i32 to vector<16xi32>
      %mul3A_679 = arith.muli %mul3A_678, %iota3A : vector<16xi32>
      %add3A_680 = arith.constant 928 : i32
      %add3A_681 = vector.broadcast %add3A_680 : i32 to vector<16xi32>
      %add3A_682 = arith.addi %mul3A_679, %add3A_681 : vector<16xi32>
      %add3A_683 = arith.constant 1 : i32
      %add3A_684 = vector.broadcast %add3A_683 : i32 to vector<16xi32>
      %add3A_685 = arith.addi %add3A_682, %add3A_684 : vector<16xi32>
      tpu.vector_store_idx %arg6[%add3A_685], %get3A_676 : memref<1024xi32, #tpu.memory_space<vmem>>[vector<16xi32>], vector<16xi32>,
      %get3A_686 = arith.constant 992 : index
      %get3A_687 = tpu.vector_load %arg5[%get3A_686] {strides = array<i32>} : memref<1024xi32, #tpu.memory_space<vmem>>, vector<16xi32>,
      %mul3A_688 = arith.constant 2 : i32
      %mul3A_689 = vector.broadcast %mul3A_688 : i32 to vector<16xi32>
      %mul3A_690 = arith.muli %mul3A_689, %iota3A : vector<16xi32>
      %add3A_691 = arith.constant 960 : i32
      %add3A_692 = vector.broadcast %add3A_691 : i32 to vector<16xi32>
      %add3A_693 = arith.addi %mul3A_690, %add3A_692 : vector<16xi32>
      %add3A_694 = arith.constant 1 : i32
      %add3A_695 = vector.broadcast %add3A_694 : i32 to vector<16xi32>
      %add3A_696 = arith.addi %add3A_693, %add3A_695 : vector<16xi32>
      tpu.vector_store_idx %arg6[%add3A_696], %get3A_687 : memref<1024xi32, #tpu.memory_space<vmem>>[vector<16xi32>], vector<16xi32>,
      %get3A_697 = arith.constant 1008 : index
      %get3A_698 = tpu.vector_load %arg5[%get3A_697] {strides = array<i32>} : memref<1024xi32, #tpu.memory_space<vmem>>, vector<16xi32>,
      %mul3A_699 = arith.constant 2 : i32
      %mul3A_700 = vector.broadcast %mul3A_699 : i32 to vector<16xi32>
      %mul3A_701 = arith.muli %mul3A_700, %iota3A : vector<16xi32>
      %add3A_702 = arith.constant 992 : i32
      %add3A_703 = vector.broadcast %add3A_702 : i32 to vector<16xi32>
      %add3A_704 = arith.addi %mul3A_701, %add3A_703 : vector<16xi32>
      %add3A_705 = arith.constant 1 : i32
      %add3A_706 = vector.broadcast %add3A_705 : i32 to vector<16xi32>
      %add3A_707 = arith.addi %add3A_704, %add3A_706 : vector<16xi32>
      tpu.vector_store_idx %arg6[%add3A_707], %get3A_698 : memref<1024xi32, #tpu.memory_space<vmem>>[vector<16xi32>], vector<16xi32>,
      %dma_start3A = arith.constant 0 : i32
      %dma_start3A_708 = arith.constant 0 : i32
      %dma_start3A_709 = tpu.memref_slice %arg7[%dma_start3A, %dma_start3A_708] : memref<1024x64xf32, #tpu.memory_space<vmem>> -> memref<128x64xf32, #tpu.memory_space<vmem>>
      %dma_start3A_710 = arith.constant 0 : i32
      %dma_start3A_711 = tpu.memref_slice %arg6[%dma_start3A_710] : memref<1024xi32, #tpu.memory_space<vmem>> -> memref<128xi32, #tpu.memory_space<vmem>>
      %dma_start3A_712 = arith.constant 0 : i32
      %dma_start3A_713 = arith.constant 0 : i32
      %dma_start3A_714 = tpu.memref_slice %arg2[%dma_start3A_712, %dma_start3A_713] : memref<1000x64xf32, #tpu.memory_space<hbm>> -> memref<1000x64xf32, #tpu.memory_space<hbm>>
      tpu.enqueue_indirect_dma source(%dma_start3A_714 : memref<1000x64xf32, #tpu.memory_space<hbm>>) target(%dma_start3A_709 : memref<128x64xf32, #tpu.memory_space<vmem>>) offsets(%dma_start3A_711 : memref<128xi32, #tpu.memory_space<vmem>>) semaphore(%arg8 : memref<!tpu.dma_semaphore, #tpu.memory_space<semaphore_mem>>)
      %dma_start3A_715 = arith.constant 128 : i32
      %dma_start3A_716 = arith.constant 0 : i32
      %dma_start3A_717 = tpu.memref_slice %arg7[%dma_start3A_715, %dma_start3A_716] : memref<1024x64xf32, #tpu.memory_space<vmem>> -> memref<128x64xf32, #tpu.memory_space<vmem>>
      %dma_start3A_718 = arith.constant 128 : i32
      %dma_start3A_719 = tpu.memref_slice %arg6[%dma_start3A_718] : memref<1024xi32, #tpu.memory_space<vmem>> -> memref<128xi32, #tpu.memory_space<vmem>>
      %dma_start3A_720 = arith.constant 0 : i32
      %dma_start3A_721 = arith.constant 0 : i32
      %dma_start3A_722 = tpu.memref_slice %arg2[%dma_start3A_720, %dma_start3A_721] : memref<1000x64xf32, #tpu.memory_space<hbm>> -> memref<1000x64xf32, #tpu.memory_space<hbm>>
      tpu.enqueue_indirect_dma source(%dma_start3A_722 : memref<1000x64xf32, #tpu.memory_space<hbm>>) target(%dma_start3A_717 : memref<128x64xf32, #tpu.memory_space<vmem>>) offsets(%dma_start3A_719 : memref<128xi32, #tpu.memory_space<vmem>>) semaphore(%arg8 : memref<!tpu.dma_semaphore, #tpu.memory_space<semaphore_mem>>)
      %dma_start3A_723 = arith.constant 256 : i32
      %dma_start3A_724 = arith.constant 0 : i32
      %dma_start3A_725 = tpu.memref_slice %arg7[%dma_start3A_723, %dma_start3A_724] : memref<1024x64xf32, #tpu.memory_space<vmem>> -> memref<128x64xf32, #tpu.memory_space<vmem>>
      %dma_start3A_726 = arith.constant 256 : i32
      %dma_start3A_727 = tpu.memref_slice %arg6[%dma_start3A_726] : memref<1024xi32, #tpu.memory_space<vmem>> -> memref<128xi32, #tpu.memory_space<vmem>>
      %dma_start3A_728 = arith.constant 0 : i32
      %dma_start3A_729 = arith.constant 0 : i32
      %dma_start3A_730 = tpu.memref_slice %arg2[%dma_start3A_728, %dma_start3A_729] : memref<1000x64xf32, #tpu.memory_space<hbm>> -> memref<1000x64xf32, #tpu.memory_space<hbm>>
      tpu.enqueue_indirect_dma source(%dma_start3A_730 : memref<1000x64xf32, #tpu.memory_space<hbm>>) target(%dma_start3A_725 : memref<128x64xf32, #tpu.memory_space<vmem>>) offsets(%dma_start3A_727 : memref<128xi32, #tpu.memory_space<vmem>>) semaphore(%arg8 : memref<!tpu.dma_semaphore, #tpu.memory_space<semaphore_mem>>)
      %dma_start3A_731 = arith.constant 384 : i32
      %dma_start3A_732 = arith.constant 0 : i32
      %dma_start3A_733 = tpu.memref_slice %arg7[%dma_start3A_731, %dma_start3A_732] : memref<1024x64xf32, #tpu.memory_space<vmem>> -> memref<128x64xf32, #tpu.memory_space<vmem>>
      %dma_start3A_734 = arith.constant 384 : i32
      %dma_start3A_735 = tpu.memref_slice %arg6[%dma_start3A_734] : memref<1024xi32, #tpu.memory_space<vmem>> -> memref<128xi32, #tpu.memory_space<vmem>>
      %dma_start3A_736 = arith.constant 0 : i32
      %dma_start3A_737 = arith.constant 0 : i32
      %dma_start3A_738 = tpu.memref_slice %arg2[%dma_start3A_736, %dma_start3A_737] : memref<1000x64xf32, #tpu.memory_space<hbm>> -> memref<1000x64xf32, #tpu.memory_space<hbm>>
      tpu.enqueue_indirect_dma source(%dma_start3A_738 : memref<1000x64xf32, #tpu.memory_space<hbm>>) target(%dma_start3A_733 : memref<128x64xf32, #tpu.memory_space<vmem>>) offsets(%dma_start3A_735 : memref<128xi32, #tpu.memory_space<vmem>>) semaphore(%arg8 : memref<!tpu.dma_semaphore, #tpu.memory_space<semaphore_mem>>)
      %dma_start3A_739 = arith.constant 512 : i32
      %dma_start3A_740 = arith.constant 0 : i32
      %dma_start3A_741 = tpu.memref_slice %arg7[%dma_start3A_739, %dma_start3A_740] : memref<1024x64xf32, #tpu.memory_space<vmem>> -> memref<128x64xf32, #tpu.memory_space<vmem>>
      %dma_start3A_742 = arith.constant 512 : i32
      %dma_start3A_743 = tpu.memref_slice %arg6[%dma_start3A_742] : memref<1024xi32, #tpu.memory_space<vmem>> -> memref<128xi32, #tpu.memory_space<vmem>>
      %dma_start3A_744 = arith.constant 0 : i32
      %dma_start3A_745 = arith.constant 0 : i32
      %dma_start3A_746 = tpu.memref_slice %arg2[%dma_start3A_744, %dma_start3A_745] : memref<1000x64xf32, #tpu.memory_space<hbm>> -> memref<1000x64xf32, #tpu.memory_space<hbm>>
      tpu.enqueue_indirect_dma source(%dma_start3A_746 : memref<1000x64xf32, #tpu.memory_space<hbm>>) target(%dma_start3A_741 : memref<128x64xf32, #tpu.memory_space<vmem>>) offsets(%dma_start3A_743 : memref<128xi32, #tpu.memory_space<vmem>>) semaphore(%arg8 : memref<!tpu.dma_semaphore, #tpu.memory_space<semaphore_mem>>)
      %dma_start3A_747 = arith.constant 640 : i32
      %dma_start3A_748 = arith.constant 0 : i32
      %dma_start3A_749 = tpu.memref_slice %arg7[%dma_start3A_747, %dma_start3A_748] : memref<1024x64xf32, #tpu.memory_space<vmem>> -> memref<128x64xf32, #tpu.memory_space<vmem>>
      %dma_start3A_750 = arith.constant 640 : i32
      %dma_start3A_751 = tpu.memref_slice %arg6[%dma_start3A_750] : memref<1024xi32, #tpu.memory_space<vmem>> -> memref<128xi32, #tpu.memory_space<vmem>>
      %dma_start3A_752 = arith.constant 0 : i32
      %dma_start3A_753 = arith.constant 0 : i32
      %dma_start3A_754 = tpu.memref_slice %arg2[%dma_start3A_752, %dma_start3A_753] : memref<1000x64xf32, #tpu.memory_space<hbm>> -> memref<1000x64xf32, #tpu.memory_space<hbm>>
      tpu.enqueue_indirect_dma source(%dma_start3A_754 : memref<1000x64xf32, #tpu.memory_space<hbm>>) target(%dma_start3A_749 : memref<128x64xf32, #tpu.memory_space<vmem>>) offsets(%dma_start3A_751 : memref<128xi32, #tpu.memory_space<vmem>>) semaphore(%arg8 : memref<!tpu.dma_semaphore, #tpu.memory_space<semaphore_mem>>)
      %dma_start3A_755 = arith.constant 768 : i32
      %dma_start3A_756 = arith.constant 0 : i32
      %dma_start3A_757 = tpu.memref_slice %arg7[%dma_start3A_755, %dma_start3A_756] : memref<1024x64xf32, #tpu.memory_space<vmem>> -> memref<128x64xf32, #tpu.memory_space<vmem>>
      %dma_start3A_758 = arith.constant 768 : i32
      %dma_start3A_759 = tpu.memref_slice %arg6[%dma_start3A_758] : memref<1024xi32, #tpu.memory_space<vmem>> -> memref<128xi32, #tpu.memory_space<vmem>>
      %dma_start3A_760 = arith.constant 0 : i32
      %dma_start3A_761 = arith.constant 0 : i32
      %dma_start3A_762 = tpu.memref_slice %arg2[%dma_start3A_760, %dma_start3A_761] : memref<1000x64xf32, #tpu.memory_space<hbm>> -> memref<1000x64xf32, #tpu.memory_space<hbm>>
      tpu.enqueue_indirect_dma source(%dma_start3A_762 : memref<1000x64xf32, #tpu.memory_space<hbm>>) target(%dma_start3A_757 : memref<128x64xf32, #tpu.memory_space<vmem>>) offsets(%dma_start3A_759 : memref<128xi32, #tpu.memory_space<vmem>>) semaphore(%arg8 : memref<!tpu.dma_semaphore, #tpu.memory_space<semaphore_mem>>)
      %dma_start3A_763 = arith.constant 896 : i32
      %dma_start3A_764 = arith.constant 0 : i32
      %dma_start3A_765 = tpu.memref_slice %arg7[%dma_start3A_763, %dma_start3A_764] : memref<1024x64xf32, #tpu.memory_space<vmem>> -> memref<128x64xf32, #tpu.memory_space<vmem>>
      %dma_start3A_766 = arith.constant 896 : i32
      %dma_start3A_767 = tpu.memref_slice %arg6[%dma_start3A_766] : memref<1024xi32, #tpu.memory_space<vmem>> -> memref<128xi32, #tpu.memory_space<vmem>>
      %dma_start3A_768 = arith.constant 0 : i32
      %dma_start3A_769 = arith.constant 0 : i32
      %dma_start3A_770 = tpu.memref_slice %arg2[%dma_start3A_768, %dma_start3A_769] : memref<1000x64xf32, #tpu.memory_space<hbm>> -> memref<1000x64xf32, #tpu.memory_space<hbm>>
      tpu.enqueue_indirect_dma source(%dma_start3A_770 : memref<1000x64xf32, #tpu.memory_space<hbm>>) target(%dma_start3A_765 : memref<128x64xf32, #tpu.memory_space<vmem>>) offsets(%dma_start3A_767 : memref<128xi32, #tpu.memory_space<vmem>>) semaphore(%arg8 : memref<!tpu.dma_semaphore, #tpu.memory_space<semaphore_mem>>)
      %dma_wait3A = arith.constant 0 : i32
      %dma_wait3A_771 = arith.constant 0 : i32
      %dma_wait3A_772 = tpu.memref_slice %arg7[%dma_wait3A, %dma_wait3A_771] : memref<1024x64xf32, #tpu.memory_space<vmem>> -> memref<128x64xf32, #tpu.memory_space<vmem>>
      %dma_wait3A_773 = arith.constant 0 : i32
      %dma_wait3A_774 = tpu.memref_slice %arg6[%dma_wait3A_773] : memref<1024xi32, #tpu.memory_space<vmem>> -> memref<128xi32, #tpu.memory_space<vmem>>
      %dma_wait3A_775 = arith.constant 0 : i32
      %dma_wait3A_776 = arith.constant 0 : i32
      %dma_wait3A_777 = tpu.memref_slice %arg2[%dma_wait3A_775, %dma_wait3A_776] : memref<1000x64xf32, #tpu.memory_space<hbm>> -> memref<1000x64xf32, #tpu.memory_space<hbm>>
      tpu.wait_indirect_dma semaphore(%arg8 : memref<!tpu.dma_semaphore, #tpu.memory_space<semaphore_mem>>) src(%dma_wait3A_777 : memref<1000x64xf32, #tpu.memory_space<hbm>>) dst(%dma_wait3A_772 : memref<128x64xf32, #tpu.memory_space<vmem>>)
      %dma_wait3A_778 = arith.constant 128 : i32
      %dma_wait3A_779 = arith.constant 0 : i32
      %dma_wait3A_780 = tpu.memref_slice %arg7[%dma_wait3A_778, %dma_wait3A_779] : memref<1024x64xf32, #tpu.memory_space<vmem>> -> memref<128x64xf32, #tpu.memory_space<vmem>>
      %dma_wait3A_781 = arith.constant 128 : i32
      %dma_wait3A_782 = tpu.memref_slice %arg6[%dma_wait3A_781] : memref<1024xi32, #tpu.memory_space<vmem>> -> memref<128xi32, #tpu.memory_space<vmem>>
      %dma_wait3A_783 = arith.constant 0 : i32
      %dma_wait3A_784 = arith.constant 0 : i32
      %dma_wait3A_785 = tpu.memref_slice %arg2[%dma_wait3A_783, %dma_wait3A_784] : memref<1000x64xf32, #tpu.memory_space<hbm>> -> memref<1000x64xf32, #tpu.memory_space<hbm>>
      tpu.wait_indirect_dma semaphore(%arg8 : memref<!tpu.dma_semaphore, #tpu.memory_space<semaphore_mem>>) src(%dma_wait3A_785 : memref<1000x64xf32, #tpu.memory_space<hbm>>) dst(%dma_wait3A_780 : memref<128x64xf32, #tpu.memory_space<vmem>>)
      %dma_wait3A_786 = arith.constant 256 : i32
      %dma_wait3A_787 = arith.constant 0 : i32
      %dma_wait3A_788 = tpu.memref_slice %arg7[%dma_wait3A_786, %dma_wait3A_787] : memref<1024x64xf32, #tpu.memory_space<vmem>> -> memref<128x64xf32, #tpu.memory_space<vmem>>
      %dma_wait3A_789 = arith.constant 256 : i32
      %dma_wait3A_790 = tpu.memref_slice %arg6[%dma_wait3A_789] : memref<1024xi32, #tpu.memory_space<vmem>> -> memref<128xi32, #tpu.memory_space<vmem>>
      %dma_wait3A_791 = arith.constant 0 : i32
      %dma_wait3A_792 = arith.constant 0 : i32
      %dma_wait3A_793 = tpu.memref_slice %arg2[%dma_wait3A_791, %dma_wait3A_792] : memref<1000x64xf32, #tpu.memory_space<hbm>> -> memref<1000x64xf32, #tpu.memory_space<hbm>>
      tpu.wait_indirect_dma semaphore(%arg8 : memref<!tpu.dma_semaphore, #tpu.memory_space<semaphore_mem>>) src(%dma_wait3A_793 : memref<1000x64xf32, #tpu.memory_space<hbm>>) dst(%dma_wait3A_788 : memref<128x64xf32, #tpu.memory_space<vmem>>)
      %dma_wait3A_794 = arith.constant 384 : i32
      %dma_wait3A_795 = arith.constant 0 : i32
      %dma_wait3A_796 = tpu.memref_slice %arg7[%dma_wait3A_794, %dma_wait3A_795] : memref<1024x64xf32, #tpu.memory_space<vmem>> -> memref<128x64xf32, #tpu.memory_space<vmem>>
      %dma_wait3A_797 = arith.constant 384 : i32
      %dma_wait3A_798 = tpu.memref_slice %arg6[%dma_wait3A_797] : memref<1024xi32, #tpu.memory_space<vmem>> -> memref<128xi32, #tpu.memory_space<vmem>>
      %dma_wait3A_799 = arith.constant 0 : i32
      %dma_wait3A_800 = arith.constant 0 : i32
      %dma_wait3A_801 = tpu.memref_slice %arg2[%dma_wait3A_799, %dma_wait3A_800] : memref<1000x64xf32, #tpu.memory_space<hbm>> -> memref<1000x64xf32, #tpu.memory_space<hbm>>
      tpu.wait_indirect_dma semaphore(%arg8 : memref<!tpu.dma_semaphore, #tpu.memory_space<semaphore_mem>>) src(%dma_wait3A_801 : memref<1000x64xf32, #tpu.memory_space<hbm>>) dst(%dma_wait3A_796 : memref<128x64xf32, #tpu.memory_space<vmem>>)
      %dma_wait3A_802 = arith.constant 512 : i32
      %dma_wait3A_803 = arith.constant 0 : i32
      %dma_wait3A_804 = tpu.memref_slice %arg7[%dma_wait3A_802, %dma_wait3A_803] : memref<1024x64xf32, #tpu.memory_space<vmem>> -> memref<128x64xf32, #tpu.memory_space<vmem>>
      %dma_wait3A_805 = arith.constant 512 : i32
      %dma_wait3A_806 = tpu.memref_slice %arg6[%dma_wait3A_805] : memref<1024xi32, #tpu.memory_space<vmem>> -> memref<128xi32, #tpu.memory_space<vmem>>
      %dma_wait3A_807 = arith.constant 0 : i32
      %dma_wait3A_808 = arith.constant 0 : i32
      %dma_wait3A_809 = tpu.memref_slice %arg2[%dma_wait3A_807, %dma_wait3A_808] : memref<1000x64xf32, #tpu.memory_space<hbm>> -> memref<1000x64xf32, #tpu.memory_space<hbm>>
      tpu.wait_indirect_dma semaphore(%arg8 : memref<!tpu.dma_semaphore, #tpu.memory_space<semaphore_mem>>) src(%dma_wait3A_809 : memref<1000x64xf32, #tpu.memory_space<hbm>>) dst(%dma_wait3A_804 : memref<128x64xf32, #tpu.memory_space<vmem>>)
      %dma_wait3A_810 = arith.constant 640 : i32
      %dma_wait3A_811 = arith.constant 0 : i32
      %dma_wait3A_812 = tpu.memref_slice %arg7[%dma_wait3A_810, %dma_wait3A_811] : memref<1024x64xf32, #tpu.memory_space<vmem>> -> memref<128x64xf32, #tpu.memory_space<vmem>>
      %dma_wait3A_813 = arith.constant 640 : i32
      %dma_wait3A_814 = tpu.memref_slice %arg6[%dma_wait3A_813] : memref<1024xi32, #tpu.memory_space<vmem>> -> memref<128xi32, #tpu.memory_space<vmem>>
      %dma_wait3A_815 = arith.constant 0 : i32
      %dma_wait3A_816 = arith.constant 0 : i32
      %dma_wait3A_817 = tpu.memref_slice %arg2[%dma_wait3A_815, %dma_wait3A_816] : memref<1000x64xf32, #tpu.memory_space<hbm>> -> memref<1000x64xf32, #tpu.memory_space<hbm>>
      tpu.wait_indirect_dma semaphore(%arg8 : memref<!tpu.dma_semaphore, #tpu.memory_space<semaphore_mem>>) src(%dma_wait3A_817 : memref<1000x64xf32, #tpu.memory_space<hbm>>) dst(%dma_wait3A_812 : memref<128x64xf32, #tpu.memory_space<vmem>>)
      %dma_wait3A_818 = arith.constant 768 : i32
      %dma_wait3A_819 = arith.constant 0 : i32
      %dma_wait3A_820 = tpu.memref_slice %arg7[%dma_wait3A_818, %dma_wait3A_819] : memref<1024x64xf32, #tpu.memory_space<vmem>> -> memref<128x64xf32, #tpu.memory_space<vmem>>
      %dma_wait3A_821 = arith.constant 768 : i32
      %dma_wait3A_822 = tpu.memref_slice %arg6[%dma_wait3A_821] : memref<1024xi32, #tpu.memory_space<vmem>> -> memref<128xi32, #tpu.memory_space<vmem>>
      %dma_wait3A_823 = arith.constant 0 : i32
      %dma_wait3A_824 = arith.constant 0 : i32
      %dma_wait3A_825 = tpu.memref_slice %arg2[%dma_wait3A_823, %dma_wait3A_824] : memref<1000x64xf32, #tpu.memory_space<hbm>> -> memref<1000x64xf32, #tpu.memory_space<hbm>>
      tpu.wait_indirect_dma semaphore(%arg8 : memref<!tpu.dma_semaphore, #tpu.memory_space<semaphore_mem>>) src(%dma_wait3A_825 : memref<1000x64xf32, #tpu.memory_space<hbm>>) dst(%dma_wait3A_820 : memref<128x64xf32, #tpu.memory_space<vmem>>)
      %dma_wait3A_826 = arith.constant 896 : i32
      %dma_wait3A_827 = arith.constant 0 : i32
      %dma_wait3A_828 = tpu.memref_slice %arg7[%dma_wait3A_826, %dma_wait3A_827] : memref<1024x64xf32, #tpu.memory_space<vmem>> -> memref<128x64xf32, #tpu.memory_space<vmem>>
      %dma_wait3A_829 = arith.constant 896 : i32
      %dma_wait3A_830 = tpu.memref_slice %arg6[%dma_wait3A_829] : memref<1024xi32, #tpu.memory_space<vmem>> -> memref<128xi32, #tpu.memory_space<vmem>>
      %dma_wait3A_831 = arith.constant 0 : i32
      %dma_wait3A_832 = arith.constant 0 : i32
      %dma_wait3A_833 = tpu.memref_slice %arg2[%dma_wait3A_831, %dma_wait3A_832] : memref<1000x64xf32, #tpu.memory_space<hbm>> -> memref<1000x64xf32, #tpu.memory_space<hbm>>
      tpu.wait_indirect_dma semaphore(%arg8 : memref<!tpu.dma_semaphore, #tpu.memory_space<semaphore_mem>>) src(%dma_wait3A_833 : memref<1000x64xf32, #tpu.memory_space<hbm>>) dst(%dma_wait3A_828 : memref<128x64xf32, #tpu.memory_space<vmem>>)
      %mul3A_834 = arith.constant 1024 : i32
      %mul3A_835 = arith.muli %add3A, %mul3A_834 : i32
      "tpu.region"() ({
        %run_scoped3A = tpu.sem_alloc : memref<!tpu.dma_semaphore, #tpu.memory_space<semaphore_mem>>
        %dma_start3A_836 = arith.constant 0 : i32
        %dma_start3A_837 = tpu.memref_slice %arg4[%mul3A_835, %dma_start3A_836] : memref<24576x64xf32, #tpu.memory_space<hbm>> -> memref<1024x64xf32, #tpu.memory_space<hbm>>
        %dma_start3A_838 = arith.constant 0 : i32
        %dma_start3A_839 = tpu.memref_slice %arg4[%mul3A_835, %dma_start3A_838] : memref<24576x64xf32, #tpu.memory_space<hbm>> -> memref<1024x64xf32, #tpu.memory_space<hbm>>
        tpu.enqueue_dma source(%arg7 : memref<1024x64xf32, #tpu.memory_space<vmem>>) target(%dma_start3A_839 : memref<1024x64xf32, #tpu.memory_space<hbm>>) target_semaphore(%run_scoped3A : memref<!tpu.dma_semaphore, #tpu.memory_space<semaphore_mem>>)
        %dma_wait3A_840 = arith.constant 0 : i32
        %dma_wait3A_841 = tpu.memref_slice %arg4[%mul3A_835, %dma_wait3A_840] : memref<24576x64xf32, #tpu.memory_space<hbm>> -> memref<1024x64xf32, #tpu.memory_space<hbm>>
        %dma_wait3A_842 = arith.constant 0 : i32
        %dma_wait3A_843 = tpu.memref_slice %arg4[%mul3A_835, %dma_wait3A_842] : memref<24576x64xf32, #tpu.memory_space<hbm>> -> memref<1024x64xf32, #tpu.memory_space<hbm>>
        tpu.wait_dma2 semaphore(%run_scoped3A : memref<!tpu.dma_semaphore, #tpu.memory_space<semaphore_mem>>) src(%arg7 : memref<1024x64xf32, #tpu.memory_space<vmem>>) dst(%dma_wait3A_843 : memref<1024x64xf32, #tpu.memory_space<hbm>>)
        tpu.yield
      }) : () -> ()
    } else {
    }
    return
  }
}

module attributes {stable_mosaic.version = 14 : i64} {
  func.func @_gru_body_first(%arg0: i32, %arg1: memref<1024x128xf32, #tpu.memory_space<vmem>>, %arg2: memref<1024x128xf32, #tpu.memory_space<vmem>>, %arg3: memref<1024x128xf32, #tpu.memory_space<vmem>>, %arg4: memref<128x384xf32, #tpu.memory_space<vmem>>, %arg5: memref<128x384xf32, #tpu.memory_space<vmem>>, %arg6: memref<1x384xf32, #tpu.memory_space<vmem>>, %arg7: memref<1x384xf32, #tpu.memory_space<vmem>>, %arg8: memref<64x2048xf32, #tpu.memory_space<vmem>>) attributes {dimension_semantics = [#tpu.dimension_semantics<arbitrary>], iteration_bounds = array<i64: 4>, scalar_prefetch = 0 : i64, scratch_operands = 0 : i64, tpu.core_type = #tpu.core_type<tc>, window_params = [{transform_indices = @transform_0, window_bounds = array<i64: 1024, 128>}, {transform_indices = @transform_1, window_bounds = array<i64: 1024, 128>}, {transform_indices = @transform_2, window_bounds = array<i64: 1024, 128>}, {pipeline_mode = #tpu.pipeline_mode<synchronous>, transform_indices = @transform_3, window_bounds = array<i64: 128, 384>}, {pipeline_mode = #tpu.pipeline_mode<synchronous>, transform_indices = @transform_4, window_bounds = array<i64: 128, 384>}, {pipeline_mode = #tpu.pipeline_mode<synchronous>, transform_indices = @transform_5, window_bounds = array<i64: 1, 384>}, {pipeline_mode = #tpu.pipeline_mode<synchronous>, transform_indices = @transform_6, window_bounds = array<i64: 1, 384>}, {transform_indices = @transform_7, window_bounds = array<i64: 64, 2048>}]} {
    %get3A = arith.constant 0 : index
    %get3A_0 = arith.constant 0 : index
    %get3A_1 = vector.load %arg4[%get3A, %get3A_0] : memref<128x384xf32, #tpu.memory_space<vmem>>, vector<128x384xf32>
    %get3A_2 = arith.constant 0 : index
    %get3A_3 = arith.constant 0 : index
    %get3A_4 = vector.load %arg5[%get3A_2, %get3A_3] : memref<128x384xf32, #tpu.memory_space<vmem>>, vector<128x384xf32>
    %get3A_5 = arith.constant 0 : index
    %get3A_6 = arith.constant 0 : index
    %get3A_7 = vector.load %arg6[%get3A_5, %get3A_6] : memref<1x384xf32, #tpu.memory_space<vmem>>, vector<1x384xf32>
    %get3A_8 = arith.constant 0 : index
    %get3A_9 = arith.constant 0 : index
    %get3A_10 = vector.load %arg7[%get3A_8, %get3A_9] : memref<1x384xf32, #tpu.memory_space<vmem>>, vector<1x384xf32>
    %broadcast_in_dim3A = arith.constant 0.000000e+00 : f32
    %broadcast_in_dim3A_11 = vector.broadcast %broadcast_in_dim3A : f32 to vector<1024x128xf32>
    %get3A_12 = arith.constant 0 : index
    %get3A_13 = arith.constant 0 : index
    %get3A_14 = vector.load %arg1[%get3A_12, %get3A_13] : memref<1024x128xf32, #tpu.memory_space<vmem>>, vector<1024x128xf32>
    %dot_general3A = arith.constant dense<0.000000e+00> : vector<1024x384xf32>
    %dot_general3A_15 = tpu.matmul %get3A_14, %get3A_1, %dot_general3A {dimension_numbers = #tpu.dot_dimension_numbers<[1], [0], [0], [1], [0, 0, 1, 1], [], []>, transpose_lhs_hint = false} : vector<1024x128xf32>, vector<128x384xf32>, vector<1024x384xf32> -> vector<1024x384xf32>
    %add3A = vector.broadcast %get3A_7 : vector<1x384xf32> to vector<1024x384xf32>
    %add3A_16 = arith.addf %dot_general3A_15, %add3A : vector<1024x384xf32>
    %dot_general3A_17 = arith.constant dense<0.000000e+00> : vector<1024x384xf32>
    %dot_general3A_18 = tpu.matmul %broadcast_in_dim3A_11, %get3A_4, %dot_general3A_17 {dimension_numbers = #tpu.dot_dimension_numbers<[1], [0], [0], [1], [0, 0, 1, 1], [], []>, transpose_lhs_hint = false} : vector<1024x128xf32>, vector<128x384xf32>, vector<1024x384xf32> -> vector<1024x384xf32>
    %add3A_19 = vector.broadcast %get3A_10 : vector<1x384xf32> to vector<1024x384xf32>
    %add3A_20 = arith.addf %dot_general3A_18, %add3A_19 : vector<1024x384xf32>
    %slice3A = vector.extract_strided_slice %add3A_16 {offsets = [0, 0], sizes = [1024, 128], strides = [1, 1]} : vector<1024x384xf32> to vector<1024x128xf32>
    %slice3A_21 = vector.extract_strided_slice %add3A_20 {offsets = [0, 0], sizes = [1024, 128], strides = [1, 1]} : vector<1024x384xf32> to vector<1024x128xf32>
    %add3A_22 = arith.addf %slice3A, %slice3A_21 : vector<1024x128xf32>
    %logistic3A = arith.negf %add3A_22 : vector<1024x128xf32>
    %logistic3A_23 = math.exp %logistic3A : vector<1024x128xf32>
    %logistic3A_24 = arith.constant 1.000000e+00 : f32
    %logistic3A_25 = vector.broadcast %logistic3A_24 : f32 to vector<1024x128xf32>
    %logistic3A_26 = arith.addf %logistic3A_25, %logistic3A_23 : vector<1024x128xf32>
    %logistic3A_27 = arith.divf %logistic3A_25, %logistic3A_26 : vector<1024x128xf32>
    %slice3A_28 = vector.extract_strided_slice %add3A_16 {offsets = [0, 128], sizes = [1024, 128], strides = [1, 1]} : vector<1024x384xf32> to vector<1024x128xf32>
    %slice3A_29 = vector.extract_strided_slice %add3A_20 {offsets = [0, 128], sizes = [1024, 128], strides = [1, 1]} : vector<1024x384xf32> to vector<1024x128xf32>
    %add3A_30 = arith.addf %slice3A_28, %slice3A_29 : vector<1024x128xf32>
    %logistic3A_31 = arith.negf %add3A_30 : vector<1024x128xf32>
    %logistic3A_32 = math.exp %logistic3A_31 : vector<1024x128xf32>
    %logistic3A_33 = arith.constant 1.000000e+00 : f32
    %logistic3A_34 = vector.broadcast %logistic3A_33 : f32 to vector<1024x128xf32>
    %logistic3A_35 = arith.addf %logistic3A_34, %logistic3A_32 : vector<1024x128xf32>
    %logistic3A_36 = arith.divf %logistic3A_34, %logistic3A_35 : vector<1024x128xf32>
    %slice3A_37 = vector.extract_strided_slice %add3A_16 {offsets = [0, 256], sizes = [1024, 128], strides = [1, 1]} : vector<1024x384xf32> to vector<1024x128xf32>
    %slice3A_38 = vector.extract_strided_slice %add3A_20 {offsets = [0, 256], sizes = [1024, 128], strides = [1, 1]} : vector<1024x384xf32> to vector<1024x128xf32>
    %mul3A = arith.mulf %logistic3A_27, %slice3A_38 : vector<1024x128xf32>
    %add3A_39 = arith.addf %slice3A_37, %mul3A : vector<1024x128xf32>
    %tanh3A = math.tanh %add3A_39 : vector<1024x128xf32>
    %sub3A = arith.constant 1.000000e+00 : f32
    %sub3A_40 = vector.broadcast %sub3A : f32 to vector<1024x128xf32>
    %sub3A_41 = arith.subf %sub3A_40, %logistic3A_36 : vector<1024x128xf32>
    %mul3A_42 = arith.mulf %sub3A_41, %tanh3A : vector<1024x128xf32>
    %mul3A_43 = arith.mulf %logistic3A_36, %broadcast_in_dim3A_11 : vector<1024x128xf32>
    %add3A_44 = arith.addf %mul3A_42, %mul3A_43 : vector<1024x128xf32>
    %get3A_45 = arith.constant 0 : index
    %get3A_46 = arith.constant 0 : index
    %get3A_47 = vector.load %arg2[%get3A_45, %get3A_46] : memref<1024x128xf32, #tpu.memory_space<vmem>>, vector<1024x128xf32>
    %dot_general3A_48 = arith.constant dense<0.000000e+00> : vector<1024x384xf32>
    %dot_general3A_49 = tpu.matmul %get3A_47, %get3A_1, %dot_general3A_48 {dimension_numbers = #tpu.dot_dimension_numbers<[1], [0], [0], [1], [0, 0, 1, 1], [], []>, transpose_lhs_hint = false} : vector<1024x128xf32>, vector<128x384xf32>, vector<1024x384xf32> -> vector<1024x384xf32>
    %add3A_50 = vector.broadcast %get3A_7 : vector<1x384xf32> to vector<1024x384xf32>
    %add3A_51 = arith.addf %dot_general3A_49, %add3A_50 : vector<1024x384xf32>
    %dot_general3A_52 = arith.constant dense<0.000000e+00> : vector<1024x384xf32>
    %dot_general3A_53 = tpu.matmul %add3A_44, %get3A_4, %dot_general3A_52 {dimension_numbers = #tpu.dot_dimension_numbers<[1], [0], [0], [1], [0, 0, 1, 1], [], []>, transpose_lhs_hint = false} : vector<1024x128xf32>, vector<128x384xf32>, vector<1024x384xf32> -> vector<1024x384xf32>
    %add3A_54 = vector.broadcast %get3A_10 : vector<1x384xf32> to vector<1024x384xf32>
    %add3A_55 = arith.addf %dot_general3A_53, %add3A_54 : vector<1024x384xf32>
    %slice3A_56 = vector.extract_strided_slice %add3A_51 {offsets = [0, 0], sizes = [1024, 128], strides = [1, 1]} : vector<1024x384xf32> to vector<1024x128xf32>
    %slice3A_57 = vector.extract_strided_slice %add3A_55 {offsets = [0, 0], sizes = [1024, 128], strides = [1, 1]} : vector<1024x384xf32> to vector<1024x128xf32>
    %add3A_58 = arith.addf %slice3A_56, %slice3A_57 : vector<1024x128xf32>
    %logistic3A_59 = arith.negf %add3A_58 : vector<1024x128xf32>
    %logistic3A_60 = math.exp %logistic3A_59 : vector<1024x128xf32>
    %logistic3A_61 = arith.constant 1.000000e+00 : f32
    %logistic3A_62 = vector.broadcast %logistic3A_61 : f32 to vector<1024x128xf32>
    %logistic3A_63 = arith.addf %logistic3A_62, %logistic3A_60 : vector<1024x128xf32>
    %logistic3A_64 = arith.divf %logistic3A_62, %logistic3A_63 : vector<1024x128xf32>
    %slice3A_65 = vector.extract_strided_slice %add3A_51 {offsets = [0, 128], sizes = [1024, 128], strides = [1, 1]} : vector<1024x384xf32> to vector<1024x128xf32>
    %slice3A_66 = vector.extract_strided_slice %add3A_55 {offsets = [0, 128], sizes = [1024, 128], strides = [1, 1]} : vector<1024x384xf32> to vector<1024x128xf32>
    %add3A_67 = arith.addf %slice3A_65, %slice3A_66 : vector<1024x128xf32>
    %logistic3A_68 = arith.negf %add3A_67 : vector<1024x128xf32>
    %logistic3A_69 = math.exp %logistic3A_68 : vector<1024x128xf32>
    %logistic3A_70 = arith.constant 1.000000e+00 : f32
    %logistic3A_71 = vector.broadcast %logistic3A_70 : f32 to vector<1024x128xf32>
    %logistic3A_72 = arith.addf %logistic3A_71, %logistic3A_69 : vector<1024x128xf32>
    %logistic3A_73 = arith.divf %logistic3A_71, %logistic3A_72 : vector<1024x128xf32>
    %slice3A_74 = vector.extract_strided_slice %add3A_51 {offsets = [0, 256], sizes = [1024, 128], strides = [1, 1]} : vector<1024x384xf32> to vector<1024x128xf32>
    %slice3A_75 = vector.extract_strided_slice %add3A_55 {offsets = [0, 256], sizes = [1024, 128], strides = [1, 1]} : vector<1024x384xf32> to vector<1024x128xf32>
    %mul3A_76 = arith.mulf %logistic3A_64, %slice3A_75 : vector<1024x128xf32>
    %add3A_77 = arith.addf %slice3A_74, %mul3A_76 : vector<1024x128xf32>
    %tanh3A_78 = math.tanh %add3A_77 : vector<1024x128xf32>
    %sub3A_79 = arith.constant 1.000000e+00 : f32
    %sub3A_80 = vector.broadcast %sub3A_79 : f32 to vector<1024x128xf32>
    %sub3A_81 = arith.subf %sub3A_80, %logistic3A_73 : vector<1024x128xf32>
    %mul3A_82 = arith.mulf %sub3A_81, %tanh3A_78 : vector<1024x128xf32>
    %mul3A_83 = arith.mulf %logistic3A_73, %add3A_44 : vector<1024x128xf32>
    %add3A_84 = arith.addf %mul3A_82, %mul3A_83 : vector<1024x128xf32>
    %get3A_85 = arith.constant 0 : index
    %get3A_86 = arith.constant 0 : index
    %get3A_87 = vector.load %arg3[%get3A_85, %get3A_86] : memref<1024x128xf32, #tpu.memory_space<vmem>>, vector<1024x128xf32>
    %dot_general3A_88 = arith.constant dense<0.000000e+00> : vector<1024x384xf32>
    %dot_general3A_89 = tpu.matmul %get3A_87, %get3A_1, %dot_general3A_88 {dimension_numbers = #tpu.dot_dimension_numbers<[1], [0], [0], [1], [0, 0, 1, 1], [], []>, transpose_lhs_hint = false} : vector<1024x128xf32>, vector<128x384xf32>, vector<1024x384xf32> -> vector<1024x384xf32>
    %add3A_90 = vector.broadcast %get3A_7 : vector<1x384xf32> to vector<1024x384xf32>
    %add3A_91 = arith.addf %dot_general3A_89, %add3A_90 : vector<1024x384xf32>
    %dot_general3A_92 = arith.constant dense<0.000000e+00> : vector<1024x384xf32>
    %dot_general3A_93 = tpu.matmul %add3A_84, %get3A_4, %dot_general3A_92 {dimension_numbers = #tpu.dot_dimension_numbers<[1], [0], [0], [1], [0, 0, 1, 1], [], []>, transpose_lhs_hint = false} : vector<1024x128xf32>, vector<128x384xf32>, vector<1024x384xf32> -> vector<1024x384xf32>
    %add3A_94 = vector.broadcast %get3A_10 : vector<1x384xf32> to vector<1024x384xf32>
    %add3A_95 = arith.addf %dot_general3A_93, %add3A_94 : vector<1024x384xf32>
    %slice3A_96 = vector.extract_strided_slice %add3A_91 {offsets = [0, 0], sizes = [1024, 128], strides = [1, 1]} : vector<1024x384xf32> to vector<1024x128xf32>
    %slice3A_97 = vector.extract_strided_slice %add3A_95 {offsets = [0, 0], sizes = [1024, 128], strides = [1, 1]} : vector<1024x384xf32> to vector<1024x128xf32>
    %add3A_98 = arith.addf %slice3A_96, %slice3A_97 : vector<1024x128xf32>
    %logistic3A_99 = arith.negf %add3A_98 : vector<1024x128xf32>
    %logistic3A_100 = math.exp %logistic3A_99 : vector<1024x128xf32>
    %logistic3A_101 = arith.constant 1.000000e+00 : f32
    %logistic3A_102 = vector.broadcast %logistic3A_101 : f32 to vector<1024x128xf32>
    %logistic3A_103 = arith.addf %logistic3A_102, %logistic3A_100 : vector<1024x128xf32>
    %logistic3A_104 = arith.divf %logistic3A_102, %logistic3A_103 : vector<1024x128xf32>
    %slice3A_105 = vector.extract_strided_slice %add3A_91 {offsets = [0, 128], sizes = [1024, 128], strides = [1, 1]} : vector<1024x384xf32> to vector<1024x128xf32>
    %slice3A_106 = vector.extract_strided_slice %add3A_95 {offsets = [0, 128], sizes = [1024, 128], strides = [1, 1]} : vector<1024x384xf32> to vector<1024x128xf32>
    %add3A_107 = arith.addf %slice3A_105, %slice3A_106 : vector<1024x128xf32>
    %logistic3A_108 = arith.negf %add3A_107 : vector<1024x128xf32>
    %logistic3A_109 = math.exp %logistic3A_108 : vector<1024x128xf32>
    %logistic3A_110 = arith.constant 1.000000e+00 : f32
    %logistic3A_111 = vector.broadcast %logistic3A_110 : f32 to vector<1024x128xf32>
    %logistic3A_112 = arith.addf %logistic3A_111, %logistic3A_109 : vector<1024x128xf32>
    %logistic3A_113 = arith.divf %logistic3A_111, %logistic3A_112 : vector<1024x128xf32>
    %slice3A_114 = vector.extract_strided_slice %add3A_91 {offsets = [0, 256], sizes = [1024, 128], strides = [1, 1]} : vector<1024x384xf32> to vector<1024x128xf32>
    %slice3A_115 = vector.extract_strided_slice %add3A_95 {offsets = [0, 256], sizes = [1024, 128], strides = [1, 1]} : vector<1024x384xf32> to vector<1024x128xf32>
    %mul3A_116 = arith.mulf %logistic3A_104, %slice3A_115 : vector<1024x128xf32>
    %add3A_117 = arith.addf %slice3A_114, %mul3A_116 : vector<1024x128xf32>
    %tanh3A_118 = math.tanh %add3A_117 : vector<1024x128xf32>
    %sub3A_119 = arith.constant 1.000000e+00 : f32
    %sub3A_120 = vector.broadcast %sub3A_119 : f32 to vector<1024x128xf32>
    %sub3A_121 = arith.subf %sub3A_120, %logistic3A_113 : vector<1024x128xf32>
    %mul3A_122 = arith.mulf %sub3A_121, %tanh3A_118 : vector<1024x128xf32>
    %mul3A_123 = arith.mulf %logistic3A_113, %add3A_84 : vector<1024x128xf32>
    %add3A_124 = arith.addf %mul3A_122, %mul3A_123 : vector<1024x128xf32>
    %slice3A_125 = vector.extract_strided_slice %add3A_124 {offsets = [0, 0], sizes = [512, 64], strides = [1, 1]} : vector<1024x128xf32> to vector<512x64xf32>
    %transpose3A = tpu.transpose %slice3A_125, [1, 0] : vector<512x64xf32> -> vector<64x512xf32>
    %slice3A_126 = vector.extract_strided_slice %add3A_124 {offsets = [0, 64], sizes = [512, 64], strides = [1, 1]} : vector<1024x128xf32> to vector<512x64xf32>
    %transpose3A_127 = tpu.transpose %slice3A_126, [1, 0] : vector<512x64xf32> -> vector<64x512xf32>
    %slice3A_128 = vector.extract_strided_slice %add3A_124 {offsets = [512, 0], sizes = [512, 64], strides = [1, 1]} : vector<1024x128xf32> to vector<512x64xf32>
    %transpose3A_129 = tpu.transpose %slice3A_128, [1, 0] : vector<512x64xf32> -> vector<64x512xf32>
    %slice3A_130 = vector.extract_strided_slice %add3A_124 {offsets = [512, 64], sizes = [512, 64], strides = [1, 1]} : vector<1024x128xf32> to vector<512x64xf32>
    %transpose3A_131 = tpu.transpose %slice3A_130, [1, 0] : vector<512x64xf32> -> vector<64x512xf32>
    %concatenate3A = tpu.concatenate %transpose3A, %transpose3A_127, %transpose3A_129, %transpose3A_131 in 1 : vector<64x512xf32>, vector<64x512xf32>, vector<64x512xf32>, vector<64x512xf32> -> vector<64x2048xf32>
    %swap3A = arith.constant 0 : index
    %swap3A_132 = arith.constant 0 : index
    %swap3A_133 = vector.load %arg8[%swap3A, %swap3A_132] : memref<64x2048xf32, #tpu.memory_space<vmem>>, vector<64x2048xf32>
    tpu.vector_store %arg8[%swap3A, %swap3A_132], %concatenate3A {strides = array<i32>} : memref<64x2048xf32, #tpu.memory_space<vmem>>, vector<64x2048xf32>,
    return
  }
  func.func @transform_0(%arg0: i32) -> (i32, i32) {
    %c0_i32 = arith.constant 0 : i32
    %c0_i32_0 = arith.constant 0 : i32
    return %arg0, %c0_i32 : i32, i32
  }
  func.func @transform_1(%arg0: i32) -> (i32, i32) {
    %add3A = arith.constant 4 : i32
    %add3A_0 = arith.addi %arg0, %add3A : i32
    %c0_i32 = arith.constant 0 : i32
    %c0_i32_1 = arith.constant 0 : i32
    return %add3A_0, %c0_i32 : i32, i32
  }
  func.func @transform_2(%arg0: i32) -> (i32, i32) {
    %add3A = arith.constant 8 : i32
    %add3A_0 = arith.addi %arg0, %add3A : i32
    %c0_i32 = arith.constant 0 : i32
    %c0_i32_1 = arith.constant 0 : i32
    return %add3A_0, %c0_i32 : i32, i32
  }
  func.func @transform_3(%arg0: i32) -> (i32, i32) {
    %c0_i32 = arith.constant 0 : i32
    %c0_i32_0 = arith.constant 0 : i32
    %c0_i32_1 = arith.constant 0 : i32
    return %c0_i32, %c0_i32_0 : i32, i32
  }
  func.func @transform_4(%arg0: i32) -> (i32, i32) {
    %c0_i32 = arith.constant 0 : i32
    %c0_i32_0 = arith.constant 0 : i32
    %c0_i32_1 = arith.constant 0 : i32
    return %c0_i32, %c0_i32_0 : i32, i32
  }
  func.func @transform_5(%arg0: i32) -> (i32, i32) {
    %c0_i32 = arith.constant 0 : i32
    %c0_i32_0 = arith.constant 0 : i32
    %c0_i32_1 = arith.constant 0 : i32
    return %c0_i32, %c0_i32_0 : i32, i32
  }
  func.func @transform_6(%arg0: i32) -> (i32, i32) {
    %c0_i32 = arith.constant 0 : i32
    %c0_i32_0 = arith.constant 0 : i32
    %c0_i32_1 = arith.constant 0 : i32
    return %c0_i32, %c0_i32_0 : i32, i32
  }
  func.func @transform_7(%arg0: i32) -> (i32, i32) {
    %add3A = arith.constant 0 : i32
    %add3A_0 = arith.addi %arg0, %add3A : i32
    %c0_i32 = arith.constant 0 : i32
    %c0_i32_1 = arith.constant 0 : i32
    return %c0_i32, %add3A_0 : i32, i32
  }
}

module attributes {stable_mosaic.version = 14 : i64} {
  func.func @_gru_body(%arg0: i32, %arg1: memref<1024x128xf32, #tpu.memory_space<vmem>>, %arg2: memref<1024x128xf32, #tpu.memory_space<vmem>>, %arg3: memref<1024x128xf32, #tpu.memory_space<vmem>>, %arg4: memref<128x384xf32, #tpu.memory_space<vmem>>, %arg5: memref<128x384xf32, #tpu.memory_space<vmem>>, %arg6: memref<1x384xf32, #tpu.memory_space<vmem>>, %arg7: memref<1x384xf32, #tpu.memory_space<vmem>>, %arg8: memref<64x16384xf32, #tpu.memory_space<any>>, %arg9: memref<64x2048xf32, #tpu.memory_space<vmem>>) attributes {dimension_semantics = [#tpu.dimension_semantics<arbitrary>], iteration_bounds = array<i64: 4>, scalar_prefetch = 0 : i64, scratch_operands = 0 : i64, tpu.core_type = #tpu.core_type<tc>, window_params = [{transform_indices = @transform_0, window_bounds = array<i64: 1024, 128>}, {transform_indices = @transform_1, window_bounds = array<i64: 1024, 128>}, {transform_indices = @transform_2, window_bounds = array<i64: 1024, 128>}, {pipeline_mode = #tpu.pipeline_mode<synchronous>, transform_indices = @transform_3, window_bounds = array<i64: 128, 384>}, {pipeline_mode = #tpu.pipeline_mode<synchronous>, transform_indices = @transform_4, window_bounds = array<i64: 128, 384>}, {pipeline_mode = #tpu.pipeline_mode<synchronous>, transform_indices = @transform_5, window_bounds = array<i64: 1, 384>}, {pipeline_mode = #tpu.pipeline_mode<synchronous>, transform_indices = @transform_6, window_bounds = array<i64: 1, 384>}, {}, {transform_indices = @transform_8, window_bounds = array<i64: 64, 2048>}]} {
    %get3A = arith.constant 0 : index
    %get3A_0 = arith.constant 0 : index
    %get3A_1 = vector.load %arg4[%get3A, %get3A_0] : memref<128x384xf32, #tpu.memory_space<vmem>>, vector<128x384xf32>
    %get3A_2 = arith.constant 0 : index
    %get3A_3 = arith.constant 0 : index
    %get3A_4 = vector.load %arg5[%get3A_2, %get3A_3] : memref<128x384xf32, #tpu.memory_space<vmem>>, vector<128x384xf32>
    %get3A_5 = arith.constant 0 : index
    %get3A_6 = arith.constant 0 : index
    %get3A_7 = vector.load %arg6[%get3A_5, %get3A_6] : memref<1x384xf32, #tpu.memory_space<vmem>>, vector<1x384xf32>
    %get3A_8 = arith.constant 0 : index
    %get3A_9 = arith.constant 0 : index
    %get3A_10 = vector.load %arg7[%get3A_8, %get3A_9] : memref<1x384xf32, #tpu.memory_space<vmem>>, vector<1x384xf32>
    %broadcast_in_dim3A = arith.constant 0.000000e+00 : f32
    %broadcast_in_dim3A_11 = vector.broadcast %broadcast_in_dim3A : f32 to vector<1024x128xf32>
    %get3A_12 = arith.constant 0 : index
    %get3A_13 = arith.constant 0 : index
    %get3A_14 = vector.load %arg1[%get3A_12, %get3A_13] : memref<1024x128xf32, #tpu.memory_space<vmem>>, vector<1024x128xf32>
    %dot_general3A = arith.constant dense<0.000000e+00> : vector<1024x384xf32>
    %dot_general3A_15 = tpu.matmul %get3A_14, %get3A_1, %dot_general3A {dimension_numbers = #tpu.dot_dimension_numbers<[1], [0], [0], [1], [0, 0, 1, 1], [], []>, transpose_lhs_hint = false} : vector<1024x128xf32>, vector<128x384xf32>, vector<1024x384xf32> -> vector<1024x384xf32>
    %add3A = vector.broadcast %get3A_7 : vector<1x384xf32> to vector<1024x384xf32>
    %add3A_16 = arith.addf %dot_general3A_15, %add3A : vector<1024x384xf32>
    %dot_general3A_17 = arith.constant dense<0.000000e+00> : vector<1024x384xf32>
    %dot_general3A_18 = tpu.matmul %broadcast_in_dim3A_11, %get3A_4, %dot_general3A_17 {dimension_numbers = #tpu.dot_dimension_numbers<[1], [0], [0], [1], [0, 0, 1, 1], [], []>, transpose_lhs_hint = false} : vector<1024x128xf32>, vector<128x384xf32>, vector<1024x384xf32> -> vector<1024x384xf32>
    %add3A_19 = vector.broadcast %get3A_10 : vector<1x384xf32> to vector<1024x384xf32>
    %add3A_20 = arith.addf %dot_general3A_18, %add3A_19 : vector<1024x384xf32>
    %slice3A = vector.extract_strided_slice %add3A_16 {offsets = [0, 0], sizes = [1024, 128], strides = [1, 1]} : vector<1024x384xf32> to vector<1024x128xf32>
    %slice3A_21 = vector.extract_strided_slice %add3A_20 {offsets = [0, 0], sizes = [1024, 128], strides = [1, 1]} : vector<1024x384xf32> to vector<1024x128xf32>
    %add3A_22 = arith.addf %slice3A, %slice3A_21 : vector<1024x128xf32>
    %logistic3A = arith.negf %add3A_22 : vector<1024x128xf32>
    %logistic3A_23 = math.exp %logistic3A : vector<1024x128xf32>
    %logistic3A_24 = arith.constant 1.000000e+00 : f32
    %logistic3A_25 = vector.broadcast %logistic3A_24 : f32 to vector<1024x128xf32>
    %logistic3A_26 = arith.addf %logistic3A_25, %logistic3A_23 : vector<1024x128xf32>
    %logistic3A_27 = arith.divf %logistic3A_25, %logistic3A_26 : vector<1024x128xf32>
    %slice3A_28 = vector.extract_strided_slice %add3A_16 {offsets = [0, 128], sizes = [1024, 128], strides = [1, 1]} : vector<1024x384xf32> to vector<1024x128xf32>
    %slice3A_29 = vector.extract_strided_slice %add3A_20 {offsets = [0, 128], sizes = [1024, 128], strides = [1, 1]} : vector<1024x384xf32> to vector<1024x128xf32>
    %add3A_30 = arith.addf %slice3A_28, %slice3A_29 : vector<1024x128xf32>
    %logistic3A_31 = arith.negf %add3A_30 : vector<1024x128xf32>
    %logistic3A_32 = math.exp %logistic3A_31 : vector<1024x128xf32>
    %logistic3A_33 = arith.constant 1.000000e+00 : f32
    %logistic3A_34 = vector.broadcast %logistic3A_33 : f32 to vector<1024x128xf32>
    %logistic3A_35 = arith.addf %logistic3A_34, %logistic3A_32 : vector<1024x128xf32>
    %logistic3A_36 = arith.divf %logistic3A_34, %logistic3A_35 : vector<1024x128xf32>
    %slice3A_37 = vector.extract_strided_slice %add3A_16 {offsets = [0, 256], sizes = [1024, 128], strides = [1, 1]} : vector<1024x384xf32> to vector<1024x128xf32>
    %slice3A_38 = vector.extract_strided_slice %add3A_20 {offsets = [0, 256], sizes = [1024, 128], strides = [1, 1]} : vector<1024x384xf32> to vector<1024x128xf32>
    %mul3A = arith.mulf %logistic3A_27, %slice3A_38 : vector<1024x128xf32>
    %add3A_39 = arith.addf %slice3A_37, %mul3A : vector<1024x128xf32>
    %tanh3A = math.tanh %add3A_39 : vector<1024x128xf32>
    %sub3A = arith.constant 1.000000e+00 : f32
    %sub3A_40 = vector.broadcast %sub3A : f32 to vector<1024x128xf32>
    %sub3A_41 = arith.subf %sub3A_40, %logistic3A_36 : vector<1024x128xf32>
    %mul3A_42 = arith.mulf %sub3A_41, %tanh3A : vector<1024x128xf32>
    %mul3A_43 = arith.mulf %logistic3A_36, %broadcast_in_dim3A_11 : vector<1024x128xf32>
    %add3A_44 = arith.addf %mul3A_42, %mul3A_43 : vector<1024x128xf32>
    %get3A_45 = arith.constant 0 : index
    %get3A_46 = arith.constant 0 : index
    %get3A_47 = vector.load %arg2[%get3A_45, %get3A_46] : memref<1024x128xf32, #tpu.memory_space<vmem>>, vector<1024x128xf32>
    %dot_general3A_48 = arith.constant dense<0.000000e+00> : vector<1024x384xf32>
    %dot_general3A_49 = tpu.matmul %get3A_47, %get3A_1, %dot_general3A_48 {dimension_numbers = #tpu.dot_dimension_numbers<[1], [0], [0], [1], [0, 0, 1, 1], [], []>, transpose_lhs_hint = false} : vector<1024x128xf32>, vector<128x384xf32>, vector<1024x384xf32> -> vector<1024x384xf32>
    %add3A_50 = vector.broadcast %get3A_7 : vector<1x384xf32> to vector<1024x384xf32>
    %add3A_51 = arith.addf %dot_general3A_49, %add3A_50 : vector<1024x384xf32>
    %dot_general3A_52 = arith.constant dense<0.000000e+00> : vector<1024x384xf32>
    %dot_general3A_53 = tpu.matmul %add3A_44, %get3A_4, %dot_general3A_52 {dimension_numbers = #tpu.dot_dimension_numbers<[1], [0], [0], [1], [0, 0, 1, 1], [], []>, transpose_lhs_hint = false} : vector<1024x128xf32>, vector<128x384xf32>, vector<1024x384xf32> -> vector<1024x384xf32>
    %add3A_54 = vector.broadcast %get3A_10 : vector<1x384xf32> to vector<1024x384xf32>
    %add3A_55 = arith.addf %dot_general3A_53, %add3A_54 : vector<1024x384xf32>
    %slice3A_56 = vector.extract_strided_slice %add3A_51 {offsets = [0, 0], sizes = [1024, 128], strides = [1, 1]} : vector<1024x384xf32> to vector<1024x128xf32>
    %slice3A_57 = vector.extract_strided_slice %add3A_55 {offsets = [0, 0], sizes = [1024, 128], strides = [1, 1]} : vector<1024x384xf32> to vector<1024x128xf32>
    %add3A_58 = arith.addf %slice3A_56, %slice3A_57 : vector<1024x128xf32>
    %logistic3A_59 = arith.negf %add3A_58 : vector<1024x128xf32>
    %logistic3A_60 = math.exp %logistic3A_59 : vector<1024x128xf32>
    %logistic3A_61 = arith.constant 1.000000e+00 : f32
    %logistic3A_62 = vector.broadcast %logistic3A_61 : f32 to vector<1024x128xf32>
    %logistic3A_63 = arith.addf %logistic3A_62, %logistic3A_60 : vector<1024x128xf32>
    %logistic3A_64 = arith.divf %logistic3A_62, %logistic3A_63 : vector<1024x128xf32>
    %slice3A_65 = vector.extract_strided_slice %add3A_51 {offsets = [0, 128], sizes = [1024, 128], strides = [1, 1]} : vector<1024x384xf32> to vector<1024x128xf32>
    %slice3A_66 = vector.extract_strided_slice %add3A_55 {offsets = [0, 128], sizes = [1024, 128], strides = [1, 1]} : vector<1024x384xf32> to vector<1024x128xf32>
    %add3A_67 = arith.addf %slice3A_65, %slice3A_66 : vector<1024x128xf32>
    %logistic3A_68 = arith.negf %add3A_67 : vector<1024x128xf32>
    %logistic3A_69 = math.exp %logistic3A_68 : vector<1024x128xf32>
    %logistic3A_70 = arith.constant 1.000000e+00 : f32
    %logistic3A_71 = vector.broadcast %logistic3A_70 : f32 to vector<1024x128xf32>
    %logistic3A_72 = arith.addf %logistic3A_71, %logistic3A_69 : vector<1024x128xf32>
    %logistic3A_73 = arith.divf %logistic3A_71, %logistic3A_72 : vector<1024x128xf32>
    %slice3A_74 = vector.extract_strided_slice %add3A_51 {offsets = [0, 256], sizes = [1024, 128], strides = [1, 1]} : vector<1024x384xf32> to vector<1024x128xf32>
    %slice3A_75 = vector.extract_strided_slice %add3A_55 {offsets = [0, 256], sizes = [1024, 128], strides = [1, 1]} : vector<1024x384xf32> to vector<1024x128xf32>
    %mul3A_76 = arith.mulf %logistic3A_64, %slice3A_75 : vector<1024x128xf32>
    %add3A_77 = arith.addf %slice3A_74, %mul3A_76 : vector<1024x128xf32>
    %tanh3A_78 = math.tanh %add3A_77 : vector<1024x128xf32>
    %sub3A_79 = arith.constant 1.000000e+00 : f32
    %sub3A_80 = vector.broadcast %sub3A_79 : f32 to vector<1024x128xf32>
    %sub3A_81 = arith.subf %sub3A_80, %logistic3A_73 : vector<1024x128xf32>
    %mul3A_82 = arith.mulf %sub3A_81, %tanh3A_78 : vector<1024x128xf32>
    %mul3A_83 = arith.mulf %logistic3A_73, %add3A_44 : vector<1024x128xf32>
    %add3A_84 = arith.addf %mul3A_82, %mul3A_83 : vector<1024x128xf32>
    %get3A_85 = arith.constant 0 : index
    %get3A_86 = arith.constant 0 : index
    %get3A_87 = vector.load %arg3[%get3A_85, %get3A_86] : memref<1024x128xf32, #tpu.memory_space<vmem>>, vector<1024x128xf32>
    %dot_general3A_88 = arith.constant dense<0.000000e+00> : vector<1024x384xf32>
    %dot_general3A_89 = tpu.matmul %get3A_87, %get3A_1, %dot_general3A_88 {dimension_numbers = #tpu.dot_dimension_numbers<[1], [0], [0], [1], [0, 0, 1, 1], [], []>, transpose_lhs_hint = false} : vector<1024x128xf32>, vector<128x384xf32>, vector<1024x384xf32> -> vector<1024x384xf32>
    %add3A_90 = vector.broadcast %get3A_7 : vector<1x384xf32> to vector<1024x384xf32>
    %add3A_91 = arith.addf %dot_general3A_89, %add3A_90 : vector<1024x384xf32>
    %dot_general3A_92 = arith.constant dense<0.000000e+00> : vector<1024x384xf32>
    %dot_general3A_93 = tpu.matmul %add3A_84, %get3A_4, %dot_general3A_92 {dimension_numbers = #tpu.dot_dimension_numbers<[1], [0], [0], [1], [0, 0, 1, 1], [], []>, transpose_lhs_hint = false} : vector<1024x128xf32>, vector<128x384xf32>, vector<1024x384xf32> -> vector<1024x384xf32>
    %add3A_94 = vector.broadcast %get3A_10 : vector<1x384xf32> to vector<1024x384xf32>
    %add3A_95 = arith.addf %dot_general3A_93, %add3A_94 : vector<1024x384xf32>
    %slice3A_96 = vector.extract_strided_slice %add3A_91 {offsets = [0, 0], sizes = [1024, 128], strides = [1, 1]} : vector<1024x384xf32> to vector<1024x128xf32>
    %slice3A_97 = vector.extract_strided_slice %add3A_95 {offsets = [0, 0], sizes = [1024, 128], strides = [1, 1]} : vector<1024x384xf32> to vector<1024x128xf32>
    %add3A_98 = arith.addf %slice3A_96, %slice3A_97 : vector<1024x128xf32>
    %logistic3A_99 = arith.negf %add3A_98 : vector<1024x128xf32>
    %logistic3A_100 = math.exp %logistic3A_99 : vector<1024x128xf32>
    %logistic3A_101 = arith.constant 1.000000e+00 : f32
    %logistic3A_102 = vector.broadcast %logistic3A_101 : f32 to vector<1024x128xf32>
    %logistic3A_103 = arith.addf %logistic3A_102, %logistic3A_100 : vector<1024x128xf32>
    %logistic3A_104 = arith.divf %logistic3A_102, %logistic3A_103 : vector<1024x128xf32>
    %slice3A_105 = vector.extract_strided_slice %add3A_91 {offsets = [0, 128], sizes = [1024, 128], strides = [1, 1]} : vector<1024x384xf32> to vector<1024x128xf32>
    %slice3A_106 = vector.extract_strided_slice %add3A_95 {offsets = [0, 128], sizes = [1024, 128], strides = [1, 1]} : vector<1024x384xf32> to vector<1024x128xf32>
    %add3A_107 = arith.addf %slice3A_105, %slice3A_106 : vector<1024x128xf32>
    %logistic3A_108 = arith.negf %add3A_107 : vector<1024x128xf32>
    %logistic3A_109 = math.exp %logistic3A_108 : vector<1024x128xf32>
    %logistic3A_110 = arith.constant 1.000000e+00 : f32
    %logistic3A_111 = vector.broadcast %logistic3A_110 : f32 to vector<1024x128xf32>
    %logistic3A_112 = arith.addf %logistic3A_111, %logistic3A_109 : vector<1024x128xf32>
    %logistic3A_113 = arith.divf %logistic3A_111, %logistic3A_112 : vector<1024x128xf32>
    %slice3A_114 = vector.extract_strided_slice %add3A_91 {offsets = [0, 256], sizes = [1024, 128], strides = [1, 1]} : vector<1024x384xf32> to vector<1024x128xf32>
    %slice3A_115 = vector.extract_strided_slice %add3A_95 {offsets = [0, 256], sizes = [1024, 128], strides = [1, 1]} : vector<1024x384xf32> to vector<1024x128xf32>
    %mul3A_116 = arith.mulf %logistic3A_104, %slice3A_115 : vector<1024x128xf32>
    %add3A_117 = arith.addf %slice3A_114, %mul3A_116 : vector<1024x128xf32>
    %tanh3A_118 = math.tanh %add3A_117 : vector<1024x128xf32>
    %sub3A_119 = arith.constant 1.000000e+00 : f32
    %sub3A_120 = vector.broadcast %sub3A_119 : f32 to vector<1024x128xf32>
    %sub3A_121 = arith.subf %sub3A_120, %logistic3A_113 : vector<1024x128xf32>
    %mul3A_122 = arith.mulf %sub3A_121, %tanh3A_118 : vector<1024x128xf32>
    %mul3A_123 = arith.mulf %logistic3A_113, %add3A_84 : vector<1024x128xf32>
    %add3A_124 = arith.addf %mul3A_122, %mul3A_123 : vector<1024x128xf32>
    %slice3A_125 = vector.extract_strided_slice %add3A_124 {offsets = [0, 0], sizes = [512, 64], strides = [1, 1]} : vector<1024x128xf32> to vector<512x64xf32>
    %transpose3A = tpu.transpose %slice3A_125, [1, 0] : vector<512x64xf32> -> vector<64x512xf32>
    %slice3A_126 = vector.extract_strided_slice %add3A_124 {offsets = [0, 64], sizes = [512, 64], strides = [1, 1]} : vector<1024x128xf32> to vector<512x64xf32>
    %transpose3A_127 = tpu.transpose %slice3A_126, [1, 0] : vector<512x64xf32> -> vector<64x512xf32>
    %slice3A_128 = vector.extract_strided_slice %add3A_124 {offsets = [512, 0], sizes = [512, 64], strides = [1, 1]} : vector<1024x128xf32> to vector<512x64xf32>
    %transpose3A_129 = tpu.transpose %slice3A_128, [1, 0] : vector<512x64xf32> -> vector<64x512xf32>
    %slice3A_130 = vector.extract_strided_slice %add3A_124 {offsets = [512, 64], sizes = [512, 64], strides = [1, 1]} : vector<1024x128xf32> to vector<512x64xf32>
    %transpose3A_131 = tpu.transpose %slice3A_130, [1, 0] : vector<512x64xf32> -> vector<64x512xf32>
    %concatenate3A = tpu.concatenate %transpose3A, %transpose3A_127, %transpose3A_129, %transpose3A_131 in 1 : vector<64x512xf32>, vector<64x512xf32>, vector<64x512xf32>, vector<64x512xf32> -> vector<64x2048xf32>
    %swap3A = arith.constant 0 : index
    %swap3A_132 = arith.constant 0 : index
    %swap3A_133 = vector.load %arg9[%swap3A, %swap3A_132] : memref<64x2048xf32, #tpu.memory_space<vmem>>, vector<64x2048xf32>
    tpu.vector_store %arg9[%swap3A, %swap3A_132], %concatenate3A {strides = array<i32>} : memref<64x2048xf32, #tpu.memory_space<vmem>>, vector<64x2048xf32>,
    return
  }
  func.func @transform_0(%arg0: i32) -> (i32, i32) {
    %c0_i32 = arith.constant 0 : i32
    %c0_i32_0 = arith.constant 0 : i32
    return %arg0, %c0_i32 : i32, i32
  }
  func.func @transform_1(%arg0: i32) -> (i32, i32) {
    %add3A = arith.constant 4 : i32
    %add3A_0 = arith.addi %arg0, %add3A : i32
    %c0_i32 = arith.constant 0 : i32
    %c0_i32_1 = arith.constant 0 : i32
    return %add3A_0, %c0_i32 : i32, i32
  }
  func.func @transform_2(%arg0: i32) -> (i32, i32) {
    %add3A = arith.constant 8 : i32
    %add3A_0 = arith.addi %arg0, %add3A : i32
    %c0_i32 = arith.constant 0 : i32
    %c0_i32_1 = arith.constant 0 : i32
    return %add3A_0, %c0_i32 : i32, i32
  }
  func.func @transform_3(%arg0: i32) -> (i32, i32) {
    %c0_i32 = arith.constant 0 : i32
    %c0_i32_0 = arith.constant 0 : i32
    %c0_i32_1 = arith.constant 0 : i32
    return %c0_i32, %c0_i32_0 : i32, i32
  }
  func.func @transform_4(%arg0: i32) -> (i32, i32) {
    %c0_i32 = arith.constant 0 : i32
    %c0_i32_0 = arith.constant 0 : i32
    %c0_i32_1 = arith.constant 0 : i32
    return %c0_i32, %c0_i32_0 : i32, i32
  }
  func.func @transform_5(%arg0: i32) -> (i32, i32) {
    %c0_i32 = arith.constant 0 : i32
    %c0_i32_0 = arith.constant 0 : i32
    %c0_i32_1 = arith.constant 0 : i32
    return %c0_i32, %c0_i32_0 : i32, i32
  }
  func.func @transform_6(%arg0: i32) -> (i32, i32) {
    %c0_i32 = arith.constant 0 : i32
    %c0_i32_0 = arith.constant 0 : i32
    %c0_i32_1 = arith.constant 0 : i32
    return %c0_i32, %c0_i32_0 : i32, i32
  }
  func.func @transform_8(%arg0: i32) -> (i32, i32) {
    %add3A = arith.constant 4 : i32
    %add3A_0 = arith.addi %arg0, %add3A : i32
    %c0_i32 = arith.constant 0 : i32
    %c0_i32_1 = arith.constant 0 : i32
    return %c0_i32, %add3A_0 : i32, i32
  }
}

</mosaic_0001>

<sc_bundles>
// kernel: kernel.6.cloned.1.call-start
scs
__scs_entry_jumppad:
0x0: {  	(pc) =	sbr.rel $0x88, $3  }
0x1: {  	(tag) =	ssettag $0x0;
	lr =	simm.s32 $0x1  }
0x2: {  	[smem:$0x3F9B] =	sst lr;
	_ =	strace $0xD0000000  }
0x3: {  	_ = 	snop  }
0x4: {  	_ = 	snop  }
0x5: {  	_ = 	snop  }
0x6: {  	_ = 	snop  }
0x7: {  	_ = 	snop  }
__scs_overlays_trampoline_lowered:
0x8: {  	[smem:$0x3FAA] =	sst s0  }
0x9: {  	[smem:$0x3FAB] =	sst s1  }
0xa: {  	[smem:$0x3FAC] =	sst s2  }
0xb: {  	[smem:$0x3FAD] =	sst s3  }
0xc: {  	[smem:$0x3FAE] =	sst s4  }
0xd: {  	[smem:$0x3FAF] =	sst s5  }
0xe: {  	[smem:$0x3FB0] =	sst s6  }
0xf: {  	[smem:$0x3FB1] =	sst s7  }
0x10: {  	[smem:$0x3FB2] =	sst s8  }
0x11: {  	[smem:$0x3FB3] =	sst s9;
	s0 =	simm.s32 @!p0 $0x0  }
0x12: {  	s1 =	sld [smem:$0x3F99];
	s0 =	simm.s32 @p0 $0x1  }
0x13: {  	[smem:$0x3FB4] =	sst s0;
	s0 =	simm.s32 @!p1 $0x0  }
0x14: {  	s2 =	sld [smem:$0x3F98];
	s0 =	simm.s32 @p1 $0x1  }
0x15: {  	[smem:$0x3FB5] =	sst s0;
	s0 =	simm.s32 @!p2 $0x0  }
0x16: {  	s3 =	sld [smem:$0x3FDB];
	s0 =	simm.s32 @p2 $0x1  }
0x17: {  	s4 =	simm.s32 $0x1BF5;
	[smem:$0x3FB7] =	sst s0  }
0x18: {  	s0 =	sld [smem:$0x3F9A];
	_ =	swait.ge [sflag:s4], $0x0  }
0x19: {  	s7 =	sld [smem:$0x3F9B]  }
0x1a: {  	s8 =	sadd.s32 $0xFFFFE003, lr  }
0x1b: {  	s9 =	sadd.s32 $0xFFFFFEF7, lr;
	s5 =	simm.s32 $0xFFFFFFFF;
	p2 =	slt.u32 s8, $0xFFFFF086  }
0x1c: {  	p1 =	slt.u32 s9, $0xF7A;
	s5 =	simm.s32 @!p2 $0x0  }
0x1d: {  	s5 =	simm.s32 @p1 $0x1;
	p0 =	seq.s32 s7, s2  }
0x1e: {  	s7 =	smul.u32 @!p0 $0xF7A, s2;
	p2 =	seq.s32 @!p0 s5, $0x0  }
0x1f: {  	s9 =	smul.u32 $0xF7A, s1;
	s8 =	simm.s32 @!p0 $0x1BF5;
	p2 =	por !p2, p0  }
0x20: {  	[sflag:s8] =	ssyncset.s32 @!p0 $0xFFFFF086;
	s6 =	sadd.s32 @!p0 s3, s7;
	s7 =	simm.s32 @!p0 $0x108  }
0x21: {  	s3 =	sadd.s32 s3, s9;
	s6 =	sadd.s32 @!p0 $0x88, s6;
	s7 =	simm.s32 @p2 $0x1082  }
0x22: {  	[simem:s7], [sflag:s8] =	dma.local @!p0 [hbm:s6], $0xF7A  }
0x23: {  	s9 =	sor.u32 $0xD0000000, s2;
	s6 =	simm.s32 $0x108;
	_ =	swait.ge @!p0 [sflag:s8], $0x0  }
0x24: {  	s3 =	sadd.s32 $0x88, s3;
	s6 =	simm.s32 @!p1 $0x1082;
	[sflag:s4] =	ssyncset.s32 $0xFFFFF086  }
0x25: {  	[simem:s6], [sflag:s4] =	dma.local [hbm:s3], $0xF7A  }
0x26: {  	[smem:$0x3F9B] =	sst s1;
	(tag) =	ssettag s2;
	_ =	strace s9  }
0x27: {  	s1 =	sld [smem:$0x3FAB]  }
0x28: {  	s2 =	sld [smem:$0x3FAC]  }
0x29: {  	s4 =	sld [smem:$0x3FAE]  }
0x2a: {  	p0 =	seq.s32 s5, $0x0;
	s5 =	sld [smem:$0x3FAF]  }
0x2b: {  	s6 =	sld [smem:$0x3FB0]  }
0x2c: {  	s7 =	sld [smem:$0x3FB1]  }
0x2d: {  	s3 =	simm.s32 $0x108;
	s8 =	sld [smem:$0x3FB2]  }
0x2e: {  	s3 =	simm.s32 @!p0 $0x1082;
	s9 =	sld [smem:$0x3FB3]  }
0x2f: {  	lr =	sadd.s32 s0, s3;
	s0 =	sld [smem:$0x3FAA]  }
0x30: {  	s3 =	sld [smem:$0x3FAD]  }
0x31: {  	[smem:$0x3FB6] =	sst s10  }
0x32: {  	s10 =	sld [smem:$0x3FB4];
	_ =	sdelay $0x3  }
0x33: {  	p0 =	seq.s32 s10, $0x1;
	s10 =	sld [smem:$0x3FB6];
	_ =	sdelay $0x3  }
0x34: {  	[smem:$0x3FB6] =	sst s10  }
0x35: {  	s10 =	sld [smem:$0x3FB5];
	_ =	sdelay $0x3  }
0x36: {  	p1 =	seq.s32 s10, $0x1;
	s10 =	sld [smem:$0x3FB6];
	_ =	sdelay $0x3  }
0x37: {  	[smem:$0x3FB6] =	sst s10  }
0x38: {  	s10 =	sld [smem:$0x3FB7]  }
0x39: {  	_ = 	snop;
	(pc) =	sbr.ind lr, $3  }
0x3a: {  	_ = 	snop  }
0x3b: {  	_ = 	snop  }
0x3c: {  	p2 =	seq.s32 s10, $0x1;
	s10 =	sld [smem:$0x3FB6]  }
0x3d: {  	_ =	shalt  }
0x3e: {  	_ =	shalt  }
0x3f: {  	_ =	shalt  }
0x40: {  	_ =	shalt  }
0x41: {  	_ =	shalt  }
0x42: {  	_ =	shalt  }
0x43: {  	_ =	shalt  }
0x44: {  	_ =	shalt  }
0x45: {  	_ =	shalt  }
0x46: {  	_ =	shalt  }
0x47: {  	_ =	shalt  }
0x48: {  	_ =	shalt  }
0x49: {  	_ =	shalt  }
0x4a: {  	_ =	shalt  }
0x4b: {  	_ =	shalt  }
0x4c: {  	_ =	shalt  }
0x4d: {  	_ =	shalt  }
0x4e: {  	_ =	shalt  }
0x4f: {  	_ =	shalt  }
0x50: {  	_ =	shalt  }
0x51: {  	_ =	shalt  }
0x52: {  	_ =	shalt  }
0x53: {  	_ =	shalt  }
0x54: {  	_ =	shalt  }
0x55: {  	_ =	shalt  }
0x56: {  	_ =	shalt  }
0x57: {  	_ =	shalt  }
0x58: {  	_ =	shalt  }
0x59: {  	_ =	shalt  }
0x5a: {  	_ =	shalt  }
0x5b: {  	_ =	shalt  }
0x5c: {  	_ =	shalt  }
0x5d: {  	_ =	shalt  }
0x5e: {  	_ =	shalt  }
0x5f: {  	_ =	shalt  }
0x60: {  	_ =	shalt  }
0x61: {  	_ =	shalt  }
0x62: {  	_ =	shalt  }
0x63: {  	_ =	shalt  }
0x64: {  	_ =	shalt  }
0x65: {  	_ =	shalt  }
0x66: {  	_ =	shalt  }
0x67: {  	_ =	shalt  }
0x68: {  	_ =	shalt  }
0x69: {  	_ =	shalt  }
0x6a: {  	_ =	shalt  }
0x6b: {  	_ =	shalt  }
0x6c: {  	_ =	shalt  }
0x6d: {  	_ =	shalt  }
0x6e: {  	_ =	shalt  }
0x6f: {  	_ =	shalt  }
0x70: {  	_ =	shalt  }
0x71: {  	_ =	shalt  }
0x72: {  	_ =	shalt  }
0x73: {  	_ =	shalt  }
0x74: {  	_ =	shalt  }
0x75: {  	_ =	shalt  }
0x76: {  	_ =	shalt  }
0x77: {  	_ =	shalt  }
0x78: {  	_ =	shalt  }
0x79: {  	_ =	shalt  }
0x7a: {  	_ =	shalt  }
0x7b: {  	_ =	shalt  }
0x7c: {  	_ =	shalt  }
0x7d: {  	_ =	shalt  }
0x7e: {  	_ =	shalt  }
0x7f: {  	_ =	shalt  }
0x80: {  	_ =	shalt  }
0x81: {  	_ =	shalt  }
0x82: {  	_ =	shalt  }
0x83: {  	_ =	shalt  }
0x84: {  	_ =	shalt  }
0x85: {  	_ =	shalt  }
0x86: {  	_ =	shalt  }
0x87: {  	_ =	shalt  }
.Lfunc_end0:
.L_simem_size_0:
called_computation_lowered:
.L_overlay_start_0:
0x88: {  	s2 =	sld [smem:$0x3FD9]  }
0x89: {  	s3 =	sld [smem:$0x3FFE];
	_ =	sdelay $0x1  }
0x8a: {  	s1 =	srdreg.scid  }
0x8b: {  	s0 =	sand.u32 $0x1, s1  }
0x8c: {  	s17 =	sshll.u32 s0, $0xA;
	s2 =	sadd.s32 s3, s2  }
0x8d: {  	s2 =	sadd.s32 s2, s17  }
0x8e: {  	[smem:$0x3FC2] =	sst s2  }
0x8f: {  	_ = 	snop  }
0x90: {  	s2 =	sld [smem:$0x3FD0];
	(tm) =	ssettm $0x1  }
0x91: {  	s18 =	sld [smem:$0x3FFB];
	_ =	sdelay $0x3  }
0x92: {  	_ =	strace s18  }
0x93: {  	s3 =	sld [smem:$0x3FFC];
	_ =	sdelay $0x3  }
0x94: {  	_ =	strace s3  }
0x95: {  	s3 =	sld [smem:$0x3FFD];
	_ =	sdelay $0x3  }
0x96: {  	_ =	strace s3  }
0x97: {  	_ =	strace $0x8FFFFFFF  }
0x98: {  	s19 =	sld [smem:$0x3FDB];
	_ =	sdelay $0x1  }
0x99: {  	s4 =	simm.s32 $_scs_section_size  }
0x9a: {  	s5 =	simm.s32 $_size__tile_overlayer_lowered;
	s6 =	simm.s32 $_tile_overlayer_lowered  }
0x9b: {  	s22 =	simm.s32 $0x1BFF;
	s21 =	sshll.u32 s6, $0x1;
	s3 =	sadd.s32 s4, s19  }
0x9c: {  	s7 =	simm.s32 $0x0;
	s20 =	sshll.u32 s5, $0x1;
	s5 =	sadd.s32 s21, s3  }
0x9d: {  	[timem:s7], [sflag:s22] =	dma.local [hbm:s5], s20  }
0x9e: {  	_ =	swait.ge [sflag:s22], s20  }
0x9f: {  	s4 =	ssub.s32 $0x0, s20;
	[sflag:s22] =	ssyncset.done $0x0  }
0xa0: {  	[sflag:s22] =	ssyncadd.s32 s4;
	_ =	sdelay $0x1  }
0xa1: {  	s23 =	simm.s32 $0x1B8B  }
0xa2: {  	_ =	swait.ge [sflag:s23], $0x1  }
0xa3: {  	[sflag:s23] =	ssyncset.done $0x0  }
0xa4: {  	s25 =	simm.s32 $0x1B8E;
	s24 =	sld [smem:$0x3FFE];
	[sflag:s23] =	ssyncadd.s32 $0xFFFFFFFF  }
0xa5: {  	s26 =	simm.s32 $execute0_lowered;
	[smem:$0x3FD2] =	sst s25  }
0xa6: {  	s5 =	sshll.u32 s26, $0x1;
	_ =	strace $0x80000046;
	[dreg:$0x1] =	wrdreg $0xFFFFFFFF  }
0xa7: {  	s28 =	simm.s32 $_size_execute0_lowered;
	s3 =	sadd.s32 s3, s5;
	[dreg:$0x0] =	wrdreg $0x0  }
0xa8: {  	s5 =	sshll.u32 s28, $0x1;
	[dreg:$0x2] =	wrdreg s3  }
0xa9: {  	[dreg:$0x3] =	wrdreg s5  }
0xaa: {  	[dreg:$0x4] =	wrdreg $0xC0  }
0xab: {  	_ =	task [dreg:s7], $0x5FFFF  }
0xac: {  	[dreg:$0x1] =	wrdreg $0xFFFFFFFF  }
0xad: {  	[dreg:$0x0] =	wrdreg $0x60  }
0xae: {  	[dreg:$0x2] =	wrdreg s24  }
0xaf: {  	[dreg:$0x3] =	wrdreg s2  }
0xb0: {  	[dreg:$0x4] =	wrdreg $0x9  }
0xb1: {  	_ =	task.clear_ibuf [dreg:s7], $0x5FFFF;
	_ =	strace $0x90000046  }
0xb2: {  	s29 =	simm.s32 $0x9;
	_ =	strace $0x80000048  }
0xb3: {  	_ =	swait.ge [sflag:s29], $0x1  }
0xb4: {  	[sflag:s29] =	ssyncadd.s32 $0xFFFFFFFF  }
0xb5: {  	_ =	strace $0x90000048  }
0xb6: {  	_ =	sfence  }
0xb7: {  	s30 =	sld [smem:$0x0];
	_ =	sdelay $0x2  }
0xb8: {  	s31 =	sshll.u32 s1, $0xD;
	s1 =	sshrl.u32 s1, $0x2  }
0xb9: {  	s3 =	sand.u32 $0x4000, s31;
	s1 =	sadd.s32 s1, s30  }
0xba: {  	s0 =	sor.u32 s3, s0;
	s1 =	sshll.u32 s1, $0x11  }
0xbb: {  	s0 =	sor.u32 s1, s0  }
0xbc: {  	s0 =	sadd.s32 $0x8F2B, s0  }
0xbd: {  	[sflag:s0] =	ssyncadd.remote.s32 $0x1  }
0xbe: {  	_ =	sfence.sel $0xFFFF  }
0xbf: {  	[dreg:$0x0] =	wrdreg $0xFFFFFFFF;
	(pc) =	sbr.abs _section_cstart, $3  }
0xc0: {  	[dreg:$0x1] =	wrdreg $0xFFFFFFFF  }
0xc1: {  	_ =	task.clear_ibuf [dreg:s7], $0x2FFFF;
	_ =	strace $0x9FFFFFFF  }
0xc2: {  	(tm) =	ssettm $0x7FFFFFFF  }
0xc3: {  	_ =	shalt  }
tec
execute0_lowered:
.L_overlay_start_1:
0x0: {  	(tag) =	ssettag $0x1  }
0x1: {  	s1 =	stileid.u32  }
0x2: {  	p0 =	sgt.u32 s1, $0xB  }
.Ltmp0:
0x3: {  	_ = 	snop;
	(pc) =	sbr.rel @p0 .LBB2_3-.Ltmp0, $4  }
0x4: {  	s4 =	rddreg [dreg:$0x0]  }
0x5: {  	s5 =	rddreg [dreg:$0x1];
	s2 =	simm.s32 $0x0  }
0x6: {  	[smem:$0x7FF] =	sst s2  }
0x7: {  	s0 =	rddreg [dreg:$0x2];
	_ =	strace $0x80000047  }
0x8: {  	v0 =	vlaneseq.u32  }
0x9: {  	v0 =	vmul.u32 $0x2, v0;
	_ =	sdelay $0x1  }
0xa: {  	v1 =	vor.u32 $0x20, v0;
	v3 =	vor.u32 $0x60, v0;
	v4 =	vor.u32 $0x80, v0  }
0xb: {  	v5 =	vor.u32 $0xA0, v0;
	v6 =	vor.u32 $0xC0, v0;
	v7 =	vor.u32 $0xE0, v0  }
0xc: {  	v8 =	vor.u32 $0x100, v0;
	v9 =	vor.u32 $0x120, v0;
	v10 =	vor.u32 $0x140, v0  }
0xd: {  	v11 =	vor.u32 $0x160, v0;
	v12 =	vor.u32 $0x180, v0;
	v13 =	vor.u32 $0x1A0, v0  }
0xe: {  	v14 =	vor.u32 $0x1C0, v0;
	v15 =	vor.u32 $0x1E0, v0;
	v16 =	vor.u32 $0x200, v0  }
0xf: {  	v17 =	vor.u32 $0x220, v0;
	v18 =	vor.u32 $0x240, v0;
	v19 =	vor.u32 $0x260, v0  }
0x10: {  	v20 =	vor.u32 $0x280, v0;
	v21 =	vor.u32 $0x2A0, v0;
	v22 =	vor.u32 $0x2C0, v0  }
0x11: {  	v23 =	vor.u32 $0x2E0, v0;
	v24 =	vor.u32 $0x300, v0;
	v25 =	vor.u32 $0x320, v0  }
0x12: {  	v26 =	vor.u32 $0x340, v0;
	v27 =	vor.u32 $0x360, v0;
	v28 =	vor.u32 $0x380, v0  }
0x13: {  	v29 =	vor.u32 $0x3A0, v0;
	v30 =	vor.u32 $0x3C0, v0;
	v31 =	vor.u32 $0x3E0, v0  }
0x14: {  	s3 =	srdreg.scid;
	s6 =	sshll.u32 s1, $0x1;
	s9 =	simm.s32 $0x80;
	v32 =	vor.u32 $0x1, v0;
	v33 =	vor.u32 $0x21, v0;
	v34 =	vor.u32 $0x41, v0  }
0x15: {  	s10 =	simm.s32 $0x800;
	s11 =	simm.s32 $0x480;
	s12 =	simm.s32 $0x2800;
	v35 =	vor.u32 $0x61, v0;
	v36 =	vor.u32 $0x81, v0;
	v37 =	vor.u32 $0xA1, v0  }
0x16: {  	s13 =	simm.s32 $0x500;
	s14 =	simm.s32 $0x4800;
	s15 =	simm.s32 $0x580;
	v38 =	vor.u32 $0xC1, v0;
	v39 =	vor.u32 $0xE1, v0;
	v40 =	vor.u32 $0x101, v0  }
0x17: {  	s16 =	simm.s32 $0x6800;
	s17 =	simm.s32 $0x600;
	s18 =	simm.s32 $0x8800;
	v41 =	vor.u32 $0x121, v0;
	v42 =	vor.u32 $0x141, v0;
	v43 =	vor.u32 $0x161, v0  }
0x18: {  	s19 =	simm.s32 $0x680;
	s20 =	simm.s32 $0xA800;
	s21 =	simm.s32 $0x700;
	v44 =	vor.u32 $0x181, v0;
	v45 =	vor.u32 $0x1A1, v0;
	v46 =	vor.u32 $0x1C1, v0  }
0x19: {  	s22 =	simm.s32 $0xC800;
	s23 =	simm.s32 $0x780;
	s3 =	sand.u32 $0x1, s3;
	v47 =	vor.u32 $0x1E1, v0;
	v48 =	vor.u32 $0x201, v0;
	v49 =	vor.u32 $0x221, v0  }
0x1a: {  	s24 =	simm.s32 $0xE800;
	s25 =	simm.s32 $0x1;
	s6 =	sor.u32 s3, s6;
	v50 =	vor.u32 $0x241, v0;
	v51 =	vor.u32 $0x261, v0;
	v52 =	vor.u32 $0x281, v0  }
0x1b: {  	s8 =	ssub.s32 $0x2, s3;
	s3 =	sadd.s32 $0x2600, s4;
	s7 =	sshll.u32 s6, $0xD;
	v53 =	vor.u32 $0x2A1, v0;
	v54 =	vor.u32 $0x2C1, v0;
	v55 =	vor.u32 $0x2E1, v0  }
0x1c: {  	s31 =	sshrl.u32 s8, $0x1;
	s6 =	sshll.u32 s6, $0x7;
	v56 =	vor.u32 $0x301, v0;
	v57 =	vor.u32 $0x321, v0;
	v58 =	vor.u32 $0x341, v0;
	s30 =	sadd.s32 s7, s4  }
0x1d: {  	v59 =	vor.u32 $0x361, v0;
	v60 =	vor.u32 $0x381, v0;
	[tilespmem:$0x1FFE0] =	vst v1;
	v1 =	vor.u32 $0x40, v0;
	s7 =	ssub.s32 s8, s31;
	s5 =	sadd.s32 s5, s6;
	s8 =	simm.s32 $0x400  }
0x1e: {  	v61 =	vor.u32 $0x3A1, v0;
	v62 =	vor.u32 $0x3C1, v0;
	v63 =	vor.u32 $0x3E1, v0;
	[tilespmem:$0x1FFF0] =	vst v1;
	s4 =	sadd.s32 $0x4600, s30;
	s6 =	smax.u32 s7, $0x1;
	s7 =	simm.s32 $0x2  }
.LBB2_2:
0x1f: {  	[tilespmem:s2], [sflag:$0x2] =	stream.linear.gather [hbm4b:s5+s2], $0x400, $0x38;
	[tilespmem:$0x10800] =	vst v63  }
0x20: {  	_ =	swait.ge [sflag:s7], $0x400  }
0x21: {  	[sflag:s7] =	ssyncset.done $0x0  }
0x22: {  	[sflag:s7] =	ssyncadd.s32 $0xFFFFFC00  }
0x23: {  	v1 =	vld [tilespmem:$0x0];
	_ =	sdelay $0x2  }
0x24: {  	v2 =	vld [tilespmem:$0x1FFE0];
	_ =	sdelay $0x1  }
0x25: {  	[tilespmem:v0+s8+$0x0] =	vst.idx.msk $0xffff, v1  }
0x26: {  	v1 =	vld [tilespmem:$0x10];
	_ =	sdelay $0x4  }
0x27: {  	[tilespmem:v2+s8+$0x0] =	vst.idx.msk $0xffff, v1;
	v2 =	vld [tilespmem:$0x1FFF0];
	_ =	sdelay $0x2  }
0x28: {  	v1 =	vld [tilespmem:$0x20];
	_ =	sdelay $0x4  }
0x29: {  	[tilespmem:v2+s8+$0x0] =	vst.idx.msk $0xffff, v1  }
0x2a: {  	v1 =	vld [tilespmem:$0x30];
	_ =	sdelay $0x4  }
0x2b: {  	[tilespmem:v3+s8+$0x0] =	vst.idx.msk $0xffff, v1  }
0x2c: {  	v1 =	vld [tilespmem:$0x40];
	_ =	sdelay $0x4  }
0x2d: {  	[tilespmem:v4+s8+$0x0] =	vst.idx.msk $0xffff, v1  }
0x2e: {  	v1 =	vld [tilespmem:$0x50];
	_ =	sdelay $0x4  }
0x2f: {  	[tilespmem:v5+s8+$0x0] =	vst.idx.msk $0xffff, v1  }
0x30: {  	v1 =	vld [tilespmem:$0x60];
	_ =	sdelay $0x4  }
0x31: {  	[tilespmem:v6+s8+$0x0] =	vst.idx.msk $0xffff, v1  }
0x32: {  	v1 =	vld [tilespmem:$0x70];
	_ =	sdelay $0x4  }
0x33: {  	[tilespmem:v7+s8+$0x0] =	vst.idx.msk $0xffff, v1  }
0x34: {  	v1 =	vld [tilespmem:$0x80];
	_ =	sdelay $0x4  }
0x35: {  	[tilespmem:v8+s8+$0x0] =	vst.idx.msk $0xffff, v1  }
0x36: {  	v1 =	vld [tilespmem:$0x90];
	_ =	sdelay $0x4  }
0x37: {  	[tilespmem:v9+s8+$0x0] =	vst.idx.msk $0xffff, v1  }
0x38: {  	v1 =	vld [tilespmem:$0xA0];
	_ =	sdelay $0x4  }
0x39: {  	[tilespmem:v10+s8+$0x0] =	vst.idx.msk $0xffff, v1  }
0x3a: {  	v1 =	vld [tilespmem:$0xB0];
	_ =	sdelay $0x4  }
0x3b: {  	[tilespmem:v11+s8+$0x0] =	vst.idx.msk $0xffff, v1  }
0x3c: {  	v1 =	vld [tilespmem:$0xC0];
	_ =	sdelay $0x4  }
0x3d: {  	[tilespmem:v12+s8+$0x0] =	vst.idx.msk $0xffff, v1  }
0x3e: {  	v1 =	vld [tilespmem:$0xD0];
	_ =	sdelay $0x4  }
0x3f: {  	[tilespmem:v13+s8+$0x0] =	vst.idx.msk $0xffff, v1  }
0x40: {  	v1 =	vld [tilespmem:$0xE0];
	_ =	sdelay $0x4  }
0x41: {  	[tilespmem:v14+s8+$0x0] =	vst.idx.msk $0xffff, v1  }
0x42: {  	v1 =	vld [tilespmem:$0xF0];
	_ =	sdelay $0x4  }
0x43: {  	[tilespmem:v15+s8+$0x0] =	vst.idx.msk $0xffff, v1  }
0x44: {  	v1 =	vld [tilespmem:$0x100];
	_ =	sdelay $0x4  }
0x45: {  	[tilespmem:v16+s8+$0x0] =	vst.idx.msk $0xffff, v1  }
0x46: {  	v1 =	vld [tilespmem:$0x110];
	_ =	sdelay $0x4  }
0x47: {  	[tilespmem:v17+s8+$0x0] =	vst.idx.msk $0xffff, v1  }
0x48: {  	v1 =	vld [tilespmem:$0x120];
	_ =	sdelay $0x4  }
0x49: {  	[tilespmem:v18+s8+$0x0] =	vst.idx.msk $0xffff, v1  }
0x4a: {  	v1 =	vld [tilespmem:$0x130];
	_ =	sdelay $0x4  }
0x4b: {  	[tilespmem:v19+s8+$0x0] =	vst.idx.msk $0xffff, v1  }
0x4c: {  	v1 =	vld [tilespmem:$0x140];
	_ =	sdelay $0x4  }
0x4d: {  	[tilespmem:v20+s8+$0x0] =	vst.idx.msk $0xffff, v1  }
0x4e: {  	v1 =	vld [tilespmem:$0x150];
	_ =	sdelay $0x4  }
0x4f: {  	[tilespmem:v21+s8+$0x0] =	vst.idx.msk $0xffff, v1  }
0x50: {  	v1 =	vld [tilespmem:$0x160];
	_ =	sdelay $0x4  }
0x51: {  	[tilespmem:v22+s8+$0x0] =	vst.idx.msk $0xffff, v1  }
0x52: {  	v1 =	vld [tilespmem:$0x170];
	_ =	sdelay $0x4  }
0x53: {  	[tilespmem:v23+s8+$0x0] =	vst.idx.msk $0xffff, v1  }
0x54: {  	v1 =	vld [tilespmem:$0x180];
	_ =	sdelay $0x4  }
0x55: {  	[tilespmem:v24+s8+$0x0] =	vst.idx.msk $0xffff, v1  }
0x56: {  	v1 =	vld [tilespmem:$0x190];
	_ =	sdelay $0x4  }
0x57: {  	[tilespmem:v25+s8+$0x0] =	vst.idx.msk $0xffff, v1  }
0x58: {  	v1 =	vld [tilespmem:$0x1A0];
	_ =	sdelay $0x4  }
0x59: {  	[tilespmem:v26+s8+$0x0] =	vst.idx.msk $0xffff, v1  }
0x5a: {  	v1 =	vld [tilespmem:$0x1B0];
	_ =	sdelay $0x4  }
0x5b: {  	[tilespmem:v27+s8+$0x0] =	vst.idx.msk $0xffff, v1  }
0x5c: {  	v1 =	vld [tilespmem:$0x1C0];
	_ =	sdelay $0x4  }
0x5d: {  	[tilespmem:v28+s8+$0x0] =	vst.idx.msk $0xffff, v1  }
0x5e: {  	v1 =	vld [tilespmem:$0x1D0];
	_ =	sdelay $0x4  }
0x5f: {  	[tilespmem:v29+s8+$0x0] =	vst.idx.msk $0xffff, v1  }
0x60: {  	v1 =	vld [tilespmem:$0x1E0];
	_ =	sdelay $0x4  }
0x61: {  	[tilespmem:v30+s8+$0x0] =	vst.idx.msk $0xffff, v1  }
0x62: {  	v1 =	vld [tilespmem:$0x1F0];
	_ =	sdelay $0x4  }
0x63: {  	[tilespmem:v31+s8+$0x0] =	vst.idx.msk $0xffff, v1  }
0x64: {  	v1 =	vld [tilespmem:$0x200];
	_ =	sdelay $0x4  }
0x65: {  	[tilespmem:v32+s8+$0x0] =	vst.idx.msk $0xffff, v1  }
0x66: {  	v1 =	vld [tilespmem:$0x210];
	_ =	sdelay $0x4  }
0x67: {  	[tilespmem:v33+s8+$0x0] =	vst.idx.msk $0xffff, v1  }
0x68: {  	v1 =	vld [tilespmem:$0x220];
	_ =	sdelay $0x4  }
0x69: {  	[tilespmem:v34+s8+$0x0] =	vst.idx.msk $0xffff, v1  }
0x6a: {  	v1 =	vld [tilespmem:$0x230];
	_ =	sdelay $0x4  }
0x6b: {  	[tilespmem:v35+s8+$0x0] =	vst.idx.msk $0xffff, v1  }
0x6c: {  	v1 =	vld [tilespmem:$0x240];
	_ =	sdelay $0x4  }
0x6d: {  	[tilespmem:v36+s8+$0x0] =	vst.idx.msk $0xffff, v1  }
0x6e: {  	v1 =	vld [tilespmem:$0x250];
	_ =	sdelay $0x4  }
0x6f: {  	[tilespmem:v37+s8+$0x0] =	vst.idx.msk $0xffff, v1  }
0x70: {  	v1 =	vld [tilespmem:$0x260];
	_ =	sdelay $0x4  }
0x71: {  	[tilespmem:v38+s8+$0x0] =	vst.idx.msk $0xffff, v1  }
0x72: {  	v1 =	vld [tilespmem:$0x270];
	_ =	sdelay $0x4  }
0x73: {  	[tilespmem:v39+s8+$0x0] =	vst.idx.msk $0xffff, v1  }
0x74: {  	v1 =	vld [tilespmem:$0x280];
	_ =	sdelay $0x4  }
0x75: {  	[tilespmem:v40+s8+$0x0] =	vst.idx.msk $0xffff, v1  }
0x76: {  	v1 =	vld [tilespmem:$0x290];
	_ =	sdelay $0x4  }
0x77: {  	[tilespmem:v41+s8+$0x0] =	vst.idx.msk $0xffff, v1  }
0x78: {  	v1 =	vld [tilespmem:$0x2A0];
	_ =	sdelay $0x4  }
0x79: {  	[tilespmem:v42+s8+$0x0] =	vst.idx.msk $0xffff, v1  }
0x7a: {  	v1 =	vld [tilespmem:$0x2B0];
	_ =	sdelay $0x4  }
0x7b: {  	[tilespmem:v43+s8+$0x0] =	vst.idx.msk $0xffff, v1  }
0x7c: {  	v1 =	vld [tilespmem:$0x2C0];
	_ =	sdelay $0x4  }
0x7d: {  	[tilespmem:v44+s8+$0x0] =	vst.idx.msk $0xffff, v1  }
0x7e: {  	v1 =	vld [tilespmem:$0x2D0];
	_ =	sdelay $0x4  }
0x7f: {  	[tilespmem:v45+s8+$0x0] =	vst.idx.msk $0xffff, v1  }
0x80: {  	v1 =	vld [tilespmem:$0x2E0];
	_ =	sdelay $0x4  }
0x81: {  	[tilespmem:v46+s8+$0x0] =	vst.idx.msk $0xffff, v1  }
0x82: {  	v1 =	vld [tilespmem:$0x2F0];
	_ =	sdelay $0x4  }
0x83: {  	[tilespmem:v47+s8+$0x0] =	vst.idx.msk $0xffff, v1  }
0x84: {  	v1 =	vld [tilespmem:$0x300];
	_ =	sdelay $0x4  }
0x85: {  	[tilespmem:v48+s8+$0x0] =	vst.idx.msk $0xffff, v1  }
0x86: {  	v1 =	vld [tilespmem:$0x310];
	_ =	sdelay $0x4  }
0x87: {  	[tilespmem:v49+s8+$0x0] =	vst.idx.msk $0xffff, v1  }
0x88: {  	v1 =	vld [tilespmem:$0x320];
	_ =	sdelay $0x4  }
0x89: {  	[tilespmem:v50+s8+$0x0] =	vst.idx.msk $0xffff, v1  }
0x8a: {  	v1 =	vld [tilespmem:$0x330];
	_ =	sdelay $0x4  }
0x8b: {  	[tilespmem:v51+s8+$0x0] =	vst.idx.msk $0xffff, v1  }
0x8c: {  	v1 =	vld [tilespmem:$0x340];
	_ =	sdelay $0x4  }
0x8d: {  	[tilespmem:v52+s8+$0x0] =	vst.idx.msk $0xffff, v1  }
0x8e: {  	v1 =	vld [tilespmem:$0x350];
	_ =	sdelay $0x4  }
0x8f: {  	[tilespmem:v53+s8+$0x0] =	vst.idx.msk $0xffff, v1  }
0x90: {  	v1 =	vld [tilespmem:$0x360];
	_ =	sdelay $0x4  }
0x91: {  	[tilespmem:v54+s8+$0x0] =	vst.idx.msk $0xffff, v1  }
0x92: {  	v1 =	vld [tilespmem:$0x370];
	_ =	sdelay $0x4  }
0x93: {  	[tilespmem:v55+s8+$0x0] =	vst.idx.msk $0xffff, v1  }
0x94: {  	v1 =	vld [tilespmem:$0x380];
	_ =	sdelay $0x4  }
0x95: {  	[tilespmem:v56+s8+$0x0] =	vst.idx.msk $0xffff, v1  }
0x96: {  	v1 =	vld [tilespmem:$0x390];
	_ =	sdelay $0x4  }
0x97: {  	[tilespmem:v57+s8+$0x0] =	vst.idx.msk $0xffff, v1  }
0x98: {  	v1 =	vld [tilespmem:$0x3A0];
	_ =	sdelay $0x4  }
0x99: {  	[tilespmem:v58+s8+$0x0] =	vst.idx.msk $0xffff, v1  }
0x9a: {  	v1 =	vld [tilespmem:$0x3B0];
	_ =	sdelay $0x4  }
0x9b: {  	[tilespmem:v59+s8+$0x0] =	vst.idx.msk $0xffff, v1  }
0x9c: {  	v1 =	vld [tilespmem:$0x3C0];
	_ =	sdelay $0x4  }
0x9d: {  	[tilespmem:v60+s8+$0x0] =	vst.idx.msk $0xffff, v1  }
0x9e: {  	v1 =	vld [tilespmem:$0x3D0];
	_ =	sdelay $0x4  }
0x9f: {  	[tilespmem:v61+s8+$0x0] =	vst.idx.msk $0xffff, v1  }
0xa0: {  	v1 =	vld [tilespmem:$0x3E0];
	_ =	sdelay $0x4  }
0xa1: {  	[tilespmem:v62+s8+$0x0] =	vst.idx.msk $0xffff, v1  }
0xa2: {  	v1 =	vld [tilespmem:$0x3F0];
	_ =	sdelay $0x4  }
0xa3: {  	[tilespmem:v63+s8+$0x0] =	vst.idx.msk $0xffff, v1  }
0xa4: {  	[tilespmem:s10], [sflag:$0x1] =	stream.indirect.gather [hbm4b:s3+s9], $0x40, s8, s9, $0xb8;
	[tilespmem:$0x10800] =	vst v63  }
0xa5: {  	_ = 	snop  }
0xa6: {  	[tilespmem:s12], [sflag:$0x1] =	stream.indirect.gather [hbm4b:s3+s9], $0x40, s11, s9, $0xb8;
	[tilespmem:$0x10800] =	vst v63  }
0xa7: {  	_ = 	snop  }
0xa8: {  	[tilespmem:s14], [sflag:$0x1] =	stream.indirect.gather [hbm4b:s3+s9], $0x40, s13, s9, $0xb8;
	[tilespmem:$0x10800] =	vst v63  }
0xa9: {  	_ = 	snop  }
0xaa: {  	[tilespmem:s16], [sflag:$0x1] =	stream.indirect.gather [hbm4b:s3+s9], $0x40, s15, s9, $0xb8;
	[tilespmem:$0x10800] =	vst v63  }
0xab: {  	_ = 	snop  }
0xac: {  	[tilespmem:s18], [sflag:$0x1] =	stream.indirect.gather [hbm4b:s3+s9], $0x40, s17, s9, $0xb8;
	[tilespmem:$0x10800] =	vst v63  }
0xad: {  	_ = 	snop  }
0xae: {  	[tilespmem:s20], [sflag:$0x1] =	stream.indirect.gather [hbm4b:s3+s9], $0x40, s19, s9, $0xb8;
	[tilespmem:$0x10800] =	vst v63  }
0xaf: {  	_ = 	snop  }
0xb0: {  	[tilespmem:s22], [sflag:$0x1] =	stream.indirect.gather [hbm4b:s3+s9], $0x40, s21, s9, $0xb8;
	[tilespmem:$0x10800] =	vst v63  }
0xb1: {  	_ = 	snop  }
0xb2: {  	[tilespmem:s24], [sflag:$0x1] =	stream.indirect.gather [hbm4b:s3+s9], $0x40, s23, s9, $0xb8;
	[tilespmem:$0x10800] =	vst v63  }
0xb3: {  	_ =	swait.ge [sflag:s25], $0x2000  }
0xb4: {  	[sflag:s25] =	ssyncset.done $0x0  }
0xb5: {  	[sflag:s25] =	ssyncadd.s32 $0xFFFFE000  }
0xb6: {  	_ =	swait.ge [sflag:s25], $0x2000  }
0xb7: {  	[sflag:s25] =	ssyncset.done $0x0  }
0xb8: {  	[sflag:s25] =	ssyncadd.s32 $0xFFFFE000  }
0xb9: {  	_ =	swait.ge [sflag:s25], $0x2000  }
0xba: {  	[sflag:s25] =	ssyncset.done $0x0  }
0xbb: {  	[sflag:s25] =	ssyncadd.s32 $0xFFFFE000  }
0xbc: {  	_ =	swait.ge [sflag:s25], $0x2000  }
0xbd: {  	[sflag:s25] =	ssyncset.done $0x0  }
0xbe: {  	[sflag:s25] =	ssyncadd.s32 $0xFFFFE000  }
0xbf: {  	_ =	swait.ge [sflag:s25], $0x2000  }
0xc0: {  	[sflag:s25] =	ssyncset.done $0x0  }
0xc1: {  	[sflag:s25] =	ssyncadd.s32 $0xFFFFE000  }
0xc2: {  	_ =	swait.ge [sflag:s25], $0x2000  }
0xc3: {  	[sflag:s25] =	ssyncset.done $0x0  }
0xc4: {  	[sflag:s25] =	ssyncadd.s32 $0xFFFFE000  }
0xc5: {  	_ =	swait.ge [sflag:s25], $0x2000  }
0xc6: {  	[sflag:s25] =	ssyncset.done $0x0  }
0xc7: {  	[sflag:s25] =	ssyncadd.s32 $0xFFFFE000  }
0xc8: {  	_ =	swait.ge [sflag:s25], $0x2000  }
0xc9: {  	p0 =	sne.s32 s6, $0x1;
	[sflag:s25] =	ssyncset.done $0x0  }
.Ltmp1:
0xca: {  	[sflag:s25] =	ssyncadd.s32 $0xFFFFE000;
	(pc) =	sbr.rel @p0 .LBB2_2-.Ltmp1, $4  }
0xcb: {  	[hbm4b:s4+s2] =	stream.linear.scatter [tilespmem:s10], [sflag:$0x2], $0x10000, $0x38;
	[tilespmem:$0x10800] =	vst v63  }
0xcc: {  	_ =	swait.ge [sflag:s7], $0x10000  }
0xcd: {  	[sflag:s7] =	ssyncset.done $0x0  }
0xce: {  	s6 =	sadd.s32 $0xFFFFFFFF, s6;
	[sflag:s7] =	ssyncadd.s32 $0xFFFF0000  }
.LBB2_3:
0xcf: {  	_ =	sfence.sel $0x180000  }
0xd0: {  	[bflag:$0x0] =	sbarrier.arrive $0xFFFF  }
0xd1: {  	p0 =	sne.s32 s1, $0x0;
	_ =	strace $0x90000047  }
0xd2: {  	s0 =	sadd.s32 @!p0 $0x100000, s0;
	[bflag:$0x2] =	sbarrier.arrive $0xFFFF  }
0xd3: {  	[sflag:s0] =	ssyncadd.tile.s32 @!p0 $0x1;
	_ =	shalt  }
.Lfunc_end2:
_tile_overlayer_lowered:
.L_overlay_start_2:
0xd4: {  	(tag) =	ssettag $0x2  }
0xd5: {  	s0 =	rddreg [dreg:$0x0];
	s2 =	stileid.u32  }
0xd6: {  	s1 =	rddreg [dreg:$0x1];
	p0 =	sne.s32 s2, $0x0  }
0xd7: {  	s3 =	rddreg [dreg:$0x2];
	[bflag:$0x3] =	sbarrier.arrive $0xFFFF;
	s2 =	simm.s32 @!p0 $0x1C02  }
0xd8: {  	[timem:s3], [sflag:s2] =	dma.local @!p0 [hbm:s0], s1  }
0xd9: {  	s0 =	simm.s32 @!p0 $0x2  }
0xda: {  	_ =	swait.ge @!p0 [sflag:s0], s1  }
0xdb: {  	s1 =	ssub.s32 @!p0 $0x0, s1;
	[sflag:s0] =	ssyncset.done @!p0 $0x0  }
0xdc: {  	[sflag:s0] =	ssyncadd.s32 @!p0 s1  }
0xdd: {  	[bflag:$0x3] =	sbarrier.arrive $0xFFFF  }
0xde: {  	_ =	shalt  }

// kernel: kernel.9.cloned.1.call-start
scs
__scs_entry_jumppad:
0x0: {  	(pc) =	sbr.rel $0x88, $3  }
0x1: {  	(tag) =	ssettag $0x0;
	lr =	simm.s32 $0x1  }
0x2: {  	[smem:$0x3F9B] =	sst lr;
	_ =	strace $0xD0000000  }
0x3: {  	_ = 	snop  }
0x4: {  	_ = 	snop  }
0x5: {  	_ = 	snop  }
0x6: {  	_ = 	snop  }
0x7: {  	_ = 	snop  }
__scs_overlays_trampoline_lowered:
0x8: {  	[smem:$0x3FAA] =	sst s0  }
0x9: {  	[smem:$0x3FAB] =	sst s1  }
0xa: {  	[smem:$0x3FAC] =	sst s2  }
0xb: {  	[smem:$0x3FAD] =	sst s3  }
0xc: {  	[smem:$0x3FAE] =	sst s4  }
0xd: {  	[smem:$0x3FAF] =	sst s5  }
0xe: {  	[smem:$0x3FB0] =	sst s6  }
0xf: {  	[smem:$0x3FB1] =	sst s7  }
0x10: {  	[smem:$0x3FB2] =	sst s8  }
0x11: {  	[smem:$0x3FB3] =	sst s9;
	s0 =	simm.s32 @!p0 $0x0  }
0x12: {  	s1 =	sld [smem:$0x3F99];
	s0 =	simm.s32 @p0 $0x1  }
0x13: {  	[smem:$0x3FB4] =	sst s0;
	s0 =	simm.s32 @!p1 $0x0  }
0x14: {  	s2 =	sld [smem:$0x3F98];
	s0 =	simm.s32 @p1 $0x1  }
0x15: {  	[smem:$0x3FB5] =	sst s0;
	s0 =	simm.s32 @!p2 $0x0  }
0x16: {  	s3 =	sld [smem:$0x3FDB];
	s0 =	simm.s32 @p2 $0x1  }
0x17: {  	s4 =	simm.s32 $0x1BF5;
	[smem:$0x3FB7] =	sst s0  }
0x18: {  	s0 =	sld [smem:$0x3F9A];
	_ =	swait.ge [sflag:s4], $0x0  }
0x19: {  	s7 =	sld [smem:$0x3F9B]  }
0x1a: {  	s8 =	sadd.s32 $0xFFFFE003, lr  }
0x1b: {  	s9 =	sadd.s32 $0xFFFFFEF7, lr;
	s5 =	simm.s32 $0xFFFFFFFF;
	p2 =	slt.u32 s8, $0xFFFFF086  }
0x1c: {  	p1 =	slt.u32 s9, $0xF7A;
	s5 =	simm.s32 @!p2 $0x0  }
0x1d: {  	s5 =	simm.s32 @p1 $0x1;
	p0 =	seq.s32 s7, s2  }
0x1e: {  	s7 =	smul.u32 @!p0 $0xF7A, s2;
	p2 =	seq.s32 @!p0 s5, $0x0  }
0x1f: {  	s9 =	smul.u32 $0xF7A, s1;
	s8 =	simm.s32 @!p0 $0x1BF5;
	p2 =	por !p2, p0  }
0x20: {  	[sflag:s8] =	ssyncset.s32 @!p0 $0xFFFFF086;
	s6 =	sadd.s32 @!p0 s3, s7;
	s7 =	simm.s32 @!p0 $0x108  }
0x21: {  	s3 =	sadd.s32 s3, s9;
	s6 =	sadd.s32 @!p0 $0x88, s6;
	s7 =	simm.s32 @p2 $0x1082  }
0x22: {  	[simem:s7], [sflag:s8] =	dma.local @!p0 [hbm:s6], $0xF7A  }
0x23: {  	s9 =	sor.u32 $0xD0000000, s2;
	s6 =	simm.s32 $0x108;
	_ =	swait.ge @!p0 [sflag:s8], $0x0  }
0x24: {  	s3 =	sadd.s32 $0x88, s3;
	s6 =	simm.s32 @!p1 $0x1082;
	[sflag:s4] =	ssyncset.s32 $0xFFFFF086  }
0x25: {  	[simem:s6], [sflag:s4] =	dma.local [hbm:s3], $0xF7A  }
0x26: {  	[smem:$0x3F9B] =	sst s1;
	(tag) =	ssettag s2;
	_ =	strace s9  }
0x27: {  	s1 =	sld [smem:$0x3FAB]  }
0x28: {  	s2 =	sld [smem:$0x3FAC]  }
0x29: {  	s4 =	sld [smem:$0x3FAE]  }
0x2a: {  	p0 =	seq.s32 s5, $0x0;
	s5 =	sld [smem:$0x3FAF]  }
0x2b: {  	s6 =	sld [smem:$0x3FB0]  }
0x2c: {  	s7 =	sld [smem:$0x3FB1]  }
0x2d: {  	s3 =	simm.s32 $0x108;
	s8 =	sld [smem:$0x3FB2]  }
0x2e: {  	s3 =	simm.s32 @!p0 $0x1082;
	s9 =	sld [smem:$0x3FB3]  }
0x2f: {  	lr =	sadd.s32 s0, s3;
	s0 =	sld [smem:$0x3FAA]  }
0x30: {  	s3 =	sld [smem:$0x3FAD]  }
0x31: {  	[smem:$0x3FB6] =	sst s10  }
0x32: {  	s10 =	sld [smem:$0x3FB4];
	_ =	sdelay $0x3  }
0x33: {  	p0 =	seq.s32 s10, $0x1;
	s10 =	sld [smem:$0x3FB6];
	_ =	sdelay $0x3  }
0x34: {  	[smem:$0x3FB6] =	sst s10  }
0x35: {  	s10 =	sld [smem:$0x3FB5];
	_ =	sdelay $0x3  }
0x36: {  	p1 =	seq.s32 s10, $0x1;
	s10 =	sld [smem:$0x3FB6];
	_ =	sdelay $0x3  }
0x37: {  	[smem:$0x3FB6] =	sst s10  }
0x38: {  	s10 =	sld [smem:$0x3FB7]  }
0x39: {  	_ = 	snop;
	(pc) =	sbr.ind lr, $3  }
0x3a: {  	_ = 	snop  }
0x3b: {  	_ = 	snop  }
0x3c: {  	p2 =	seq.s32 s10, $0x1;
	s10 =	sld [smem:$0x3FB6]  }
0x3d: {  	_ =	shalt  }
0x3e: {  	_ =	shalt  }
0x3f: {  	_ =	shalt  }
0x40: {  	_ =	shalt  }
0x41: {  	_ =	shalt  }
0x42: {  	_ =	shalt  }
0x43: {  	_ =	shalt  }
0x44: {  	_ =	shalt  }
0x45: {  	_ =	shalt  }
0x46: {  	_ =	shalt  }
0x47: {  	_ =	shalt  }
0x48: {  	_ =	shalt  }
0x49: {  	_ =	shalt  }
0x4a: {  	_ =	shalt  }
0x4b: {  	_ =	shalt  }
0x4c: {  	_ =	shalt  }
0x4d: {  	_ =	shalt  }
0x4e: {  	_ =	shalt  }
0x4f: {  	_ =	shalt  }
0x50: {  	_ =	shalt  }
0x51: {  	_ =	shalt  }
0x52: {  	_ =	shalt  }
0x53: {  	_ =	shalt  }
0x54: {  	_ =	shalt  }
0x55: {  	_ =	shalt  }
0x56: {  	_ =	shalt  }
0x57: {  	_ =	shalt  }
0x58: {  	_ =	shalt  }
0x59: {  	_ =	shalt  }
0x5a: {  	_ =	shalt  }
0x5b: {  	_ =	shalt  }
0x5c: {  	_ =	shalt  }
0x5d: {  	_ =	shalt  }
0x5e: {  	_ =	shalt  }
0x5f: {  	_ =	shalt  }
0x60: {  	_ =	shalt  }
0x61: {  	_ =	shalt  }
0x62: {  	_ =	shalt  }
0x63: {  	_ =	shalt  }
0x64: {  	_ =	shalt  }
0x65: {  	_ =	shalt  }
0x66: {  	_ =	shalt  }
0x67: {  	_ =	shalt  }
0x68: {  	_ =	shalt  }
0x69: {  	_ =	shalt  }
0x6a: {  	_ =	shalt  }
0x6b: {  	_ =	shalt  }
0x6c: {  	_ =	shalt  }
0x6d: {  	_ =	shalt  }
0x6e: {  	_ =	shalt  }
0x6f: {  	_ =	shalt  }
0x70: {  	_ =	shalt  }
0x71: {  	_ =	shalt  }
0x72: {  	_ =	shalt  }
0x73: {  	_ =	shalt  }
0x74: {  	_ =	shalt  }
0x75: {  	_ =	shalt  }
0x76: {  	_ =	shalt  }
0x77: {  	_ =	shalt  }
0x78: {  	_ =	shalt  }
0x79: {  	_ =	shalt  }
0x7a: {  	_ =	shalt  }
0x7b: {  	_ =	shalt  }
0x7c: {  	_ =	shalt  }
0x7d: {  	_ =	shalt  }
0x7e: {  	_ =	shalt  }
0x7f: {  	_ =	shalt  }
0x80: {  	_ =	shalt  }
0x81: {  	_ =	shalt  }
0x82: {  	_ =	shalt  }
0x83: {  	_ =	shalt  }
0x84: {  	_ =	shalt  }
0x85: {  	_ =	shalt  }
0x86: {  	_ =	shalt  }
0x87: {  	_ =	shalt  }
.Lfunc_end0:
.L_simem_size_0:
called_computation.1_lowered:
.L_overlay_start_0:
0x88: {  	s2 =	sld [smem:$0x3FD9]  }
0x89: {  	s3 =	sld [smem:$0x3FFE];
	_ =	sdelay $0x1  }
0x8a: {  	s1 =	srdreg.scid  }
0x8b: {  	s0 =	sand.u32 $0x1, s1  }
0x8c: {  	s17 =	sshll.u32 s0, $0xA;
	s2 =	sadd.s32 s3, s2  }
0x8d: {  	s2 =	sadd.s32 s2, s17  }
0x8e: {  	[smem:$0x3FC2] =	sst s2  }
0x8f: {  	_ = 	snop  }
0x90: {  	(tm) =	ssettm $0x1  }
0x91: {  	s18 =	sld [smem:$0x3FFB];
	_ =	sdelay $0x3  }
0x92: {  	_ =	strace s18  }
0x93: {  	s2 =	sld [smem:$0x3FFC];
	_ =	sdelay $0x3  }
0x94: {  	_ =	strace s2  }
0x95: {  	s2 =	sld [smem:$0x3FFD];
	_ =	sdelay $0x3  }
0x96: {  	_ =	strace s2  }
0x97: {  	_ =	strace $0x8FFFFFFF  }
0x98: {  	s19 =	sld [smem:$0x3FDB];
	_ =	sdelay $0x1  }
0x99: {  	s20 =	simm.s32 $_scs_section_size  }
0x9a: {  	s4 =	simm.s32 $_size__tile_overlayer_lowered;
	s5 =	simm.s32 $_tile_overlayer_lowered  }
0x9b: {  	s6 =	simm.s32 $0x1BFF;
	s21 =	sshll.u32 s5, $0x1;
	s3 =	sadd.s32 s20, s19  }
0x9c: {  	s22 =	simm.s32 $0x0;
	s4 =	sshll.u32 s4, $0x1;
	s5 =	sadd.s32 s21, s3  }
0x9d: {  	[timem:s22], [sflag:s6] =	dma.local [hbm:s5], s4  }
0x9e: {  	_ =	swait.ge [sflag:s6], s4  }
0x9f: {  	s4 =	ssub.s32 $0x0, s4;
	[sflag:s6] =	ssyncset.done $0x0  }
0xa0: {  	[sflag:s6] =	ssyncadd.s32 s4;
	_ =	sdelay $0x1  }
0xa1: {  	s23 =	simm.s32 $0x1B8B  }
0xa2: {  	_ =	swait.ge [sflag:s23], $0x1  }
0xa3: {  	[sflag:s23] =	ssyncset.done $0x0  }
0xa4: {  	[sflag:s23] =	ssyncadd.s32 $0xFFFFFFFF  }
0xa5: {  	s4 =	sld [smem:$0x0]  }
0xa6: {  	s5 =	sand.u32 $0xFFFFFFFE, s1  }
0xa7: {  	p0 =	sne.s32 s1, s5  }
0xa8: {  	s5 =	sshll.u32 @p0 s5, $0xE  }
0xa9: {  	s5 =	sadd.s32 @p0 $0x11B8D, s5;
	s6 =	sshll.u32 @p0 s4, $0x11  }
0xaa: {  	s5 =	sor.u32 @p0 s6, s5  }
0xab: {  	[sflag:s5] =	ssyncadd.remote.s32 @p0 $0x1;
	_ =	sdelay $0x1  }
0xac: {  	s5 =	simm.s32 @p0 $0x1B8D  }
0xad: {  	_ =	swait.eq @p0 [sflag:s5], $0x1  }
0xae: {  	[sflag:s5] =	ssyncadd.s32 @p0 $0xFFFFFFFF  }
0xaf: {  	s6 =	sshll.u32 @!p0 s1, $0xE  }
0xb0: {  	s6 =	sor.u32 @!p0 $0x4000, s6;
	s5 =	simm.s32 @!p0 $0x1B8D  }
0xb1: {  	s4 =	sshll.u32 @!p0 s4, $0x11;
	s6 =	sadd.s32 @!p0 $0x11B8D, s6;
	_ =	swait.eq @!p0 [sflag:s5], $0x1  }
0xb2: {  	s4 =	sor.u32 @!p0 s4, s6;
	[sflag:s5] =	ssyncadd.s32 @!p0 $0xFFFFFFFF  }
0xb3: {  	s25 =	simm.s32 $0x1B8E;
	s24 =	sld [smem:$0x3FFE];
	[sflag:s4] =	ssyncadd.remote.s32 @!p0 $0x1  }
0xb4: {  	s26 =	simm.s32 $execute0_lowered;
	[smem:$0x3FD2] =	sst s25  }
0xb5: {  	s5 =	sshll.u32 s26, $0x1;
	_ =	strace $0x80000049;
	[dreg:$0x1] =	wrdreg $0xFFFFFFFF  }
0xb6: {  	s28 =	simm.s32 $_size_execute0_lowered;
	s3 =	sadd.s32 s3, s5;
	[dreg:$0x0] =	wrdreg $0x0  }
0xb7: {  	s5 =	sshll.u32 s28, $0x1;
	[dreg:$0x2] =	wrdreg s3  }
0xb8: {  	[dreg:$0x3] =	wrdreg s5  }
0xb9: {  	[dreg:$0x4] =	wrdreg $0xC0  }
0xba: {  	_ =	task [dreg:s22], $0x5FFFF  }
0xbb: {  	[dreg:$0x1] =	wrdreg $0xFFFFFFFF  }
0xbc: {  	[dreg:$0x0] =	wrdreg $0x60  }
0xbd: {  	[dreg:$0x2] =	wrdreg s24  }
0xbe: {  	[dreg:$0x3] =	wrdreg $0xA  }
0xbf: {  	_ =	task.clear_ibuf [dreg:s22], $0x4FFFF;
	_ =	strace $0x90000049  }
0xc0: {  	s29 =	simm.s32 $0xA;
	_ =	strace $0x8000004B  }
0xc1: {  	_ =	swait.ge [sflag:s29], $0x1  }
0xc2: {  	[sflag:s29] =	ssyncadd.s32 $0xFFFFFFFF  }
0xc3: {  	_ =	strace $0x9000004B  }
0xc4: {  	_ =	sfence  }
0xc5: {  	s30 =	sld [smem:$0x0];
	_ =	sdelay $0x2  }
0xc6: {  	s31 =	sshll.u32 s1, $0xD;
	s1 =	sshrl.u32 s1, $0x2  }
0xc7: {  	s4 =	sand.u32 $0x4000, s31;
	s1 =	sadd.s32 s1, s30  }
0xc8: {  	s0 =	sor.u32 s4, s0;
	s1 =	sshll.u32 s1, $0x11  }
0xc9: {  	s0 =	sor.u32 s1, s0  }
0xca: {  	s0 =	sadd.s32 $0x8F2B, s0  }
0xcb: {  	[sflag:s0] =	ssyncadd.remote.s32 $0x1  }
0xcc: {  	_ =	sfence.sel $0xFFFF  }
0xcd: {  	[dreg:$0x0] =	wrdreg $0xFFFFFFFF;
	(pc) =	sbr.abs _section_cstart, $3  }
0xce: {  	[dreg:$0x1] =	wrdreg $0xFFFFFFFF  }
0xcf: {  	_ =	task.clear_ibuf [dreg:s22], $0x2FFFF;
	_ =	strace $0x9FFFFFFF  }
0xd0: {  	(tm) =	ssettm $0x7FFFFFFF  }
0xd1: {  	_ =	shalt  }
tec
execute0_lowered:
.L_overlay_start_1:
0x0: {  	(tag) =	ssettag $0x1  }
0x1: {  	s1 =	stileid.u32  }
0x2: {  	p0 =	sgt.u32 s1, $0xB  }
.Ltmp0:
0x3: {  	_ = 	snop;
	(pc) =	sbr.rel @p0 .LBB2_3-.Ltmp0, $4  }
0x4: {  	_ = 	snop  }
0x5: {  	s4 =	rddreg [dreg:$0x0];
	s2 =	simm.s32 $0x0  }
0x6: {  	[smem:$0x7FF] =	sst s2  }
0x7: {  	s0 =	rddreg [dreg:$0x1];
	_ =	strace $0x8000004A  }
0x8: {  	v0 =	vlaneseq.u32  }
0x9: {  	v0 =	vmul.u32 $0x2, v0;
	_ =	sdelay $0x1  }
0xa: {  	v1 =	vor.u32 $0x20, v0;
	v3 =	vor.u32 $0x60, v0;
	v4 =	vor.u32 $0x80, v0  }
0xb: {  	v5 =	vor.u32 $0xA0, v0;
	v6 =	vor.u32 $0xC0, v0;
	v7 =	vor.u32 $0xE0, v0  }
0xc: {  	v8 =	vor.u32 $0x100, v0;
	v9 =	vor.u32 $0x120, v0;
	v10 =	vor.u32 $0x140, v0  }
0xd: {  	v11 =	vor.u32 $0x160, v0;
	v12 =	vor.u32 $0x180, v0;
	v13 =	vor.u32 $0x1A0, v0  }
0xe: {  	v14 =	vor.u32 $0x1C0, v0;
	v15 =	vor.u32 $0x1E0, v0;
	v16 =	vor.u32 $0x200, v0  }
0xf: {  	v17 =	vor.u32 $0x220, v0;
	v18 =	vor.u32 $0x240, v0;
	v19 =	vor.u32 $0x260, v0  }
0x10: {  	v20 =	vor.u32 $0x280, v0;
	v21 =	vor.u32 $0x2A0, v0;
	v22 =	vor.u32 $0x2C0, v0  }
0x11: {  	v23 =	vor.u32 $0x2E0, v0;
	v24 =	vor.u32 $0x300, v0;
	v25 =	vor.u32 $0x320, v0  }
0x12: {  	v26 =	vor.u32 $0x340, v0;
	v27 =	vor.u32 $0x360, v0;
	v28 =	vor.u32 $0x380, v0  }
0x13: {  	s3 =	srdreg.scid;
	v29 =	vor.u32 $0x3A0, v0;
	v30 =	vor.u32 $0x3C0, v0;
	v31 =	vor.u32 $0x3E0, v0  }
0x14: {  	s28 =	sshll.u32 s1, $0x1;
	s8 =	sadd.s32 $0x34600, s4;
	s9 =	simm.s32 $0x80;
	v32 =	vor.u32 $0x1, v0;
	v33 =	vor.u32 $0x21, v0;
	v34 =	vor.u32 $0x41, v0  }
0x15: {  	s10 =	simm.s32 $0x800;
	s11 =	simm.s32 $0x480;
	s12 =	simm.s32 $0x2800;
	v35 =	vor.u32 $0x61, v0;
	v36 =	vor.u32 $0x81, v0;
	v37 =	vor.u32 $0xA1, v0  }
0x16: {  	s13 =	simm.s32 $0x500;
	s14 =	simm.s32 $0x4800;
	s15 =	simm.s32 $0x580;
	v38 =	vor.u32 $0xC1, v0;
	v39 =	vor.u32 $0xE1, v0;
	v40 =	vor.u32 $0x101, v0  }
0x17: {  	s16 =	simm.s32 $0x6800;
	s17 =	simm.s32 $0x600;
	s18 =	simm.s32 $0x8800;
	v41 =	vor.u32 $0x121, v0;
	v42 =	vor.u32 $0x141, v0;
	v43 =	vor.u32 $0x161, v0  }
0x18: {  	s19 =	simm.s32 $0x680;
	s20 =	simm.s32 $0xA800;
	s21 =	simm.s32 $0x700;
	v44 =	vor.u32 $0x181, v0;
	v45 =	vor.u32 $0x1A1, v0;
	v46 =	vor.u32 $0x1C1, v0  }
0x19: {  	s22 =	simm.s32 $0xC800;
	s23 =	simm.s32 $0x780;
	s5 =	sand.u32 $0x1, s3;
	v47 =	vor.u32 $0x1E1, v0;
	v48 =	vor.u32 $0x201, v0;
	v49 =	vor.u32 $0x221, v0  }
0x1a: {  	s24 =	simm.s32 $0xE800;
	s25 =	simm.s32 $0x1;
	s6 =	sor.u32 s5, s28;
	v50 =	vor.u32 $0x241, v0;
	v51 =	vor.u32 $0x261, v0;
	v52 =	vor.u32 $0x281, v0  }
0x1b: {  	s3 =	sadd.s32 $0x2600, s4;
	s5 =	ssub.s32 $0x2, s5;
	s7 =	sshll.u32 s6, $0xD;
	v53 =	vor.u32 $0x2A1, v0;
	v54 =	vor.u32 $0x2C1, v0;
	v55 =	vor.u32 $0x2E1, v0  }
0x1c: {  	s30 =	sshrl.u32 s5, $0x1;
	s31 =	sshll.u32 s6, $0x7;
	v56 =	vor.u32 $0x301, v0;
	v57 =	vor.u32 $0x321, v0;
	v58 =	vor.u32 $0x341, v0;
	s29 =	sadd.s32 s7, s4  }
0x1d: {  	v59 =	vor.u32 $0x361, v0;
	v60 =	vor.u32 $0x381, v0;
	[tilespmem:$0x1FFE0] =	vst v1;
	v1 =	vor.u32 $0x40, v0;
	s7 =	ssub.s32 s5, s30;
	s5 =	sadd.s32 s8, s31;
	s8 =	simm.s32 $0x400  }
0x1e: {  	v61 =	vor.u32 $0x3A1, v0;
	v62 =	vor.u32 $0x3C1, v0;
	v63 =	vor.u32 $0x3E1, v0;
	[tilespmem:$0x1FFF0] =	vst v1;
	s4 =	sadd.s32 $0x35200, s29;
	s6 =	smax.u32 s7, $0x1;
	s7 =	simm.s32 $0x2  }
.LBB2_2:
0x1f: {  	[tilespmem:s2], [sflag:$0x2] =	stream.linear.gather [hbm4b:s5+s2], $0x400, $0x38;
	[tilespmem:$0x10800] =	vst v63  }
0x20: {  	_ =	swait.ge [sflag:s7], $0x400  }
0x21: {  	[sflag:s7] =	ssyncset.done $0x0  }
0x22: {  	[sflag:s7] =	ssyncadd.s32 $0xFFFFFC00  }
0x23: {  	v1 =	vld [tilespmem:$0x0];
	_ =	sdelay $0x2  }
0x24: {  	v2 =	vld [tilespmem:$0x1FFE0];
	_ =	sdelay $0x1  }
0x25: {  	[tilespmem:v0+s8+$0x0] =	vst.idx.msk $0xffff, v1  }
0x26: {  	v1 =	vld [tilespmem:$0x10];
	_ =	sdelay $0x4  }
0x27: {  	[tilespmem:v2+s8+$0x0] =	vst.idx.msk $0xffff, v1;
	v2 =	vld [tilespmem:$0x1FFF0];
	_ =	sdelay $0x2  }
0x28: {  	v1 =	vld [tilespmem:$0x20];
	_ =	sdelay $0x4  }
0x29: {  	[tilespmem:v2+s8+$0x0] =	vst.idx.msk $0xffff, v1  }
0x2a: {  	v1 =	vld [tilespmem:$0x30];
	_ =	sdelay $0x4  }
0x2b: {  	[tilespmem:v3+s8+$0x0] =	vst.idx.msk $0xffff, v1  }
0x2c: {  	v1 =	vld [tilespmem:$0x40];
	_ =	sdelay $0x4  }
0x2d: {  	[tilespmem:v4+s8+$0x0] =	vst.idx.msk $0xffff, v1  }
0x2e: {  	v1 =	vld [tilespmem:$0x50];
	_ =	sdelay $0x4  }
0x2f: {  	[tilespmem:v5+s8+$0x0] =	vst.idx.msk $0xffff, v1  }
0x30: {  	v1 =	vld [tilespmem:$0x60];
	_ =	sdelay $0x4  }
0x31: {  	[tilespmem:v6+s8+$0x0] =	vst.idx.msk $0xffff, v1  }
0x32: {  	v1 =	vld [tilespmem:$0x70];
	_ =	sdelay $0x4  }
0x33: {  	[tilespmem:v7+s8+$0x0] =	vst.idx.msk $0xffff, v1  }
0x34: {  	v1 =	vld [tilespmem:$0x80];
	_ =	sdelay $0x4  }
0x35: {  	[tilespmem:v8+s8+$0x0] =	vst.idx.msk $0xffff, v1  }
0x36: {  	v1 =	vld [tilespmem:$0x90];
	_ =	sdelay $0x4  }
0x37: {  	[tilespmem:v9+s8+$0x0] =	vst.idx.msk $0xffff, v1  }
0x38: {  	v1 =	vld [tilespmem:$0xA0];
	_ =	sdelay $0x4  }
0x39: {  	[tilespmem:v10+s8+$0x0] =	vst.idx.msk $0xffff, v1  }
0x3a: {  	v1 =	vld [tilespmem:$0xB0];
	_ =	sdelay $0x4  }
0x3b: {  	[tilespmem:v11+s8+$0x0] =	vst.idx.msk $0xffff, v1  }
0x3c: {  	v1 =	vld [tilespmem:$0xC0];
	_ =	sdelay $0x4  }
0x3d: {  	[tilespmem:v12+s8+$0x0] =	vst.idx.msk $0xffff, v1  }
0x3e: {  	v1 =	vld [tilespmem:$0xD0];
	_ =	sdelay $0x4  }
0x3f: {  	[tilespmem:v13+s8+$0x0] =	vst.idx.msk $0xffff, v1  }
0x40: {  	v1 =	vld [tilespmem:$0xE0];
	_ =	sdelay $0x4  }
0x41: {  	[tilespmem:v14+s8+$0x0] =	vst.idx.msk $0xffff, v1  }
0x42: {  	v1 =	vld [tilespmem:$0xF0];
	_ =	sdelay $0x4  }
0x43: {  	[tilespmem:v15+s8+$0x0] =	vst.idx.msk $0xffff, v1  }
0x44: {  	v1 =	vld [tilespmem:$0x100];
	_ =	sdelay $0x4  }
0x45: {  	[tilespmem:v16+s8+$0x0] =	vst.idx.msk $0xffff, v1  }
0x46: {  	v1 =	vld [tilespmem:$0x110];
	_ =	sdelay $0x4  }
0x47: {  	[tilespmem:v17+s8+$0x0] =	vst.idx.msk $0xffff, v1  }
0x48: {  	v1 =	vld [tilespmem:$0x120];
	_ =	sdelay $0x4  }
0x49: {  	[tilespmem:v18+s8+$0x0] =	vst.idx.msk $0xffff, v1  }
0x4a: {  	v1 =	vld [tilespmem:$0x130];
	_ =	sdelay $0x4  }
0x4b: {  	[tilespmem:v19+s8+$0x0] =	vst.idx.msk $0xffff, v1  }
0x4c: {  	v1 =	vld [tilespmem:$0x140];
	_ =	sdelay $0x4  }
0x4d: {  	[tilespmem:v20+s8+$0x0] =	vst.idx.msk $0xffff, v1  }
0x4e: {  	v1 =	vld [tilespmem:$0x150];
	_ =	sdelay $0x4  }
0x4f: {  	[tilespmem:v21+s8+$0x0] =	vst.idx.msk $0xffff, v1  }
0x50: {  	v1 =	vld [tilespmem:$0x160];
	_ =	sdelay $0x4  }
0x51: {  	[tilespmem:v22+s8+$0x0] =	vst.idx.msk $0xffff, v1  }
0x52: {  	v1 =	vld [tilespmem:$0x170];
	_ =	sdelay $0x4  }
0x53: {  	[tilespmem:v23+s8+$0x0] =	vst.idx.msk $0xffff, v1  }
0x54: {  	v1 =	vld [tilespmem:$0x180];
	_ =	sdelay $0x4  }
0x55: {  	[tilespmem:v24+s8+$0x0] =	vst.idx.msk $0xffff, v1  }
0x56: {  	v1 =	vld [tilespmem:$0x190];
	_ =	sdelay $0x4  }
0x57: {  	[tilespmem:v25+s8+$0x0] =	vst.idx.msk $0xffff, v1  }
0x58: {  	v1 =	vld [tilespmem:$0x1A0];
	_ =	sdelay $0x4  }
0x59: {  	[tilespmem:v26+s8+$0x0] =	vst.idx.msk $0xffff, v1  }
0x5a: {  	v1 =	vld [tilespmem:$0x1B0];
	_ =	sdelay $0x4  }
0x5b: {  	[tilespmem:v27+s8+$0x0] =	vst.idx.msk $0xffff, v1  }
0x5c: {  	v1 =	vld [tilespmem:$0x1C0];
	_ =	sdelay $0x4  }
0x5d: {  	[tilespmem:v28+s8+$0x0] =	vst.idx.msk $0xffff, v1  }
0x5e: {  	v1 =	vld [tilespmem:$0x1D0];
	_ =	sdelay $0x4  }
0x5f: {  	[tilespmem:v29+s8+$0x0] =	vst.idx.msk $0xffff, v1  }
0x60: {  	v1 =	vld [tilespmem:$0x1E0];
	_ =	sdelay $0x4  }
0x61: {  	[tilespmem:v30+s8+$0x0] =	vst.idx.msk $0xffff, v1  }
0x62: {  	v1 =	vld [tilespmem:$0x1F0];
	_ =	sdelay $0x4  }
0x63: {  	[tilespmem:v31+s8+$0x0] =	vst.idx.msk $0xffff, v1  }
0x64: {  	v1 =	vld [tilespmem:$0x200];
	_ =	sdelay $0x4  }
0x65: {  	[tilespmem:v32+s8+$0x0] =	vst.idx.msk $0xffff, v1  }
0x66: {  	v1 =	vld [tilespmem:$0x210];
	_ =	sdelay $0x4  }
0x67: {  	[tilespmem:v33+s8+$0x0] =	vst.idx.msk $0xffff, v1  }
0x68: {  	v1 =	vld [tilespmem:$0x220];
	_ =	sdelay $0x4  }
0x69: {  	[tilespmem:v34+s8+$0x0] =	vst.idx.msk $0xffff, v1  }
0x6a: {  	v1 =	vld [tilespmem:$0x230];
	_ =	sdelay $0x4  }
0x6b: {  	[tilespmem:v35+s8+$0x0] =	vst.idx.msk $0xffff, v1  }
0x6c: {  	v1 =	vld [tilespmem:$0x240];
	_ =	sdelay $0x4  }
0x6d: {  	[tilespmem:v36+s8+$0x0] =	vst.idx.msk $0xffff, v1  }
0x6e: {  	v1 =	vld [tilespmem:$0x250];
	_ =	sdelay $0x4  }
0x6f: {  	[tilespmem:v37+s8+$0x0] =	vst.idx.msk $0xffff, v1  }
0x70: {  	v1 =	vld [tilespmem:$0x260];
	_ =	sdelay $0x4  }
0x71: {  	[tilespmem:v38+s8+$0x0] =	vst.idx.msk $0xffff, v1  }
0x72: {  	v1 =	vld [tilespmem:$0x270];
	_ =	sdelay $0x4  }
0x73: {  	[tilespmem:v39+s8+$0x0] =	vst.idx.msk $0xffff, v1  }
0x74: {  	v1 =	vld [tilespmem:$0x280];
	_ =	sdelay $0x4  }
0x75: {  	[tilespmem:v40+s8+$0x0] =	vst.idx.msk $0xffff, v1  }
0x76: {  	v1 =	vld [tilespmem:$0x290];
	_ =	sdelay $0x4  }
0x77: {  	[tilespmem:v41+s8+$0x0] =	vst.idx.msk $0xffff, v1  }
0x78: {  	v1 =	vld [tilespmem:$0x2A0];
	_ =	sdelay $0x4  }
0x79: {  	[tilespmem:v42+s8+$0x0] =	vst.idx.msk $0xffff, v1  }
0x7a: {  	v1 =	vld [tilespmem:$0x2B0];
	_ =	sdelay $0x4  }
0x7b: {  	[tilespmem:v43+s8+$0x0] =	vst.idx.msk $0xffff, v1  }
0x7c: {  	v1 =	vld [tilespmem:$0x2C0];
	_ =	sdelay $0x4  }
0x7d: {  	[tilespmem:v44+s8+$0x0] =	vst.idx.msk $0xffff, v1  }
0x7e: {  	v1 =	vld [tilespmem:$0x2D0];
	_ =	sdelay $0x4  }
0x7f: {  	[tilespmem:v45+s8+$0x0] =	vst.idx.msk $0xffff, v1  }
0x80: {  	v1 =	vld [tilespmem:$0x2E0];
	_ =	sdelay $0x4  }
0x81: {  	[tilespmem:v46+s8+$0x0] =	vst.idx.msk $0xffff, v1  }
0x82: {  	v1 =	vld [tilespmem:$0x2F0];
	_ =	sdelay $0x4  }
0x83: {  	[tilespmem:v47+s8+$0x0] =	vst.idx.msk $0xffff, v1  }
0x84: {  	v1 =	vld [tilespmem:$0x300];
	_ =	sdelay $0x4  }
0x85: {  	[tilespmem:v48+s8+$0x0] =	vst.idx.msk $0xffff, v1  }
0x86: {  	v1 =	vld [tilespmem:$0x310];
	_ =	sdelay $0x4  }
0x87: {  	[tilespmem:v49+s8+$0x0] =	vst.idx.msk $0xffff, v1  }
0x88: {  	v1 =	vld [tilespmem:$0x320];
	_ =	sdelay $0x4  }
0x89: {  	[tilespmem:v50+s8+$0x0] =	vst.idx.msk $0xffff, v1  }
0x8a: {  	v1 =	vld [tilespmem:$0x330];
	_ =	sdelay $0x4  }
0x8b: {  	[tilespmem:v51+s8+$0x0] =	vst.idx.msk $0xffff, v1  }
0x8c: {  	v1 =	vld [tilespmem:$0x340];
	_ =	sdelay $0x4  }
0x8d: {  	[tilespmem:v52+s8+$0x0] =	vst.idx.msk $0xffff, v1  }
0x8e: {  	v1 =	vld [tilespmem:$0x350];
	_ =	sdelay $0x4  }
0x8f: {  	[tilespmem:v53+s8+$0x0] =	vst.idx.msk $0xffff, v1  }
0x90: {  	v1 =	vld [tilespmem:$0x360];
	_ =	sdelay $0x4  }
0x91: {  	[tilespmem:v54+s8+$0x0] =	vst.idx.msk $0xffff, v1  }
0x92: {  	v1 =	vld [tilespmem:$0x370];
	_ =	sdelay $0x4  }
0x93: {  	[tilespmem:v55+s8+$0x0] =	vst.idx.msk $0xffff, v1  }
0x94: {  	v1 =	vld [tilespmem:$0x380];
	_ =	sdelay $0x4  }
0x95: {  	[tilespmem:v56+s8+$0x0] =	vst.idx.msk $0xffff, v1  }
0x96: {  	v1 =	vld [tilespmem:$0x390];
	_ =	sdelay $0x4  }
0x97: {  	[tilespmem:v57+s8+$0x0] =	vst.idx.msk $0xffff, v1  }
0x98: {  	v1 =	vld [tilespmem:$0x3A0];
	_ =	sdelay $0x4  }
0x99: {  	[tilespmem:v58+s8+$0x0] =	vst.idx.msk $0xffff, v1  }
0x9a: {  	v1 =	vld [tilespmem:$0x3B0];
	_ =	sdelay $0x4  }
0x9b: {  	[tilespmem:v59+s8+$0x0] =	vst.idx.msk $0xffff, v1  }
0x9c: {  	v1 =	vld [tilespmem:$0x3C0];
	_ =	sdelay $0x4  }
0x9d: {  	[tilespmem:v60+s8+$0x0] =	vst.idx.msk $0xffff, v1  }
0x9e: {  	v1 =	vld [tilespmem:$0x3D0];
	_ =	sdelay $0x4  }
0x9f: {  	[tilespmem:v61+s8+$0x0] =	vst.idx.msk $0xffff, v1  }
0xa0: {  	v1 =	vld [tilespmem:$0x3E0];
	_ =	sdelay $0x4  }
0xa1: {  	[tilespmem:v62+s8+$0x0] =	vst.idx.msk $0xffff, v1  }
0xa2: {  	v1 =	vld [tilespmem:$0x3F0];
	_ =	sdelay $0x4  }
0xa3: {  	[tilespmem:v63+s8+$0x0] =	vst.idx.msk $0xffff, v1  }
0xa4: {  	[tilespmem:s10], [sflag:$0x1] =	stream.indirect.gather [hbm4b:s3+s9], $0x40, s8, s9, $0xb8;
	[tilespmem:$0x10800] =	vst v63  }
0xa5: {  	_ = 	snop  }
0xa6: {  	[tilespmem:s12], [sflag:$0x1] =	stream.indirect.gather [hbm4b:s3+s9], $0x40, s11, s9, $0xb8;
	[tilespmem:$0x10800] =	vst v63  }
0xa7: {  	_ = 	snop  }
0xa8: {  	[tilespmem:s14], [sflag:$0x1] =	stream.indirect.gather [hbm4b:s3+s9], $0x40, s13, s9, $0xb8;
	[tilespmem:$0x10800] =	vst v63  }
0xa9: {  	_ = 	snop  }
0xaa: {  	[tilespmem:s16], [sflag:$0x1] =	stream.indirect.gather [hbm4b:s3+s9], $0x40, s15, s9, $0xb8;
	[tilespmem:$0x10800] =	vst v63  }
0xab: {  	_ = 	snop  }
0xac: {  	[tilespmem:s18], [sflag:$0x1] =	stream.indirect.gather [hbm4b:s3+s9], $0x40, s17, s9, $0xb8;
	[tilespmem:$0x10800] =	vst v63  }
0xad: {  	_ = 	snop  }
0xae: {  	[tilespmem:s20], [sflag:$0x1] =	stream.indirect.gather [hbm4b:s3+s9], $0x40, s19, s9, $0xb8;
	[tilespmem:$0x10800] =	vst v63  }
0xaf: {  	_ = 	snop  }
0xb0: {  	[tilespmem:s22], [sflag:$0x1] =	stream.indirect.gather [hbm4b:s3+s9], $0x40, s21, s9, $0xb8;
	[tilespmem:$0x10800] =	vst v63  }
0xb1: {  	_ = 	snop  }
0xb2: {  	[tilespmem:s24], [sflag:$0x1] =	stream.indirect.gather [hbm4b:s3+s9], $0x40, s23, s9, $0xb8;
	[tilespmem:$0x10800] =	vst v63  }
0xb3: {  	_ =	swait.ge [sflag:s25], $0x2000  }
0xb4: {  	[sflag:s25] =	ssyncset.done $0x0  }
0xb5: {  	[sflag:s25] =	ssyncadd.s32 $0xFFFFE000  }
0xb6: {  	_ =	swait.ge [sflag:s25], $0x2000  }
0xb7: {  	[sflag:s25] =	ssyncset.done $0x0  }
0xb8: {  	[sflag:s25] =	ssyncadd.s32 $0xFFFFE000  }
0xb9: {  	_ =	swait.ge [sflag:s25], $0x2000  }
0xba: {  	[sflag:s25] =	ssyncset.done $0x0  }
0xbb: {  	[sflag:s25] =	ssyncadd.s32 $0xFFFFE000  }
0xbc: {  	_ =	swait.ge [sflag:s25], $0x2000  }
0xbd: {  	[sflag:s25] =	ssyncset.done $0x0  }
0xbe: {  	[sflag:s25] =	ssyncadd.s32 $0xFFFFE000  }
0xbf: {  	_ =	swait.ge [sflag:s25], $0x2000  }
0xc0: {  	[sflag:s25] =	ssyncset.done $0x0  }
0xc1: {  	[sflag:s25] =	ssyncadd.s32 $0xFFFFE000  }
0xc2: {  	_ =	swait.ge [sflag:s25], $0x2000  }
0xc3: {  	[sflag:s25] =	ssyncset.done $0x0  }
0xc4: {  	[sflag:s25] =	ssyncadd.s32 $0xFFFFE000  }
0xc5: {  	_ =	swait.ge [sflag:s25], $0x2000  }
0xc6: {  	[sflag:s25] =	ssyncset.done $0x0  }
0xc7: {  	[sflag:s25] =	ssyncadd.s32 $0xFFFFE000  }
0xc8: {  	_ =	swait.ge [sflag:s25], $0x2000  }
0xc9: {  	p0 =	sne.s32 s6, $0x1;
	[sflag:s25] =	ssyncset.done $0x0  }
.Ltmp1:
0xca: {  	[sflag:s25] =	ssyncadd.s32 $0xFFFFE000;
	(pc) =	sbr.rel @p0 .LBB2_2-.Ltmp1, $4  }
0xcb: {  	[hbm4b:s4+s2] =	stream.linear.scatter [tilespmem:s10], [sflag:$0x2], $0x10000, $0x38;
	[tilespmem:$0x10800] =	vst v63  }
0xcc: {  	_ =	swait.ge [sflag:s7], $0x10000  }
0xcd: {  	[sflag:s7] =	ssyncset.done $0x0  }
0xce: {  	s6 =	sadd.s32 $0xFFFFFFFF, s6;
	[sflag:s7] =	ssyncadd.s32 $0xFFFF0000  }
.LBB2_3:
0xcf: {  	_ =	sfence.sel $0x180000  }
0xd0: {  	[bflag:$0x0] =	sbarrier.arrive $0xFFFF  }
0xd1: {  	p0 =	sne.s32 s1, $0x0;
	_ =	strace $0x9000004A  }
0xd2: {  	s0 =	sadd.s32 @!p0 $0x100000, s0;
	[bflag:$0x2] =	sbarrier.arrive $0xFFFF  }
0xd3: {  	[sflag:s0] =	ssyncadd.tile.s32 @!p0 $0x1;
	_ =	shalt  }
.Lfunc_end2:
_tile_overlayer_lowered:
.L_overlay_start_2:
0xd4: {  	(tag) =	ssettag $0x2  }
0xd5: {  	s0 =	rddreg [dreg:$0x0];
	s2 =	stileid.u32  }
0xd6: {  	s1 =	rddreg [dreg:$0x1];
	p0 =	sne.s32 s2, $0x0  }
0xd7: {  	s3 =	rddreg [dreg:$0x2];
	[bflag:$0x3] =	sbarrier.arrive $0xFFFF;
	s2 =	simm.s32 @!p0 $0x1C02  }
0xd8: {  	[timem:s3], [sflag:s2] =	dma.local @!p0 [hbm:s0], s1  }
0xd9: {  	s0 =	simm.s32 @!p0 $0x2  }
0xda: {  	_ =	swait.ge @!p0 [sflag:s0], s1  }
0xdb: {  	s1 =	ssub.s32 @!p0 $0x0, s1;
	[sflag:s0] =	ssyncset.done @!p0 $0x0  }
0xdc: {  	[sflag:s0] =	ssyncadd.s32 @!p0 s1  }
0xdd: {  	[bflag:$0x3] =	sbarrier.arrive $0xFFFF  }
0xde: {  	_ =	shalt  }

</sc_bundles>
